<compile_context>
chip_gen: v7x
topology: tpu7x:2x2x1
jax: 0.10.2.dev20260603
libtpu: 0.0.44.dev20260713+nightly
codegen_flags: <defaults>
</compile_context>

<pallas_src>
import functools

import jax
import jax.numpy as jnp
from jax import lax
from jax.experimental import pallas as pl
from jax.experimental.pallas import tpu as pltpu
from jax.experimental.pallas import tpu_sc as plsc

BB = 4
NN = 10000
EE = 160000
DD = 128

NC = 2
NS = 16
LANES = 16

NPAD = 10240
CK = 128
NCH = 80
HB = NCH // 2
EPT = NCH * CK
ROWS_PT = NPAD // NS
WCK = 128
NQ = ROWS_PT // WCK
TH = NCH // NC

_mesh = plsc.VectorSubcoreMesh(core_axis_name="c", subcore_axis_name="s")


@functools.partial(
    pl.kernel,
    out_type=jax.ShapeDtypeStruct((NC, NPAD), jnp.float32),
    mesh=_mesh,
    scratch_types=[
        pltpu.VMEM((TH, CK), jnp.int32),
        pltpu.VMEM((CK,), jnp.float32),
        pltpu.VMEM((ROWS_PT,), jnp.float32),
        pltpu.VMEM_SHARED((NPAD,), jnp.float32),
    ],
)
def _k1_deg(dst3, deg_out, dst2, ones, zbuf, deg_sh):
    c = lax.axis_index("c")
    s = lax.axis_index("s")
    row0 = s * ROWS_PT

    def zb(i, _):
        zbuf[pl.ds(i * LANES, LANES)] = jnp.zeros((LANES,), jnp.float32)
        return 0
    lax.fori_loop(0, ROWS_PT // LANES, zb, 0)
    pltpu.sync_copy(zbuf, deg_sh.at[pl.ds(row0, ROWS_PT)])
    pltpu.sync_copy(dst3.at[s, pl.ds(c * TH, TH)], dst2)
    def vb(i, _):
        ones[pl.ds(i * LANES, LANES)] = jnp.ones((LANES,), jnp.float32)
        return 0
    lax.fori_loop(0, CK // LANES, vb, 0)
    plsc.subcore_barrier()

    def body(j, _):
        pltpu.sync_copy(ones, deg_sh.at[dst2.at[j]], add=True)
        return 0
    lax.fori_loop(0, TH, body, 0)
    plsc.subcore_barrier()

    pltpu.sync_copy(deg_sh.at[pl.ds(row0, ROWS_PT)],
                    deg_out.at[c].at[pl.ds(row0, ROWS_PT)])


_TCB = 1024
_NTB = NPAD // _TCB


def _k2_body(x_ref, w_ref, deg0_ref, deg1_ref, y_ref, dinv_ref):
    xb = x_ref[0]
    dinv = lax.rsqrt(deg0_ref[0, 0] + deg1_ref[0, 0] + 1.0)
    dinv_ref[0, 0] = dinv
    xw = jnp.dot(xb, w_ref[...], preferred_element_type=jnp.float32)
    y_ref[0] = xw * dinv[:, None]


def _k2_y(xpad, W1, deg0, deg1):
    return pl.pallas_call(
        _k2_body,
        out_shape=(
            jax.ShapeDtypeStruct((BB, NPAD, DD), jnp.float32),
            jax.ShapeDtypeStruct((_NTB, 1, _TCB), jnp.float32),
        ),
        grid=(BB, _NTB),
        in_specs=[
            pl.BlockSpec((1, _TCB, DD), lambda b, i: (b, i, 0)),
            pl.BlockSpec((DD, DD), lambda b, i: (0, 0)),
            pl.BlockSpec((1, 1, _TCB), lambda b, i: (i, 0, 0)),
            pl.BlockSpec((1, 1, _TCB), lambda b, i: (i, 0, 0)),
        ],
        out_specs=(
            pl.BlockSpec((1, _TCB, DD), lambda b, i: (b, i, 0)),
            pl.BlockSpec((1, 1, _TCB), lambda b, i: (i, 0, 0)),
        ),
    )(xpad, W1, deg0, deg1)


@functools.partial(
    pl.kernel,
    out_type=(
        jax.ShapeDtypeStruct((BB, NPAD, DD), jnp.float32),
        jax.ShapeDtypeStruct((NC, NPAD), jnp.float32),
    ),
    mesh=_mesh,
    scratch_types=[
        pltpu.VMEM((HB, CK), jnp.int32),
        pltpu.VMEM((HB, CK), jnp.int32),
        pltpu.VMEM((CK,), jnp.float32),
        pltpu.VMEM((CK,), jnp.float32),
        pltpu.VMEM((1, CK), jnp.int32),
        pltpu.VMEM((1, CK), jnp.int32),
        pltpu.VMEM((ROWS_PT,), jnp.float32),
        pltpu.VMEM((CK, DD), jnp.float32),
        pltpu.VMEM((CK, DD), jnp.float32),
        pltpu.VMEM_SHARED((NPAD, DD), jnp.float32),
        pltpu.VMEM_SHARED((NPAD,), jnp.float32),
        pltpu.SemaphoreType.DMA,
        pltpu.SemaphoreType.DMA,
        pltpu.SemaphoreType.DMA,
        pltpu.SemaphoreType.DMA,
        pltpu.SemaphoreType.DMA,
        pltpu.SemaphoreType.DMA,
        pltpu.SemaphoreType.DMA,
        pltpu.SemaphoreType.DMA,
    ],
)
def _k3_scatter(y2, srcg, dst3, src3, dinv_h, s_out, t_out,
                src2, dst2, val0, val1, ti0, ti1, zb1, gbuf0, gbuf1,
                agg_sh, t_sh, gs0, gs1, ss0, ss1, tg0, tg1, ts0, ts1):
    c = lax.axis_index("c")
    s = lax.axis_index("s")
    row0 = s * ROWS_PT

    def zb1f(i, _):
        zb1[pl.ds(i * LANES, LANES)] = jnp.zeros((LANES,), jnp.float32)
        return 0
    lax.fori_loop(0, ROWS_PT // LANES, zb1f, 0)
    pltpu.sync_copy(zb1, t_sh.at[pl.ds(row0, ROWS_PT)])

    def zero_gbuf0():
        def zb(i, _):
            r = i // (DD // LANES)
            u = i % (DD // LANES)
            gbuf0[r, pl.ds(u * LANES, LANES)] = jnp.zeros((LANES,), jnp.float32)
            return 0
        lax.fori_loop(0, CK * (DD // LANES), zb, 0)

    for b_i in range(BB // NC):
        b = c * (BB // NC) + b_i
        boff = b * NPAD
        fuse_t = b_i == 0
        if b_i == 0:
            zero_gbuf0()
            for q in range(NQ):
                pltpu.async_copy(gbuf0.at[pl.ds(0, WCK)],
                                 agg_sh.at[pl.ds(row0 + q * WCK, WCK)], gs0)
            for q in range(NQ):
                pltpu.make_async_copy(gbuf0.at[pl.ds(0, WCK)],
                                      agg_sh.at[pl.ds(row0 + q * WCK, WCK)],
                                      gs0).wait()

        plsc.subcore_barrier()

        for h in range(2):
            pltpu.sync_copy(srcg.at[b, s, pl.ds(h * HB, HB)], src2)
            pltpu.sync_copy(dst3.at[s, pl.ds(h * HB, HB)], dst2)
            pltpu.async_copy(y2.at[src2.at[0]], gbuf0, gs0)
            t_on = fuse_t

            def loc_idx(j, out_ref):
                def li(u, _):
                    out_ref[0, pl.ds(u * LANES, LANES)] = (
                        src2[j, pl.ds(u * LANES, LANES)] - boff)
                    return 0
                lax.fori_loop(0, CK // LANES, li, 0)

            if t_on:
                @pl.when(c == h)
                def _tprime():
                    pltpu.async_copy(dinv_h.at[dst2.at[0]], val0, tg0)

            def body(m, _):
                j = 2 * m
                pltpu.make_async_copy(y2.at[src2.at[j]], gbuf0, gs0).wait()
                @pl.when(m > 0)
                def _ws1():
                    pltpu.make_async_copy(gbuf1, agg_sh.at[dst2.at[j - 1]], ss1).wait()
                pltpu.async_copy(y2.at[src2.at[j + 1]], gbuf1, gs1)
                pltpu.async_copy(gbuf0, agg_sh.at[dst2.at[j]], ss0, add=True)
                if t_on:
                    @pl.when(c == h)
                    def _t_a():
                        pltpu.make_async_copy(dinv_h.at[dst2.at[j]], val0, tg0).wait()
                        @pl.when(m > 0)
                        def _wt1():
                            pltpu.make_async_copy(val1, t_sh.at[ti1.at[0]], ts1).wait()
                        pltpu.async_copy(dinv_h.at[dst2.at[j + 1]], val1, tg1)
                        loc_idx(j, ti0)
                        pltpu.async_copy(val0, t_sh.at[ti0.at[0]], ts0, add=True)
                pltpu.make_async_copy(y2.at[src2.at[j + 1]], gbuf1, gs1).wait()
                pltpu.make_async_copy(gbuf0, agg_sh.at[dst2.at[j]], ss0).wait()
                @pl.when(j + 2 < HB)
                def _g0():
                    pltpu.async_copy(y2.at[src2.at[j + 2]], gbuf0, gs0)
                pltpu.async_copy(gbuf1, agg_sh.at[dst2.at[j + 1]], ss1, add=True)
                if t_on:
                    @pl.when(c == h)
                    def _t_b():
                        pltpu.make_async_copy(dinv_h.at[dst2.at[j + 1]], val1, tg1).wait()
                        pltpu.make_async_copy(val0, t_sh.at[ti0.at[0]], ts0).wait()
                        @pl.when(j + 2 < HB)
                        def _tg0():
                            pltpu.async_copy(dinv_h.at[dst2.at[j + 2]], val0, tg0)
                        loc_idx(j + 1, ti1)
                        pltpu.async_copy(val1, t_sh.at[ti1.at[0]], ts1, add=True)
                return 0
            lax.fori_loop(0, HB // 2, body, 0)
            pltpu.make_async_copy(gbuf1, agg_sh.at[dst2.at[HB - 1]], ss1).wait()
            if t_on:
                @pl.when(c == h)
                def _tdrain():
                    pltpu.make_async_copy(val1, t_sh.at[ti1.at[0]], ts1).wait()

        plsc.subcore_barrier()

        for q in range(NQ):
            r = row0 + q * WCK
            pltpu.async_copy(agg_sh.at[pl.ds(r, WCK)],
                             s_out.at[b].at[pl.ds(r, WCK)], gs0)
        if fuse_t:
            pltpu.sync_copy(t_sh.at[pl.ds(row0, ROWS_PT)],
                            t_out.at[c].at[pl.ds(row0, ROWS_PT)])
        last = b_i == BB // NC - 1
        if not last:
            zero_gbuf0()
        for q in range(NQ):
            r = row0 + q * WCK
            pltpu.make_async_copy(agg_sh.at[pl.ds(r, WCK)],
                                  s_out.at[b].at[pl.ds(r, WCK)], gs0).wait()
            if not last:
                pltpu.async_copy(gbuf0.at[pl.ds(0, WCK)],
                                 agg_sh.at[pl.ds(r, WCK)], gs1)
        if not last:
            for q in range(NQ):
                r = row0 + q * WCK
                pltpu.make_async_copy(gbuf0.at[pl.ds(0, WCK)],
                                      agg_sh.at[pl.ds(r, WCK)], gs1).wait()


def _k4_body(s_ref, y_ref, dinv_ref, t0_ref, t1_ref, b1_ref, w2_ref, b2_ref,
             out_ref, acc_ref):
    i = pl.program_id(0)

    @pl.when(i == 0)
    def _init():
        acc_ref[...] = jnp.zeros_like(acc_ref)

    dinv = dinv_ref[0, 0]
    cb = dinv * (dinv + t0_ref[0, 0] + t1_ref[0, 0])
    rows = i * _TCB + lax.broadcasted_iota(jnp.int32, (_TCB,), 0)
    cb = jnp.where(rows < NN, cb, 0.0)
    h = (s_ref[...] + y_ref[...]) * dinv[None, :, None] + b1_ref[0][None, None, :]
    h = jnp.maximum(h, 0.0)
    acc_ref[...] += jnp.sum(h * cb[None, :, None], axis=1)

    @pl.when(i == _NTB - 1)
    def _fin():
        out_ref[...] = (
            jnp.dot(acc_ref[...] * (1.0 / NN), w2_ref[...],
                    preferred_element_type=jnp.float32)
            + b2_ref[...]
        )


def _k4_reduce(S, y3, dinv2, t0, t1, b1r, W2, b2r):
    return pl.pallas_call(
        _k4_body,
        out_shape=jax.ShapeDtypeStruct((BB, DD), jnp.float32),
        grid=(_NTB,),
        in_specs=[
            pl.BlockSpec((BB, _TCB, DD), lambda i: (0, i, 0)),
            pl.BlockSpec((BB, _TCB, DD), lambda i: (0, i, 0)),
            pl.BlockSpec((1, 1, _TCB), lambda i: (i, 0, 0)),
            pl.BlockSpec((1, 1, _TCB), lambda i: (i, 0, 0)),
            pl.BlockSpec((1, 1, _TCB), lambda i: (i, 0, 0)),
            pl.BlockSpec((1, DD), lambda i: (0, 0)),
            pl.BlockSpec((DD, DD), lambda i: (0, 0)),
            pl.BlockSpec((1, DD), lambda i: (0, 0)),
        ],
        out_specs=pl.BlockSpec((BB, DD), lambda i: (0, 0)),
        scratch_shapes=[pltpu.VMEM((BB, DD), jnp.float32)],
    )(S, y3, dinv2, t0, t1, b1r, W2, b2r)


def kernel(gene_emb, edge_index, W1, b1, W2, b2):
    src = edge_index[0].astype(jnp.int32)
    dst = edge_index[1].astype(jnp.int32)
    dummy = NPAD - 1
    ept_real = EE // NS

    src_t = jnp.pad(src.reshape(NS, ept_real), ((0, 0), (0, EPT - ept_real)),
                    constant_values=dummy)
    dst_t = jnp.pad(dst.reshape(NS, ept_real), ((0, 0), (0, EPT - ept_real)),
                    constant_values=dummy)
    src3 = src_t.reshape(NS, NCH, CK)
    dst3 = dst_t.reshape(NS, NCH, CK)
    offs = (jnp.arange(BB, dtype=jnp.int32) * NPAD)[:, None, None]
    srcg = (src_t[None] + offs).reshape(BB, NS, NCH, CK)

    deg = _k1_deg(dst3)
    deg0 = deg[0].reshape(_NTB, 1, _TCB)
    deg1 = deg[1].reshape(_NTB, 1, _TCB)

    xpad = jnp.pad(gene_emb, ((0, 0), (0, NPAD - NN), (0, 0)))
    y3, dinv2 = _k2_y(xpad, W1, deg0, deg1)
    dinv = dinv2.reshape(NPAD)

    S, t = _k3_scatter(y3.reshape(BB * NPAD, DD), srcg, dst3, src3, dinv)
    t0 = t[0].reshape(_NTB, 1, _TCB)
    t1 = t[1].reshape(_NTB, 1, _TCB)

    out = _k4_reduce(S, y3, dinv2, t0, t1, b1.reshape(1, DD), W2,
                     b2.reshape(1, DD))
    return out

# --- scband reference (transcript-rebuilt; emitter-appended) ---
"""Pipeline reference for scband-pathway-graph-embedding-61856118997221 (READ-ONLY COPY).

The authoritative reference and input builder live on the scoring server;
editing this copy changes nothing except your own understanding.
"""

import jax, jax.numpy as jnp
import numpy as np

B = 4
N = 10000
E = 160000
D_IN = 128
D_H = 128


def setup_inputs(seed: int = 0) -> dict:
    key = jax.random.key(seed)
    k1, k2, k3, k4, k5, k6 = jax.random.split(key, 6)
    gene_emb = jax.random.normal(k1, (B, N, D_IN), dtype=jnp.float32)
    edge_index = jax.random.randint(k2, (2, E), 0, N, dtype=jnp.int32)
    W1 = jax.random.normal(k3, (D_IN, D_H), dtype=jnp.float32) * (1.0 / np.sqrt(D_IN))
    b1 = jnp.zeros((D_H,), dtype=jnp.float32)
    W2 = jax.random.normal(k4, (D_H, D_H), dtype=jnp.float32) * (1.0 / np.sqrt(D_H))
    b2 = jnp.zeros((D_H,), dtype=jnp.float32)
    return {"gene_emb": gene_emb, "edge_index": edge_index, "W1": W1, "b1": b1, "W2": W2, "b2": b2}


def _gcn_conv(x, src, dst, W, b, n):
    # PyG GCNConv: x' = D^{-1/2} (A + I) D^{-1/2} (X W) + b, self-loops added
    xw = x @ W
    loop = jnp.arange(n, dtype=src.dtype)
    src_sl = jnp.concatenate([src, loop])
    dst_sl = jnp.concatenate([dst, loop])
    deg = jnp.zeros((n,), dtype=x.dtype).at[dst_sl].add(1.0)
    dinv = jnp.where(deg > 0, deg ** -0.5, 0.0)
    norm = dinv[src_sl] * dinv[dst_sl]
    msgs = xw[src_sl] * norm[:, None]
    out = jnp.zeros((n, W.shape[1]), dtype=x.dtype).at[dst_sl].add(msgs)
    return out + b


def reference(gene_emb, edge_index, W1, b1, W2, b2):
    # Replicate the single pathway graph B times with node-index offsets
    n_total = B * N
    offsets = (jnp.arange(B, dtype=edge_index.dtype) * N)
    src = (edge_index[0][None, :] + offsets[:, None]).reshape(-1)
    dst = (edge_index[1][None, :] + offsets[:, None]).reshape(-1)
    # batched_graph.x = gene_emb.view(-1, d)
    x = gene_emb.reshape(-1, gene_emb.shape[-1])
    h = jax.nn.relu(_gcn_conv(x, src, dst, W1, b1, n_total))
    h = _gcn_conv(h, src, dst, W2, b2, n_total)
    # global_mean_pool over batch assignment (equal-sized graphs -> reshape mean)
    graph_embeddings = h.reshape(B, N, -1).mean(axis=1)
    return graph_embeddings

if __name__ == "__main__":
    import jax
    _d = setup_inputs()
    print(jax.jit(kernel)(*tuple(_d.values())))

</pallas_src>

<mosaic_0001>
#map = affine_map<(d0, d1) -> (0, 0)>
#map1 = affine_map<(d0, d1) -> (0, 0, 0, 0)>
#map2 = affine_map<(d0, d1) -> (0, 0, 0)>
#map3 = affine_map<(d0, d1) -> (0)>
module attributes {stable_mosaic.version = 14 : i64} {
  func.func @_k3_scatter(%arg0: i32, %arg1: i32, %arg2: memref<40960x128xf32, #tpu.memory_space<hbm>>, %arg3: memref<4x16x80x128xi32, #tpu.memory_space<hbm>>, %arg4: memref<16x80x128xi32, #tpu.memory_space<hbm>>, %arg5: memref<16x80x128xi32, #tpu.memory_space<hbm>>, %arg6: memref<10240xf32, #tpu.memory_space<hbm>>, %arg7: memref<4x10240x128xf32, #tpu.memory_space<hbm>>, %arg8: memref<2x10240xf32, #tpu.memory_space<hbm>>, %arg9: memref<40x128xi32, #tpu.memory_space<vmem>>, %arg10: memref<40x128xi32, #tpu.memory_space<vmem>>, %arg11: memref<128xf32, #tpu.memory_space<vmem>>, %arg12: memref<128xf32, #tpu.memory_space<vmem>>, %arg13: memref<1x128xi32, #tpu.memory_space<vmem>>, %arg14: memref<1x128xi32, #tpu.memory_space<vmem>>, %arg15: memref<640xf32, #tpu.memory_space<vmem>>, %arg16: memref<128x128xf32, #tpu.memory_space<vmem>>, %arg17: memref<128x128xf32, #tpu.memory_space<vmem>>, %arg18: memref<10240x128xf32, #tpu.memory_space<vmem_shared>>, %arg19: memref<10240xf32, #tpu.memory_space<vmem_shared>>, %arg20: memref<!tpu.dma_semaphore, #tpu.memory_space<semaphore_mem>>, %arg21: memref<!tpu.dma_semaphore, #tpu.memory_space<semaphore_mem>>, %arg22: memref<!tpu.dma_semaphore, #tpu.memory_space<semaphore_mem>>, %arg23: memref<!tpu.dma_semaphore, #tpu.memory_space<semaphore_mem>>, %arg24: memref<!tpu.dma_semaphore, #tpu.memory_space<semaphore_mem>>, %arg25: memref<!tpu.dma_semaphore, #tpu.memory_space<semaphore_mem>>, %arg26: memref<!tpu.dma_semaphore, #tpu.memory_space<semaphore_mem>>, %arg27: memref<!tpu.dma_semaphore, #tpu.memory_space<semaphore_mem>>) attributes {dimension_semantics = [#tpu.dimension_semantics<core_parallel>, #tpu.dimension_semantics<subcore_parallel>], iteration_bounds = array<i64: 2, 16>, scalar_prefetch = 0 : i64, scratch_operands = 19 : i64, tpu.core_type = #tpu.core_type<sc_vector_subcore>, window_params = [{transform_indices = #map}, {transform_indices = #map1}, {transform_indices = #map2}, {transform_indices = #map2}, {transform_indices = #map3}, {transform_indices = #map2}, {transform_indices = #map}]} {
    %mul3A = arith.constant 640 : i32
    %mul3A_0 = arith.muli %arg1, %mul3A : i32
    %scan3A = arith.constant 0 : i32
    %scan3A_1 = arith.constant 0 : i32
    %scan3A_2 = arith.constant 40 : i32
    %scan3A_3 = arith.addi %scan3A_1, %scan3A_2 : i32
    %scan3A_4 = arith.constant 1 : i32
    %scan3A_5 = scf.for %scan3A_564 = %scan3A_1 to %scan3A_3 step %scan3A_4 iter_args(%scan3A_565 = %scan3A) -> (i32)  : i32 {
      %broadcast_in_dim3A = arith.constant 0.000000e+00 : f32
      %broadcast_in_dim3A_566 = vector.broadcast %broadcast_in_dim3A : f32 to vector<16xf32>
      %mul3A_567 = arith.constant 16 : i32
      %mul3A_568 = arith.muli %scan3A_564, %mul3A_567 : i32
      %swap3A = arith.index_cast %mul3A_568 : i32 to index
      %swap3A_569 = tpu.vector_load %arg15[%swap3A] {strides = array<i32>} : memref<640xf32, #tpu.memory_space<vmem>>, vector<16xf32>,
      %swap3A_570 = vector.shape_cast %swap3A_569 : vector<16xf32> to vector<16xf32>
      %swap3A_571 = vector.shape_cast %broadcast_in_dim3A_566 : vector<16xf32> to vector<16xf32>
      tpu.vector_store %arg15[%swap3A], %swap3A_571 {strides = array<i32>} : memref<640xf32, #tpu.memory_space<vmem>>, vector<16xf32>,
      %scan3A_572 = arith.constant 0 : i32
      scf.yield %scan3A_572 : i32
    }
    %scan3A_6 = arith.constant 40 : i32
    "tpu.region"() ({
      %run_scoped3A = tpu.sem_alloc : memref<!tpu.dma_semaphore, #tpu.memory_space<semaphore_mem>>
      %dma_start3A_564 = tpu.memref_slice %arg19[%mul3A_0] : memref<10240xf32, #tpu.memory_space<vmem_shared>> -> memref<640xf32, #tpu.memory_space<vmem_shared>>
      %dma_start3A_565 = tpu.memref_slice %arg19[%mul3A_0] : memref<10240xf32, #tpu.memory_space<vmem_shared>> -> memref<640xf32, #tpu.memory_space<vmem_shared>>
      tpu.enqueue_dma source(%arg15 : memref<640xf32, #tpu.memory_space<vmem>>) target(%dma_start3A_565 : memref<640xf32, #tpu.memory_space<vmem_shared>>) target_semaphore(%run_scoped3A : memref<!tpu.dma_semaphore, #tpu.memory_space<semaphore_mem>>)
      %dma_wait3A_566 = tpu.memref_slice %arg19[%mul3A_0] : memref<10240xf32, #tpu.memory_space<vmem_shared>> -> memref<640xf32, #tpu.memory_space<vmem_shared>>
      %dma_wait3A_567 = tpu.memref_slice %arg19[%mul3A_0] : memref<10240xf32, #tpu.memory_space<vmem_shared>> -> memref<640xf32, #tpu.memory_space<vmem_shared>>
      tpu.wait_dma2 semaphore(%run_scoped3A : memref<!tpu.dma_semaphore, #tpu.memory_space<semaphore_mem>>) src(%arg15 : memref<640xf32, #tpu.memory_space<vmem>>) dst(%dma_wait3A_567 : memref<640xf32, #tpu.memory_space<vmem_shared>>)
      tpu.yield
    }) : () -> ()
    %mul3A_7 = arith.constant 2 : i32
    %mul3A_8 = arith.muli %arg0, %mul3A_7 : i32
    %add3A = arith.constant 0 : i32
    %add3A_9 = arith.addi %mul3A_8, %add3A : i32
    %mul3A_10 = arith.constant 10240 : i32
    %mul3A_11 = arith.muli %add3A_9, %mul3A_10 : i32
    %scan3A_12 = arith.constant 0 : i32
    %scan3A_13 = arith.constant 0 : i32
    %scan3A_14 = arith.constant 1024 : i32
    %scan3A_15 = arith.addi %scan3A_13, %scan3A_14 : i32
    %scan3A_16 = arith.constant 1 : i32
    %scan3A_17 = scf.for %scan3A_564 = %scan3A_13 to %scan3A_15 step %scan3A_16 iter_args(%scan3A_565 = %scan3A_12) -> (i32)  : i32 {
      %jit3A = arith.constant 8 : i32
      %div3A = arith.divsi %scan3A_564, %jit3A : i32
      %sign3A = arith.constant 0 : i32
      %sign3A_566 = arith.cmpi sgt, %scan3A_564, %sign3A : i32
      %sign3A_567 = arith.extui %sign3A_566 : i1 to i32
      %sign3A_568 = arith.constant 0 : i32
      %sign3A_569 = arith.cmpi slt, %scan3A_564, %sign3A_568 : i32
      %sign3A_570 = arith.extui %sign3A_569 : i1 to i32
      %sign3A_571 = arith.subi %sign3A_567, %sign3A_570 : i32
      %sign3A_572 = arith.constant 0 : i32
      %sign3A_573 = arith.cmpi sgt, %jit3A, %sign3A_572 : i32
      %sign3A_574 = arith.extui %sign3A_573 : i1 to i32
      %sign3A_575 = arith.constant 0 : i32
      %sign3A_576 = arith.cmpi slt, %jit3A, %sign3A_575 : i32
      %sign3A_577 = arith.extui %sign3A_576 : i1 to i32
      %sign3A_578 = arith.subi %sign3A_574, %sign3A_577 : i32
      %ne3A = arith.cmpi ne, %sign3A_571, %sign3A_578 : i32
      %rem3A = arith.remsi %scan3A_564, %jit3A : i32
      %ne3A_579 = arith.constant 0 : i32
      %ne3A_580 = arith.cmpi ne, %rem3A, %ne3A_579 : i32
      %and3A = arith.andi %ne3A, %ne3A_580 : i1
      %sub3A = arith.constant 1 : i32
      %sub3A_581 = arith.subi %div3A, %sub3A : i32
      %select_n3A = arith.select %and3A, %sub3A_581, %div3A : i32
      %jit3A_582 = arith.constant 8 : i32
      %eq3A_583 = arith.constant 0 : i32
      %eq3A_584 = arith.cmpi eq, %jit3A_582, %eq3A_583 : i32
      %jit3A_585 = arith.constant 1 : i32
      %select_n3A_586 = arith.select %eq3A_584, %jit3A_585, %jit3A_582 : i32
      %rem3A_587 = arith.remsi %scan3A_564, %select_n3A_586 : i32
      %ne3A_588 = arith.constant 0 : i32
      %ne3A_589 = arith.cmpi ne, %rem3A_587, %ne3A_588 : i32
      %lt3A = arith.constant 0 : i32
      %lt3A_590 = arith.cmpi slt, %rem3A_587, %lt3A : i32
      %lt3A_591 = arith.constant 0 : i32
      %lt3A_592 = arith.cmpi slt, %select_n3A_586, %lt3A_591 : i32
      %ne3A_593 = arith.xori %lt3A_590, %lt3A_592 : i1
      %and3A_594 = arith.andi %ne3A_593, %ne3A_589 : i1
      %add3A_595 = arith.addi %rem3A_587, %select_n3A_586 : i32
      %select_n3A_596 = arith.select %and3A_594, %add3A_595, %rem3A_587 : i32
      %broadcast_in_dim3A = arith.constant 0.000000e+00 : f32
      %broadcast_in_dim3A_597 = vector.broadcast %broadcast_in_dim3A : f32 to vector<16xf32>
      %mul3A_598 = arith.constant 16 : i32
      %mul3A_599 = arith.muli %select_n3A_596, %mul3A_598 : i32
      %swap3A = arith.index_cast %select_n3A : i32 to index
      %swap3A_600 = arith.index_cast %mul3A_599 : i32 to index
      %swap3A_601 = tpu.vector_load %arg16[%swap3A, %swap3A_600] {strides = array<i32>} : memref<128x128xf32, #tpu.memory_space<vmem>>, vector<1x16xf32>,
      %swap3A_602 = vector.shape_cast %swap3A_601 : vector<1x16xf32> to vector<16xf32>
      %swap3A_603 = vector.shape_cast %broadcast_in_dim3A_597 : vector<16xf32> to vector<1x16xf32>
      tpu.vector_store %arg16[%swap3A, %swap3A_600], %swap3A_603 {strides = array<i32>} : memref<128x128xf32, #tpu.memory_space<vmem>>, vector<1x16xf32>,
      %scan3A_604 = arith.constant 0 : i32
      scf.yield %scan3A_604 : i32
    }
    %scan3A_18 = arith.constant 1024 : i32
    %add3A_19 = arith.constant 0 : i32
    %add3A_20 = arith.addi %mul3A_0, %add3A_19 : i32
    %dma_start3A = arith.constant 0 : i32
    %dma_start3A_21 = arith.constant 0 : i32
    %dma_start3A_22 = tpu.memref_slice %arg16[%dma_start3A, %dma_start3A_21] : memref<128x128xf32, #tpu.memory_space<vmem>> -> memref<128x128xf32, #tpu.memory_space<vmem>>
    %dma_start3A_23 = arith.constant 0 : i32
    %dma_start3A_24 = tpu.memref_slice %arg18[%add3A_20, %dma_start3A_23] : memref<10240x128xf32, #tpu.memory_space<vmem_shared>> -> memref<128x128xf32, #tpu.memory_space<vmem_shared>>
    %dma_start3A_25 = arith.constant 0 : i32
    %dma_start3A_26 = tpu.memref_slice %arg18[%add3A_20, %dma_start3A_25] : memref<10240x128xf32, #tpu.memory_space<vmem_shared>> -> memref<128x128xf32, #tpu.memory_space<vmem_shared>>
    %dma_start3A_27 = arith.constant 0 : i32
    %dma_start3A_28 = arith.constant 0 : i32
    %dma_start3A_29 = tpu.memref_slice %arg16[%dma_start3A_27, %dma_start3A_28] : memref<128x128xf32, #tpu.memory_space<vmem>> -> memref<128x128xf32, #tpu.memory_space<vmem>>
    tpu.enqueue_dma source(%dma_start3A_29 : memref<128x128xf32, #tpu.memory_space<vmem>>) target(%dma_start3A_26 : memref<128x128xf32, #tpu.memory_space<vmem_shared>>) target_semaphore(%arg20 : memref<!tpu.dma_semaphore, #tpu.memory_space<semaphore_mem>>)
    %add3A_30 = arith.constant 128 : i32
    %add3A_31 = arith.addi %mul3A_0, %add3A_30 : i32
    %dma_start3A_32 = arith.constant 0 : i32
    %dma_start3A_33 = arith.constant 0 : i32
    %dma_start3A_34 = tpu.memref_slice %arg16[%dma_start3A_32, %dma_start3A_33] : memref<128x128xf32, #tpu.memory_space<vmem>> -> memref<128x128xf32, #tpu.memory_space<vmem>>
    %dma_start3A_35 = arith.constant 0 : i32
    %dma_start3A_36 = tpu.memref_slice %arg18[%add3A_31, %dma_start3A_35] : memref<10240x128xf32, #tpu.memory_space<vmem_shared>> -> memref<128x128xf32, #tpu.memory_space<vmem_shared>>
    %dma_start3A_37 = arith.constant 0 : i32
    %dma_start3A_38 = tpu.memref_slice %arg18[%add3A_31, %dma_start3A_37] : memref<10240x128xf32, #tpu.memory_space<vmem_shared>> -> memref<128x128xf32, #tpu.memory_space<vmem_shared>>
    %dma_start3A_39 = arith.constant 0 : i32
    %dma_start3A_40 = arith.constant 0 : i32
    %dma_start3A_41 = tpu.memref_slice %arg16[%dma_start3A_39, %dma_start3A_40] : memref<128x128xf32, #tpu.memory_space<vmem>> -> memref<128x128xf32, #tpu.memory_space<vmem>>
    tpu.enqueue_dma source(%dma_start3A_41 : memref<128x128xf32, #tpu.memory_space<vmem>>) target(%dma_start3A_38 : memref<128x128xf32, #tpu.memory_space<vmem_shared>>) target_semaphore(%arg20 : memref<!tpu.dma_semaphore, #tpu.memory_space<semaphore_mem>>)
    %add3A_42 = arith.constant 256 : i32
    %add3A_43 = arith.addi %mul3A_0, %add3A_42 : i32
    %dma_start3A_44 = arith.constant 0 : i32
    %dma_start3A_45 = arith.constant 0 : i32
    %dma_start3A_46 = tpu.memref_slice %arg16[%dma_start3A_44, %dma_start3A_45] : memref<128x128xf32, #tpu.memory_space<vmem>> -> memref<128x128xf32, #tpu.memory_space<vmem>>
    %dma_start3A_47 = arith.constant 0 : i32
    %dma_start3A_48 = tpu.memref_slice %arg18[%add3A_43, %dma_start3A_47] : memref<10240x128xf32, #tpu.memory_space<vmem_shared>> -> memref<128x128xf32, #tpu.memory_space<vmem_shared>>
    %dma_start3A_49 = arith.constant 0 : i32
    %dma_start3A_50 = tpu.memref_slice %arg18[%add3A_43, %dma_start3A_49] : memref<10240x128xf32, #tpu.memory_space<vmem_shared>> -> memref<128x128xf32, #tpu.memory_space<vmem_shared>>
    %dma_start3A_51 = arith.constant 0 : i32
    %dma_start3A_52 = arith.constant 0 : i32
    %dma_start3A_53 = tpu.memref_slice %arg16[%dma_start3A_51, %dma_start3A_52] : memref<128x128xf32, #tpu.memory_space<vmem>> -> memref<128x128xf32, #tpu.memory_space<vmem>>
    tpu.enqueue_dma source(%dma_start3A_53 : memref<128x128xf32, #tpu.memory_space<vmem>>) target(%dma_start3A_50 : memref<128x128xf32, #tpu.memory_space<vmem_shared>>) target_semaphore(%arg20 : memref<!tpu.dma_semaphore, #tpu.memory_space<semaphore_mem>>)
    %add3A_54 = arith.constant 384 : i32
    %add3A_55 = arith.addi %mul3A_0, %add3A_54 : i32
    %dma_start3A_56 = arith.constant 0 : i32
    %dma_start3A_57 = arith.constant 0 : i32
    %dma_start3A_58 = tpu.memref_slice %arg16[%dma_start3A_56, %dma_start3A_57] : memref<128x128xf32, #tpu.memory_space<vmem>> -> memref<128x128xf32, #tpu.memory_space<vmem>>
    %dma_start3A_59 = arith.constant 0 : i32
    %dma_start3A_60 = tpu.memref_slice %arg18[%add3A_55, %dma_start3A_59] : memref<10240x128xf32, #tpu.memory_space<vmem_shared>> -> memref<128x128xf32, #tpu.memory_space<vmem_shared>>
    %dma_start3A_61 = arith.constant 0 : i32
    %dma_start3A_62 = tpu.memref_slice %arg18[%add3A_55, %dma_start3A_61] : memref<10240x128xf32, #tpu.memory_space<vmem_shared>> -> memref<128x128xf32, #tpu.memory_space<vmem_shared>>
    %dma_start3A_63 = arith.constant 0 : i32
    %dma_start3A_64 = arith.constant 0 : i32
    %dma_start3A_65 = tpu.memref_slice %arg16[%dma_start3A_63, %dma_start3A_64] : memref<128x128xf32, #tpu.memory_space<vmem>> -> memref<128x128xf32, #tpu.memory_space<vmem>>
    tpu.enqueue_dma source(%dma_start3A_65 : memref<128x128xf32, #tpu.memory_space<vmem>>) target(%dma_start3A_62 : memref<128x128xf32, #tpu.memory_space<vmem_shared>>) target_semaphore(%arg20 : memref<!tpu.dma_semaphore, #tpu.memory_space<semaphore_mem>>)
    %add3A_66 = arith.constant 512 : i32
    %add3A_67 = arith.addi %mul3A_0, %add3A_66 : i32
    %dma_start3A_68 = arith.constant 0 : i32
    %dma_start3A_69 = arith.constant 0 : i32
    %dma_start3A_70 = tpu.memref_slice %arg16[%dma_start3A_68, %dma_start3A_69] : memref<128x128xf32, #tpu.memory_space<vmem>> -> memref<128x128xf32, #tpu.memory_space<vmem>>
    %dma_start3A_71 = arith.constant 0 : i32
    %dma_start3A_72 = tpu.memref_slice %arg18[%add3A_67, %dma_start3A_71] : memref<10240x128xf32, #tpu.memory_space<vmem_shared>> -> memref<128x128xf32, #tpu.memory_space<vmem_shared>>
    %dma_start3A_73 = arith.constant 0 : i32
    %dma_start3A_74 = tpu.memref_slice %arg18[%add3A_67, %dma_start3A_73] : memref<10240x128xf32, #tpu.memory_space<vmem_shared>> -> memref<128x128xf32, #tpu.memory_space<vmem_shared>>
    %dma_start3A_75 = arith.constant 0 : i32
    %dma_start3A_76 = arith.constant 0 : i32
    %dma_start3A_77 = tpu.memref_slice %arg16[%dma_start3A_75, %dma_start3A_76] : memref<128x128xf32, #tpu.memory_space<vmem>> -> memref<128x128xf32, #tpu.memory_space<vmem>>
    tpu.enqueue_dma source(%dma_start3A_77 : memref<128x128xf32, #tpu.memory_space<vmem>>) target(%dma_start3A_74 : memref<128x128xf32, #tpu.memory_space<vmem_shared>>) target_semaphore(%arg20 : memref<!tpu.dma_semaphore, #tpu.memory_space<semaphore_mem>>)
    %add3A_78 = arith.constant 0 : i32
    %add3A_79 = arith.addi %mul3A_0, %add3A_78 : i32
    %dma_wait3A = arith.constant 0 : i32
    %dma_wait3A_80 = arith.constant 0 : i32
    %dma_wait3A_81 = tpu.memref_slice %arg16[%dma_wait3A, %dma_wait3A_80] : memref<128x128xf32, #tpu.memory_space<vmem>> -> memref<128x128xf32, #tpu.memory_space<vmem>>
    %dma_wait3A_82 = arith.constant 0 : i32
    %dma_wait3A_83 = tpu.memref_slice %arg18[%add3A_79, %dma_wait3A_82] : memref<10240x128xf32, #tpu.memory_space<vmem_shared>> -> memref<128x128xf32, #tpu.memory_space<vmem_shared>>
    %dma_wait3A_84 = arith.constant 0 : i32
    %dma_wait3A_85 = tpu.memref_slice %arg18[%add3A_79, %dma_wait3A_84] : memref<10240x128xf32, #tpu.memory_space<vmem_shared>> -> memref<128x128xf32, #tpu.memory_space<vmem_shared>>
    %dma_wait3A_86 = arith.constant 0 : i32
    %dma_wait3A_87 = arith.constant 0 : i32
    %dma_wait3A_88 = tpu.memref_slice %arg16[%dma_wait3A_86, %dma_wait3A_87] : memref<128x128xf32, #tpu.memory_space<vmem>> -> memref<128x128xf32, #tpu.memory_space<vmem>>
    tpu.wait_dma2 semaphore(%arg20 : memref<!tpu.dma_semaphore, #tpu.memory_space<semaphore_mem>>) src(%dma_wait3A_88 : memref<128x128xf32, #tpu.memory_space<vmem>>) dst(%dma_wait3A_85 : memref<128x128xf32, #tpu.memory_space<vmem_shared>>)
    %add3A_89 = arith.constant 128 : i32
    %add3A_90 = arith.addi %mul3A_0, %add3A_89 : i32
    %dma_wait3A_91 = arith.constant 0 : i32
    %dma_wait3A_92 = arith.constant 0 : i32
    %dma_wait3A_93 = tpu.memref_slice %arg16[%dma_wait3A_91, %dma_wait3A_92] : memref<128x128xf32, #tpu.memory_space<vmem>> -> memref<128x128xf32, #tpu.memory_space<vmem>>
    %dma_wait3A_94 = arith.constant 0 : i32
    %dma_wait3A_95 = tpu.memref_slice %arg18[%add3A_90, %dma_wait3A_94] : memref<10240x128xf32, #tpu.memory_space<vmem_shared>> -> memref<128x128xf32, #tpu.memory_space<vmem_shared>>
    %dma_wait3A_96 = arith.constant 0 : i32
    %dma_wait3A_97 = tpu.memref_slice %arg18[%add3A_90, %dma_wait3A_96] : memref<10240x128xf32, #tpu.memory_space<vmem_shared>> -> memref<128x128xf32, #tpu.memory_space<vmem_shared>>
    %dma_wait3A_98 = arith.constant 0 : i32
    %dma_wait3A_99 = arith.constant 0 : i32
    %dma_wait3A_100 = tpu.memref_slice %arg16[%dma_wait3A_98, %dma_wait3A_99] : memref<128x128xf32, #tpu.memory_space<vmem>> -> memref<128x128xf32, #tpu.memory_space<vmem>>
    tpu.wait_dma2 semaphore(%arg20 : memref<!tpu.dma_semaphore, #tpu.memory_space<semaphore_mem>>) src(%dma_wait3A_100 : memref<128x128xf32, #tpu.memory_space<vmem>>) dst(%dma_wait3A_97 : memref<128x128xf32, #tpu.memory_space<vmem_shared>>)
    %add3A_101 = arith.constant 256 : i32
    %add3A_102 = arith.addi %mul3A_0, %add3A_101 : i32
    %dma_wait3A_103 = arith.constant 0 : i32
    %dma_wait3A_104 = arith.constant 0 : i32
    %dma_wait3A_105 = tpu.memref_slice %arg16[%dma_wait3A_103, %dma_wait3A_104] : memref<128x128xf32, #tpu.memory_space<vmem>> -> memref<128x128xf32, #tpu.memory_space<vmem>>
    %dma_wait3A_106 = arith.constant 0 : i32
    %dma_wait3A_107 = tpu.memref_slice %arg18[%add3A_102, %dma_wait3A_106] : memref<10240x128xf32, #tpu.memory_space<vmem_shared>> -> memref<128x128xf32, #tpu.memory_space<vmem_shared>>
    %dma_wait3A_108 = arith.constant 0 : i32
    %dma_wait3A_109 = tpu.memref_slice %arg18[%add3A_102, %dma_wait3A_108] : memref<10240x128xf32, #tpu.memory_space<vmem_shared>> -> memref<128x128xf32, #tpu.memory_space<vmem_shared>>
    %dma_wait3A_110 = arith.constant 0 : i32
    %dma_wait3A_111 = arith.constant 0 : i32
    %dma_wait3A_112 = tpu.memref_slice %arg16[%dma_wait3A_110, %dma_wait3A_111] : memref<128x128xf32, #tpu.memory_space<vmem>> -> memref<128x128xf32, #tpu.memory_space<vmem>>
    tpu.wait_dma2 semaphore(%arg20 : memref<!tpu.dma_semaphore, #tpu.memory_space<semaphore_mem>>) src(%dma_wait3A_112 : memref<128x128xf32, #tpu.memory_space<vmem>>) dst(%dma_wait3A_109 : memref<128x128xf32, #tpu.memory_space<vmem_shared>>)
    %add3A_113 = arith.constant 384 : i32
    %add3A_114 = arith.addi %mul3A_0, %add3A_113 : i32
    %dma_wait3A_115 = arith.constant 0 : i32
    %dma_wait3A_116 = arith.constant 0 : i32
    %dma_wait3A_117 = tpu.memref_slice %arg16[%dma_wait3A_115, %dma_wait3A_116] : memref<128x128xf32, #tpu.memory_space<vmem>> -> memref<128x128xf32, #tpu.memory_space<vmem>>
    %dma_wait3A_118 = arith.constant 0 : i32
    %dma_wait3A_119 = tpu.memref_slice %arg18[%add3A_114, %dma_wait3A_118] : memref<10240x128xf32, #tpu.memory_space<vmem_shared>> -> memref<128x128xf32, #tpu.memory_space<vmem_shared>>
    %dma_wait3A_120 = arith.constant 0 : i32
    %dma_wait3A_121 = tpu.memref_slice %arg18[%add3A_114, %dma_wait3A_120] : memref<10240x128xf32, #tpu.memory_space<vmem_shared>> -> memref<128x128xf32, #tpu.memory_space<vmem_shared>>
    %dma_wait3A_122 = arith.constant 0 : i32
    %dma_wait3A_123 = arith.constant 0 : i32
    %dma_wait3A_124 = tpu.memref_slice %arg16[%dma_wait3A_122, %dma_wait3A_123] : memref<128x128xf32, #tpu.memory_space<vmem>> -> memref<128x128xf32, #tpu.memory_space<vmem>>
    tpu.wait_dma2 semaphore(%arg20 : memref<!tpu.dma_semaphore, #tpu.memory_space<semaphore_mem>>) src(%dma_wait3A_124 : memref<128x128xf32, #tpu.memory_space<vmem>>) dst(%dma_wait3A_121 : memref<128x128xf32, #tpu.memory_space<vmem_shared>>)
    %add3A_125 = arith.constant 512 : i32
    %add3A_126 = arith.addi %mul3A_0, %add3A_125 : i32
    %dma_wait3A_127 = arith.constant 0 : i32
    %dma_wait3A_128 = arith.constant 0 : i32
    %dma_wait3A_129 = tpu.memref_slice %arg16[%dma_wait3A_127, %dma_wait3A_128] : memref<128x128xf32, #tpu.memory_space<vmem>> -> memref<128x128xf32, #tpu.memory_space<vmem>>
    %dma_wait3A_130 = arith.constant 0 : i32
    %dma_wait3A_131 = tpu.memref_slice %arg18[%add3A_126, %dma_wait3A_130] : memref<10240x128xf32, #tpu.memory_space<vmem_shared>> -> memref<128x128xf32, #tpu.memory_space<vmem_shared>>
    %dma_wait3A_132 = arith.constant 0 : i32
    %dma_wait3A_133 = tpu.memref_slice %arg18[%add3A_126, %dma_wait3A_132] : memref<10240x128xf32, #tpu.memory_space<vmem_shared>> -> memref<128x128xf32, #tpu.memory_space<vmem_shared>>
    %dma_wait3A_134 = arith.constant 0 : i32
    %dma_wait3A_135 = arith.constant 0 : i32
    %dma_wait3A_136 = tpu.memref_slice %arg16[%dma_wait3A_134, %dma_wait3A_135] : memref<128x128xf32, #tpu.memory_space<vmem>> -> memref<128x128xf32, #tpu.memory_space<vmem>>
    tpu.wait_dma2 semaphore(%arg20 : memref<!tpu.dma_semaphore, #tpu.memory_space<semaphore_mem>>) src(%dma_wait3A_136 : memref<128x128xf32, #tpu.memory_space<vmem>>) dst(%dma_wait3A_133 : memref<128x128xf32, #tpu.memory_space<vmem_shared>>)
    %barrier3A = arith.constant 0 : index
    tpu.barrier barrier_id(%barrier3A)
    "tpu.region"() ({
      %run_scoped3A = tpu.sem_alloc : memref<!tpu.dma_semaphore, #tpu.memory_space<semaphore_mem>>
      %dma_start3A_564 = arith.constant 0 : i32
      %dma_start3A_565 = arith.constant 0 : i32
      %dma_start3A_566 = tpu.memref_slice %arg3[%add3A_9, %arg1, %dma_start3A_564, %dma_start3A_565] : memref<4x16x80x128xi32, #tpu.memory_space<hbm>> -> memref<1x1x40x128xi32, #tpu.memory_space<hbm>>
      %dma_start3A_567 = tpu.memref_squeeze %dma_start3A_566 : memref<1x1x40x128xi32, #tpu.memory_space<hbm>> -> memref<40x128xi32, #tpu.memory_space<hbm>>
      %dma_start3A_568 = arith.constant 0 : i32
      %dma_start3A_569 = arith.constant 0 : i32
      %dma_start3A_570 = tpu.memref_slice %arg3[%add3A_9, %arg1, %dma_start3A_568, %dma_start3A_569] : memref<4x16x80x128xi32, #tpu.memory_space<hbm>> -> memref<1x1x40x128xi32, #tpu.memory_space<hbm>>
      %dma_start3A_571 = tpu.memref_squeeze %dma_start3A_570 : memref<1x1x40x128xi32, #tpu.memory_space<hbm>> -> memref<40x128xi32, #tpu.memory_space<hbm>>
      tpu.enqueue_dma source(%dma_start3A_571 : memref<40x128xi32, #tpu.memory_space<hbm>>) target(%arg9 : memref<40x128xi32, #tpu.memory_space<vmem>>) target_semaphore(%run_scoped3A : memref<!tpu.dma_semaphore, #tpu.memory_space<semaphore_mem>>)
      %dma_wait3A_572 = arith.constant 0 : i32
      %dma_wait3A_573 = arith.constant 0 : i32
      %dma_wait3A_574 = tpu.memref_slice %arg3[%add3A_9, %arg1, %dma_wait3A_572, %dma_wait3A_573] : memref<4x16x80x128xi32, #tpu.memory_space<hbm>> -> memref<1x1x40x128xi32, #tpu.memory_space<hbm>>
      %dma_wait3A_575 = tpu.memref_squeeze %dma_wait3A_574 : memref<1x1x40x128xi32, #tpu.memory_space<hbm>> -> memref<40x128xi32, #tpu.memory_space<hbm>>
      %dma_wait3A_576 = arith.constant 0 : i32
      %dma_wait3A_577 = arith.constant 0 : i32
      %dma_wait3A_578 = tpu.memref_slice %arg3[%add3A_9, %arg1, %dma_wait3A_576, %dma_wait3A_577] : memref<4x16x80x128xi32, #tpu.memory_space<hbm>> -> memref<1x1x40x128xi32, #tpu.memory_space<hbm>>
      %dma_wait3A_579 = tpu.memref_squeeze %dma_wait3A_578 : memref<1x1x40x128xi32, #tpu.memory_space<hbm>> -> memref<40x128xi32, #tpu.memory_space<hbm>>
      tpu.wait_dma2 semaphore(%run_scoped3A : memref<!tpu.dma_semaphore, #tpu.memory_space<semaphore_mem>>) src(%dma_wait3A_579 : memref<40x128xi32, #tpu.memory_space<hbm>>) dst(%arg9 : memref<40x128xi32, #tpu.memory_space<vmem>>)
      tpu.yield
    }) : () -> ()
    "tpu.region"() ({
      %run_scoped3A = tpu.sem_alloc : memref<!tpu.dma_semaphore, #tpu.memory_space<semaphore_mem>>
      %dma_start3A_564 = arith.constant 0 : i32
      %dma_start3A_565 = arith.constant 0 : i32
      %dma_start3A_566 = tpu.memref_slice %arg4[%arg1, %dma_start3A_564, %dma_start3A_565] : memref<16x80x128xi32, #tpu.memory_space<hbm>> -> memref<1x40x128xi32, #tpu.memory_space<hbm>>
      %dma_start3A_567 = tpu.memref_squeeze %dma_start3A_566 : memref<1x40x128xi32, #tpu.memory_space<hbm>> -> memref<40x128xi32, #tpu.memory_space<hbm>>
      %dma_start3A_568 = arith.constant 0 : i32
      %dma_start3A_569 = arith.constant 0 : i32
      %dma_start3A_570 = tpu.memref_slice %arg4[%arg1, %dma_start3A_568, %dma_start3A_569] : memref<16x80x128xi32, #tpu.memory_space<hbm>> -> memref<1x40x128xi32, #tpu.memory_space<hbm>>
      %dma_start3A_571 = tpu.memref_squeeze %dma_start3A_570 : memref<1x40x128xi32, #tpu.memory_space<hbm>> -> memref<40x128xi32, #tpu.memory_space<hbm>>
      tpu.enqueue_dma source(%dma_start3A_571 : memref<40x128xi32, #tpu.memory_space<hbm>>) target(%arg10 : memref<40x128xi32, #tpu.memory_space<vmem>>) target_semaphore(%run_scoped3A : memref<!tpu.dma_semaphore, #tpu.memory_space<semaphore_mem>>)
      %dma_wait3A_572 = arith.constant 0 : i32
      %dma_wait3A_573 = arith.constant 0 : i32
      %dma_wait3A_574 = tpu.memref_slice %arg4[%arg1, %dma_wait3A_572, %dma_wait3A_573] : memref<16x80x128xi32, #tpu.memory_space<hbm>> -> memref<1x40x128xi32, #tpu.memory_space<hbm>>
      %dma_wait3A_575 = tpu.memref_squeeze %dma_wait3A_574 : memref<1x40x128xi32, #tpu.memory_space<hbm>> -> memref<40x128xi32, #tpu.memory_space<hbm>>
      %dma_wait3A_576 = arith.constant 0 : i32
      %dma_wait3A_577 = arith.constant 0 : i32
      %dma_wait3A_578 = tpu.memref_slice %arg4[%arg1, %dma_wait3A_576, %dma_wait3A_577] : memref<16x80x128xi32, #tpu.memory_space<hbm>> -> memref<1x40x128xi32, #tpu.memory_space<hbm>>
      %dma_wait3A_579 = tpu.memref_squeeze %dma_wait3A_578 : memref<1x40x128xi32, #tpu.memory_space<hbm>> -> memref<40x128xi32, #tpu.memory_space<hbm>>
      tpu.wait_dma2 semaphore(%run_scoped3A : memref<!tpu.dma_semaphore, #tpu.memory_space<semaphore_mem>>) src(%dma_wait3A_579 : memref<40x128xi32, #tpu.memory_space<hbm>>) dst(%arg10 : memref<40x128xi32, #tpu.memory_space<vmem>>)
      tpu.yield
    }) : () -> ()
    %dma_start3A_137 = arith.constant 0 : i32
    %dma_start3A_138 = arith.constant 0 : i32
    %dma_start3A_139 = tpu.memref_slice %arg9[%dma_start3A_137, %dma_start3A_138] : memref<40x128xi32, #tpu.memory_space<vmem>> -> memref<1x128xi32, #tpu.memory_space<vmem>>
    %dma_start3A_140 = tpu.memref_squeeze %dma_start3A_139 : memref<1x128xi32, #tpu.memory_space<vmem>> -> memref<128xi32, #tpu.memory_space<vmem>>
    %dma_start3A_141 = arith.constant 0 : i32
    %dma_start3A_142 = arith.constant 0 : i32
    %dma_start3A_143 = tpu.memref_slice %arg2[%dma_start3A_141, %dma_start3A_142] : memref<40960x128xf32, #tpu.memory_space<hbm>> -> memref<40960x128xf32, #tpu.memory_space<hbm>>
    tpu.enqueue_indirect_dma source(%dma_start3A_143 : memref<40960x128xf32, #tpu.memory_space<hbm>>) target(%arg16 : memref<128x128xf32, #tpu.memory_space<vmem>>) offsets(%dma_start3A_140 : memref<128xi32, #tpu.memory_space<vmem>>) semaphore(%arg20 : memref<!tpu.dma_semaphore, #tpu.memory_space<semaphore_mem>>)
    %eq3A = arith.constant 0 : i32
    %eq3A_144 = arith.cmpi eq, %arg0, %eq3A : i32
    %convert_element_type3A = arith.extui %eq3A_144 : i1 to i32
    %cond3A = arith.constant 0 : i32
    %cond3A_145 = arith.cmpi ne, %convert_element_type3A, %cond3A : i32
    scf.if %cond3A_145 {
      %dma_start3A_564 = arith.constant 0 : i32
      %dma_start3A_565 = arith.constant 0 : i32
      %dma_start3A_566 = tpu.memref_slice %arg10[%dma_start3A_564, %dma_start3A_565] : memref<40x128xi32, #tpu.memory_space<vmem>> -> memref<1x128xi32, #tpu.memory_space<vmem>>
      %dma_start3A_567 = tpu.memref_squeeze %dma_start3A_566 : memref<1x128xi32, #tpu.memory_space<vmem>> -> memref<128xi32, #tpu.memory_space<vmem>>
      %dma_start3A_568 = arith.constant 0 : i32
      %dma_start3A_569 = tpu.memref_slice %arg6[%dma_start3A_568] : memref<10240xf32, #tpu.memory_space<hbm>> -> memref<10240xf32, #tpu.memory_space<hbm>>
      tpu.enqueue_indirect_dma source(%dma_start3A_569 : memref<10240xf32, #tpu.memory_space<hbm>>) target(%arg11 : memref<128xf32, #tpu.memory_space<vmem>>) offsets(%dma_start3A_567 : memref<128xi32, #tpu.memory_space<vmem>>) semaphore(%arg24 : memref<!tpu.dma_semaphore, #tpu.memory_space<semaphore_mem>>)
    } else {
    }
    %scan3A_146 = arith.constant 0 : i32
    %scan3A_147 = arith.constant 0 : i32
    %scan3A_148 = arith.constant 20 : i32
    %scan3A_149 = arith.addi %scan3A_147, %scan3A_148 : i32
    %scan3A_150 = arith.constant 1 : i32
    %scan3A_151 = scf.for %scan3A_564 = %scan3A_147 to %scan3A_149 step %scan3A_150 iter_args(%scan3A_565 = %scan3A_146) -> (i32)  : i32 {
      %mul3A_566 = arith.constant 2 : i32
      %mul3A_567 = arith.muli %mul3A_566, %scan3A_564 : i32
      %dma_wait3A_568 = arith.constant 0 : i32
      %dma_wait3A_569 = tpu.memref_slice %arg9[%mul3A_567, %dma_wait3A_568] : memref<40x128xi32, #tpu.memory_space<vmem>> -> memref<1x128xi32, #tpu.memory_space<vmem>>
      %dma_wait3A_570 = tpu.memref_squeeze %dma_wait3A_569 : memref<1x128xi32, #tpu.memory_space<vmem>> -> memref<128xi32, #tpu.memory_space<vmem>>
      %dma_wait3A_571 = arith.constant 0 : i32
      %dma_wait3A_572 = arith.constant 0 : i32
      %dma_wait3A_573 = tpu.memref_slice %arg2[%dma_wait3A_571, %dma_wait3A_572] : memref<40960x128xf32, #tpu.memory_space<hbm>> -> memref<40960x128xf32, #tpu.memory_space<hbm>>
      tpu.wait_indirect_dma semaphore(%arg20 : memref<!tpu.dma_semaphore, #tpu.memory_space<semaphore_mem>>) src(%dma_wait3A_573 : memref<40960x128xf32, #tpu.memory_space<hbm>>) dst(%arg16 : memref<128x128xf32, #tpu.memory_space<vmem>>)
      %gt3A = arith.constant 0 : i32
      %gt3A_574 = arith.cmpi sgt, %scan3A_564, %gt3A : i32
      %convert_element_type3A_575 = arith.extui %gt3A_574 : i1 to i32
      %cond3A_576 = arith.constant 0 : i32
      %cond3A_577 = arith.cmpi ne, %convert_element_type3A_575, %cond3A_576 : i32
      scf.if %cond3A_577 {
        %sub3A = arith.constant 1 : i32
        %sub3A_631 = arith.subi %mul3A_567, %sub3A : i32
        %dma_wait3A_632 = arith.constant 0 : i32
        %dma_wait3A_633 = tpu.memref_slice %arg10[%sub3A_631, %dma_wait3A_632] : memref<40x128xi32, #tpu.memory_space<vmem>> -> memref<1x128xi32, #tpu.memory_space<vmem>>
        %dma_wait3A_634 = tpu.memref_squeeze %dma_wait3A_633 : memref<1x128xi32, #tpu.memory_space<vmem>> -> memref<128xi32, #tpu.memory_space<vmem>>
        %dma_wait3A_635 = arith.constant 0 : i32
        %dma_wait3A_636 = arith.constant 0 : i32
        %dma_wait3A_637 = tpu.memref_slice %arg18[%dma_wait3A_635, %dma_wait3A_636] : memref<10240x128xf32, #tpu.memory_space<vmem_shared>> -> memref<10240x128xf32, #tpu.memory_space<vmem_shared>>
        tpu.wait_indirect_dma semaphore(%arg23 : memref<!tpu.dma_semaphore, #tpu.memory_space<semaphore_mem>>) src(%arg17 : memref<128x128xf32, #tpu.memory_space<vmem>>) dst(%dma_wait3A_637 : memref<10240x128xf32, #tpu.memory_space<vmem_shared>>)
      } else {
      }
      %add3A_578 = arith.constant 1 : i32
      %add3A_579 = arith.addi %mul3A_567, %add3A_578 : i32
      %dma_start3A_580 = arith.constant 0 : i32
      %dma_start3A_581 = tpu.memref_slice %arg9[%add3A_579, %dma_start3A_580] : memref<40x128xi32, #tpu.memory_space<vmem>> -> memref<1x128xi32, #tpu.memory_space<vmem>>
      %dma_start3A_582 = tpu.memref_squeeze %dma_start3A_581 : memref<1x128xi32, #tpu.memory_space<vmem>> -> memref<128xi32, #tpu.memory_space<vmem>>
      %dma_start3A_583 = arith.constant 0 : i32
      %dma_start3A_584 = arith.constant 0 : i32
      %dma_start3A_585 = tpu.memref_slice %arg2[%dma_start3A_583, %dma_start3A_584] : memref<40960x128xf32, #tpu.memory_space<hbm>> -> memref<40960x128xf32, #tpu.memory_space<hbm>>
      tpu.enqueue_indirect_dma source(%dma_start3A_585 : memref<40960x128xf32, #tpu.memory_space<hbm>>) target(%arg17 : memref<128x128xf32, #tpu.memory_space<vmem>>) offsets(%dma_start3A_582 : memref<128xi32, #tpu.memory_space<vmem>>) semaphore(%arg21 : memref<!tpu.dma_semaphore, #tpu.memory_space<semaphore_mem>>)
      %dma_start3A_586 = arith.constant 0 : i32
      %dma_start3A_587 = tpu.memref_slice %arg10[%mul3A_567, %dma_start3A_586] : memref<40x128xi32, #tpu.memory_space<vmem>> -> memref<1x128xi32, #tpu.memory_space<vmem>>
      %dma_start3A_588 = tpu.memref_squeeze %dma_start3A_587 : memref<1x128xi32, #tpu.memory_space<vmem>> -> memref<128xi32, #tpu.memory_space<vmem>>
      %dma_start3A_589 = arith.constant 0 : i32
      %dma_start3A_590 = arith.constant 0 : i32
      %dma_start3A_591 = tpu.memref_slice %arg18[%dma_start3A_589, %dma_start3A_590] : memref<10240x128xf32, #tpu.memory_space<vmem_shared>> -> memref<10240x128xf32, #tpu.memory_space<vmem_shared>>
      tpu.enqueue_indirect_dma source(%arg16 : memref<128x128xf32, #tpu.memory_space<vmem>>) target(%dma_start3A_591 : memref<10240x128xf32, #tpu.memory_space<vmem_shared>>) offsets(%dma_start3A_588 : memref<128xi32, #tpu.memory_space<vmem>>) semaphore(%arg22 : memref<!tpu.dma_semaphore, #tpu.memory_space<semaphore_mem>>) {add = true}
      %eq3A_592 = arith.constant 0 : i32
      %eq3A_593 = arith.cmpi eq, %arg0, %eq3A_592 : i32
      %convert_element_type3A_594 = arith.extui %eq3A_593 : i1 to i32
      %cond3A_595 = arith.constant 0 : i32
      %cond3A_596 = arith.cmpi ne, %convert_element_type3A_594, %cond3A_595 : i32
      scf.if %cond3A_596 {
        %dma_wait3A_631 = arith.constant 0 : i32
        %dma_wait3A_632 = tpu.memref_slice %arg10[%mul3A_567, %dma_wait3A_631] : memref<40x128xi32, #tpu.memory_space<vmem>> -> memref<1x128xi32, #tpu.memory_space<vmem>>
        %dma_wait3A_633 = tpu.memref_squeeze %dma_wait3A_632 : memref<1x128xi32, #tpu.memory_space<vmem>> -> memref<128xi32, #tpu.memory_space<vmem>>
        %dma_wait3A_634 = arith.constant 0 : i32
        %dma_wait3A_635 = tpu.memref_slice %arg6[%dma_wait3A_634] : memref<10240xf32, #tpu.memory_space<hbm>> -> memref<10240xf32, #tpu.memory_space<hbm>>
        tpu.wait_indirect_dma semaphore(%arg24 : memref<!tpu.dma_semaphore, #tpu.memory_space<semaphore_mem>>) src(%dma_wait3A_635 : memref<10240xf32, #tpu.memory_space<hbm>>) dst(%arg11 : memref<128xf32, #tpu.memory_space<vmem>>)
        %gt3A_636 = arith.constant 0 : i32
        %gt3A_637 = arith.cmpi sgt, %scan3A_564, %gt3A_636 : i32
        %convert_element_type3A_638 = arith.extui %gt3A_637 : i1 to i32
        %cond3A_639 = arith.constant 0 : i32
        %cond3A_640 = arith.cmpi ne, %convert_element_type3A_638, %cond3A_639 : i32
        scf.if %cond3A_640 {
          %dma_wait3A_661 = arith.constant 0 : i32
          %dma_wait3A_662 = arith.constant 0 : i32
          %dma_wait3A_663 = tpu.memref_slice %arg14[%dma_wait3A_661, %dma_wait3A_662] : memref<1x128xi32, #tpu.memory_space<vmem>> -> memref<1x128xi32, #tpu.memory_space<vmem>>
          %dma_wait3A_664 = tpu.memref_squeeze %dma_wait3A_663 : memref<1x128xi32, #tpu.memory_space<vmem>> -> memref<128xi32, #tpu.memory_space<vmem>>
          %dma_wait3A_665 = arith.constant 0 : i32
          %dma_wait3A_666 = tpu.memref_slice %arg19[%dma_wait3A_665] : memref<10240xf32, #tpu.memory_space<vmem_shared>> -> memref<10240xf32, #tpu.memory_space<vmem_shared>>
          tpu.wait_indirect_dma semaphore(%arg27 : memref<!tpu.dma_semaphore, #tpu.memory_space<semaphore_mem>>) src(%arg12 : memref<128xf32, #tpu.memory_space<vmem>>) dst(%dma_wait3A_666 : memref<10240xf32, #tpu.memory_space<vmem_shared>>)
        } else {
        }
        %add3A_641 = arith.constant 1 : i32
        %add3A_642 = arith.addi %mul3A_567, %add3A_641 : i32
        %dma_start3A_643 = arith.constant 0 : i32
        %dma_start3A_644 = tpu.memref_slice %arg10[%add3A_642, %dma_start3A_643] : memref<40x128xi32, #tpu.memory_space<vmem>> -> memref<1x128xi32, #tpu.memory_space<vmem>>
        %dma_start3A_645 = tpu.memref_squeeze %dma_start3A_644 : memref<1x128xi32, #tpu.memory_space<vmem>> -> memref<128xi32, #tpu.memory_space<vmem>>
        %dma_start3A_646 = arith.constant 0 : i32
        %dma_start3A_647 = tpu.memref_slice %arg6[%dma_start3A_646] : memref<10240xf32, #tpu.memory_space<hbm>> -> memref<10240xf32, #tpu.memory_space<hbm>>
        tpu.enqueue_indirect_dma source(%dma_start3A_647 : memref<10240xf32, #tpu.memory_space<hbm>>) target(%arg12 : memref<128xf32, #tpu.memory_space<vmem>>) offsets(%dma_start3A_645 : memref<128xi32, #tpu.memory_space<vmem>>) semaphore(%arg25 : memref<!tpu.dma_semaphore, #tpu.memory_space<semaphore_mem>>)
        %scan3A_648 = arith.constant 0 : i32
        %scan3A_649 = arith.constant 0 : i32
        %scan3A_650 = arith.constant 8 : i32
        %scan3A_651 = arith.addi %scan3A_649, %scan3A_650 : i32
        %scan3A_652 = arith.constant 1 : i32
        %scan3A_653 = scf.for %scan3A_661 = %scan3A_649 to %scan3A_651 step %scan3A_652 iter_args(%scan3A_662 = %scan3A_648) -> (i32)  : i32 {
          %mul3A_663 = arith.constant 16 : i32
          %mul3A_664 = arith.muli %scan3A_661, %mul3A_663 : i32
          %get3A = arith.index_cast %mul3A_567 : i32 to index
          %get3A_665 = arith.index_cast %mul3A_664 : i32 to index
          %get3A_666 = tpu.vector_load %arg9[%get3A, %get3A_665] {strides = array<i32>} : memref<40x128xi32, #tpu.memory_space<vmem>>, vector<1x16xi32>,
          %get3A_667 = vector.shape_cast %get3A_666 : vector<1x16xi32> to vector<16xi32>
          %sub3A = vector.broadcast %mul3A_11 : i32 to vector<16xi32>
          %sub3A_668 = arith.subi %get3A_667, %sub3A : vector<16xi32>
          %mul3A_669 = arith.constant 16 : i32
          %mul3A_670 = arith.muli %scan3A_661, %mul3A_669 : i32
          %swap3A = arith.constant 0 : i32
          %swap3A_671 = arith.index_cast %swap3A : i32 to index
          %swap3A_672 = arith.index_cast %mul3A_670 : i32 to index
          %swap3A_673 = tpu.vector_load %arg13[%swap3A_671, %swap3A_672] {strides = array<i32>} : memref<1x128xi32, #tpu.memory_space<vmem>>, vector<1x16xi32>,
          %swap3A_674 = vector.shape_cast %swap3A_673 : vector<1x16xi32> to vector<16xi32>
          %swap3A_675 = vector.shape_cast %sub3A_668 : vector<16xi32> to vector<1x16xi32>
          tpu.vector_store %arg13[%swap3A_671, %swap3A_672], %swap3A_675 {strides = array<i32>} : memref<1x128xi32, #tpu.memory_space<vmem>>, vector<1x16xi32>,
          %scan3A_676 = arith.constant 0 : i32
          scf.yield %scan3A_676 : i32
        }
        %scan3A_654 = arith.constant 8 : i32
        %dma_start3A_655 = arith.constant 0 : i32
        %dma_start3A_656 = arith.constant 0 : i32
        %dma_start3A_657 = tpu.memref_slice %arg13[%dma_start3A_655, %dma_start3A_656] : memref<1x128xi32, #tpu.memory_space<vmem>> -> memref<1x128xi32, #tpu.memory_space<vmem>>
        %dma_start3A_658 = tpu.memref_squeeze %dma_start3A_657 : memref<1x128xi32, #tpu.memory_space<vmem>> -> memref<128xi32, #tpu.memory_space<vmem>>
        %dma_start3A_659 = arith.constant 0 : i32
        %dma_start3A_660 = tpu.memref_slice %arg19[%dma_start3A_659] : memref<10240xf32, #tpu.memory_space<vmem_shared>> -> memref<10240xf32, #tpu.memory_space<vmem_shared>>
        tpu.enqueue_indirect_dma source(%arg11 : memref<128xf32, #tpu.memory_space<vmem>>) target(%dma_start3A_660 : memref<10240xf32, #tpu.memory_space<vmem_shared>>) offsets(%dma_start3A_658 : memref<128xi32, #tpu.memory_space<vmem>>) semaphore(%arg26 : memref<!tpu.dma_semaphore, #tpu.memory_space<semaphore_mem>>) {add = true}
      } else {
      }
      %add3A_597 = arith.constant 1 : i32
      %add3A_598 = arith.addi %mul3A_567, %add3A_597 : i32
      %dma_wait3A_599 = arith.constant 0 : i32
      %dma_wait3A_600 = tpu.memref_slice %arg9[%add3A_598, %dma_wait3A_599] : memref<40x128xi32, #tpu.memory_space<vmem>> -> memref<1x128xi32, #tpu.memory_space<vmem>>
      %dma_wait3A_601 = tpu.memref_squeeze %dma_wait3A_600 : memref<1x128xi32, #tpu.memory_space<vmem>> -> memref<128xi32, #tpu.memory_space<vmem>>
      %dma_wait3A_602 = arith.constant 0 : i32
      %dma_wait3A_603 = arith.constant 0 : i32
      %dma_wait3A_604 = tpu.memref_slice %arg2[%dma_wait3A_602, %dma_wait3A_603] : memref<40960x128xf32, #tpu.memory_space<hbm>> -> memref<40960x128xf32, #tpu.memory_space<hbm>>
      tpu.wait_indirect_dma semaphore(%arg21 : memref<!tpu.dma_semaphore, #tpu.memory_space<semaphore_mem>>) src(%dma_wait3A_604 : memref<40960x128xf32, #tpu.memory_space<hbm>>) dst(%arg17 : memref<128x128xf32, #tpu.memory_space<vmem>>)
      %dma_wait3A_605 = arith.constant 0 : i32
      %dma_wait3A_606 = tpu.memref_slice %arg10[%mul3A_567, %dma_wait3A_605] : memref<40x128xi32, #tpu.memory_space<vmem>> -> memref<1x128xi32, #tpu.memory_space<vmem>>
      %dma_wait3A_607 = tpu.memref_squeeze %dma_wait3A_606 : memref<1x128xi32, #tpu.memory_space<vmem>> -> memref<128xi32, #tpu.memory_space<vmem>>
      %dma_wait3A_608 = arith.constant 0 : i32
      %dma_wait3A_609 = arith.constant 0 : i32
      %dma_wait3A_610 = tpu.memref_slice %arg18[%dma_wait3A_608, %dma_wait3A_609] : memref<10240x128xf32, #tpu.memory_space<vmem_shared>> -> memref<10240x128xf32, #tpu.memory_space<vmem_shared>>
      tpu.wait_indirect_dma semaphore(%arg22 : memref<!tpu.dma_semaphore, #tpu.memory_space<semaphore_mem>>) src(%arg16 : memref<128x128xf32, #tpu.memory_space<vmem>>) dst(%dma_wait3A_610 : memref<10240x128xf32, #tpu.memory_space<vmem_shared>>)
      %add3A_611 = arith.constant 2 : i32
      %add3A_612 = arith.addi %mul3A_567, %add3A_611 : i32
      %lt3A = arith.constant 40 : i32
      %lt3A_613 = arith.cmpi slt, %add3A_612, %lt3A : i32
      %convert_element_type3A_614 = arith.extui %lt3A_613 : i1 to i32
      %cond3A_615 = arith.constant 0 : i32
      %cond3A_616 = arith.cmpi ne, %convert_element_type3A_614, %cond3A_615 : i32
      scf.if %cond3A_616 {
        %add3A_631 = arith.constant 2 : i32
        %add3A_632 = arith.addi %mul3A_567, %add3A_631 : i32
        %dma_start3A_633 = arith.constant 0 : i32
        %dma_start3A_634 = tpu.memref_slice %arg9[%add3A_632, %dma_start3A_633] : memref<40x128xi32, #tpu.memory_space<vmem>> -> memref<1x128xi32, #tpu.memory_space<vmem>>
        %dma_start3A_635 = tpu.memref_squeeze %dma_start3A_634 : memref<1x128xi32, #tpu.memory_space<vmem>> -> memref<128xi32, #tpu.memory_space<vmem>>
        %dma_start3A_636 = arith.constant 0 : i32
        %dma_start3A_637 = arith.constant 0 : i32
        %dma_start3A_638 = tpu.memref_slice %arg2[%dma_start3A_636, %dma_start3A_637] : memref<40960x128xf32, #tpu.memory_space<hbm>> -> memref<40960x128xf32, #tpu.memory_space<hbm>>
        tpu.enqueue_indirect_dma source(%dma_start3A_638 : memref<40960x128xf32, #tpu.memory_space<hbm>>) target(%arg16 : memref<128x128xf32, #tpu.memory_space<vmem>>) offsets(%dma_start3A_635 : memref<128xi32, #tpu.memory_space<vmem>>) semaphore(%arg20 : memref<!tpu.dma_semaphore, #tpu.memory_space<semaphore_mem>>)
      } else {
      }
      %add3A_617 = arith.constant 1 : i32
      %add3A_618 = arith.addi %mul3A_567, %add3A_617 : i32
      %dma_start3A_619 = arith.constant 0 : i32
      %dma_start3A_620 = tpu.memref_slice %arg10[%add3A_618, %dma_start3A_619] : memref<40x128xi32, #tpu.memory_space<vmem>> -> memref<1x128xi32, #tpu.memory_space<vmem>>
      %dma_start3A_621 = tpu.memref_squeeze %dma_start3A_620 : memref<1x128xi32, #tpu.memory_space<vmem>> -> memref<128xi32, #tpu.memory_space<vmem>>
      %dma_start3A_622 = arith.constant 0 : i32
      %dma_start3A_623 = arith.constant 0 : i32
      %dma_start3A_624 = tpu.memref_slice %arg18[%dma_start3A_622, %dma_start3A_623] : memref<10240x128xf32, #tpu.memory_space<vmem_shared>> -> memref<10240x128xf32, #tpu.memory_space<vmem_shared>>
      tpu.enqueue_indirect_dma source(%arg17 : memref<128x128xf32, #tpu.memory_space<vmem>>) target(%dma_start3A_624 : memref<10240x128xf32, #tpu.memory_space<vmem_shared>>) offsets(%dma_start3A_621 : memref<128xi32, #tpu.memory_space<vmem>>) semaphore(%arg23 : memref<!tpu.dma_semaphore, #tpu.memory_space<semaphore_mem>>) {add = true}
      %eq3A_625 = arith.constant 0 : i32
      %eq3A_626 = arith.cmpi eq, %arg0, %eq3A_625 : i32
      %convert_element_type3A_627 = arith.extui %eq3A_626 : i1 to i32
      %cond3A_628 = arith.constant 0 : i32
      %cond3A_629 = arith.cmpi ne, %convert_element_type3A_627, %cond3A_628 : i32
      scf.if %cond3A_629 {
        %add3A_631 = arith.constant 1 : i32
        %add3A_632 = arith.addi %mul3A_567, %add3A_631 : i32
        %dma_wait3A_633 = arith.constant 0 : i32
        %dma_wait3A_634 = tpu.memref_slice %arg10[%add3A_632, %dma_wait3A_633] : memref<40x128xi32, #tpu.memory_space<vmem>> -> memref<1x128xi32, #tpu.memory_space<vmem>>
        %dma_wait3A_635 = tpu.memref_squeeze %dma_wait3A_634 : memref<1x128xi32, #tpu.memory_space<vmem>> -> memref<128xi32, #tpu.memory_space<vmem>>
        %dma_wait3A_636 = arith.constant 0 : i32
        %dma_wait3A_637 = tpu.memref_slice %arg6[%dma_wait3A_636] : memref<10240xf32, #tpu.memory_space<hbm>> -> memref<10240xf32, #tpu.memory_space<hbm>>
        tpu.wait_indirect_dma semaphore(%arg25 : memref<!tpu.dma_semaphore, #tpu.memory_space<semaphore_mem>>) src(%dma_wait3A_637 : memref<10240xf32, #tpu.memory_space<hbm>>) dst(%arg12 : memref<128xf32, #tpu.memory_space<vmem>>)
        %dma_wait3A_638 = arith.constant 0 : i32
        %dma_wait3A_639 = arith.constant 0 : i32
        %dma_wait3A_640 = tpu.memref_slice %arg13[%dma_wait3A_638, %dma_wait3A_639] : memref<1x128xi32, #tpu.memory_space<vmem>> -> memref<1x128xi32, #tpu.memory_space<vmem>>
        %dma_wait3A_641 = tpu.memref_squeeze %dma_wait3A_640 : memref<1x128xi32, #tpu.memory_space<vmem>> -> memref<128xi32, #tpu.memory_space<vmem>>
        %dma_wait3A_642 = arith.constant 0 : i32
        %dma_wait3A_643 = tpu.memref_slice %arg19[%dma_wait3A_642] : memref<10240xf32, #tpu.memory_space<vmem_shared>> -> memref<10240xf32, #tpu.memory_space<vmem_shared>>
        tpu.wait_indirect_dma semaphore(%arg26 : memref<!tpu.dma_semaphore, #tpu.memory_space<semaphore_mem>>) src(%arg11 : memref<128xf32, #tpu.memory_space<vmem>>) dst(%dma_wait3A_643 : memref<10240xf32, #tpu.memory_space<vmem_shared>>)
        %add3A_644 = arith.constant 2 : i32
        %add3A_645 = arith.addi %mul3A_567, %add3A_644 : i32
        %lt3A_646 = arith.constant 40 : i32
        %lt3A_647 = arith.cmpi slt, %add3A_645, %lt3A_646 : i32
        %convert_element_type3A_648 = arith.extui %lt3A_647 : i1 to i32
        %cond3A_649 = arith.constant 0 : i32
        %cond3A_650 = arith.cmpi ne, %convert_element_type3A_648, %cond3A_649 : i32
        scf.if %cond3A_650 {
          %add3A_666 = arith.constant 2 : i32
          %add3A_667 = arith.addi %mul3A_567, %add3A_666 : i32
          %dma_start3A_668 = arith.constant 0 : i32
          %dma_start3A_669 = tpu.memref_slice %arg10[%add3A_667, %dma_start3A_668] : memref<40x128xi32, #tpu.memory_space<vmem>> -> memref<1x128xi32, #tpu.memory_space<vmem>>
          %dma_start3A_670 = tpu.memref_squeeze %dma_start3A_669 : memref<1x128xi32, #tpu.memory_space<vmem>> -> memref<128xi32, #tpu.memory_space<vmem>>
          %dma_start3A_671 = arith.constant 0 : i32
          %dma_start3A_672 = tpu.memref_slice %arg6[%dma_start3A_671] : memref<10240xf32, #tpu.memory_space<hbm>> -> memref<10240xf32, #tpu.memory_space<hbm>>
          tpu.enqueue_indirect_dma source(%dma_start3A_672 : memref<10240xf32, #tpu.memory_space<hbm>>) target(%arg11 : memref<128xf32, #tpu.memory_space<vmem>>) offsets(%dma_start3A_670 : memref<128xi32, #tpu.memory_space<vmem>>) semaphore(%arg24 : memref<!tpu.dma_semaphore, #tpu.memory_space<semaphore_mem>>)
        } else {
        }
        %add3A_651 = arith.constant 1 : i32
        %add3A_652 = arith.addi %mul3A_567, %add3A_651 : i32
        %scan3A_653 = arith.constant 0 : i32
        %scan3A_654 = arith.constant 0 : i32
        %scan3A_655 = arith.constant 8 : i32
        %scan3A_656 = arith.addi %scan3A_654, %scan3A_655 : i32
        %scan3A_657 = arith.constant 1 : i32
        %scan3A_658 = scf.for %scan3A_666 = %scan3A_654 to %scan3A_656 step %scan3A_657 iter_args(%scan3A_667 = %scan3A_653) -> (i32)  : i32 {
          %mul3A_668 = arith.constant 16 : i32
          %mul3A_669 = arith.muli %scan3A_666, %mul3A_668 : i32
          %get3A = arith.index_cast %add3A_652 : i32 to index
          %get3A_670 = arith.index_cast %mul3A_669 : i32 to index
          %get3A_671 = tpu.vector_load %arg9[%get3A, %get3A_670] {strides = array<i32>} : memref<40x128xi32, #tpu.memory_space<vmem>>, vector<1x16xi32>,
          %get3A_672 = vector.shape_cast %get3A_671 : vector<1x16xi32> to vector<16xi32>
          %sub3A = vector.broadcast %mul3A_11 : i32 to vector<16xi32>
          %sub3A_673 = arith.subi %get3A_672, %sub3A : vector<16xi32>
          %mul3A_674 = arith.constant 16 : i32
          %mul3A_675 = arith.muli %scan3A_666, %mul3A_674 : i32
          %swap3A = arith.constant 0 : i32
          %swap3A_676 = arith.index_cast %swap3A : i32 to index
          %swap3A_677 = arith.index_cast %mul3A_675 : i32 to index
          %swap3A_678 = tpu.vector_load %arg14[%swap3A_676, %swap3A_677] {strides = array<i32>} : memref<1x128xi32, #tpu.memory_space<vmem>>, vector<1x16xi32>,
          %swap3A_679 = vector.shape_cast %swap3A_678 : vector<1x16xi32> to vector<16xi32>
          %swap3A_680 = vector.shape_cast %sub3A_673 : vector<16xi32> to vector<1x16xi32>
          tpu.vector_store %arg14[%swap3A_676, %swap3A_677], %swap3A_680 {strides = array<i32>} : memref<1x128xi32, #tpu.memory_space<vmem>>, vector<1x16xi32>,
          %scan3A_681 = arith.constant 0 : i32
          scf.yield %scan3A_681 : i32
        }
        %scan3A_659 = arith.constant 8 : i32
        %dma_start3A_660 = arith.constant 0 : i32
        %dma_start3A_661 = arith.constant 0 : i32
        %dma_start3A_662 = tpu.memref_slice %arg14[%dma_start3A_660, %dma_start3A_661] : memref<1x128xi32, #tpu.memory_space<vmem>> -> memref<1x128xi32, #tpu.memory_space<vmem>>
        %dma_start3A_663 = tpu.memref_squeeze %dma_start3A_662 : memref<1x128xi32, #tpu.memory_space<vmem>> -> memref<128xi32, #tpu.memory_space<vmem>>
        %dma_start3A_664 = arith.constant 0 : i32
        %dma_start3A_665 = tpu.memref_slice %arg19[%dma_start3A_664] : memref<10240xf32, #tpu.memory_space<vmem_shared>> -> memref<10240xf32, #tpu.memory_space<vmem_shared>>
        tpu.enqueue_indirect_dma source(%arg12 : memref<128xf32, #tpu.memory_space<vmem>>) target(%dma_start3A_665 : memref<10240xf32, #tpu.memory_space<vmem_shared>>) offsets(%dma_start3A_663 : memref<128xi32, #tpu.memory_space<vmem>>) semaphore(%arg27 : memref<!tpu.dma_semaphore, #tpu.memory_space<semaphore_mem>>) {add = true}
      } else {
      }
      %scan3A_630 = arith.constant 0 : i32
      scf.yield %scan3A_630 : i32
    }
    %scan3A_152 = arith.constant 20 : i32
    %dma_wait3A_153 = arith.constant 39 : i32
    %dma_wait3A_154 = arith.constant 0 : i32
    %dma_wait3A_155 = tpu.memref_slice %arg10[%dma_wait3A_153, %dma_wait3A_154] : memref<40x128xi32, #tpu.memory_space<vmem>> -> memref<1x128xi32, #tpu.memory_space<vmem>>
    %dma_wait3A_156 = tpu.memref_squeeze %dma_wait3A_155 : memref<1x128xi32, #tpu.memory_space<vmem>> -> memref<128xi32, #tpu.memory_space<vmem>>
    %dma_wait3A_157 = arith.constant 0 : i32
    %dma_wait3A_158 = arith.constant 0 : i32
    %dma_wait3A_159 = tpu.memref_slice %arg18[%dma_wait3A_157, %dma_wait3A_158] : memref<10240x128xf32, #tpu.memory_space<vmem_shared>> -> memref<10240x128xf32, #tpu.memory_space<vmem_shared>>
    tpu.wait_indirect_dma semaphore(%arg23 : memref<!tpu.dma_semaphore, #tpu.memory_space<semaphore_mem>>) src(%arg17 : memref<128x128xf32, #tpu.memory_space<vmem>>) dst(%dma_wait3A_159 : memref<10240x128xf32, #tpu.memory_space<vmem_shared>>)
    %eq3A_160 = arith.constant 0 : i32
    %eq3A_161 = arith.cmpi eq, %arg0, %eq3A_160 : i32
    %convert_element_type3A_162 = arith.extui %eq3A_161 : i1 to i32
    %cond3A_163 = arith.constant 0 : i32
    %cond3A_164 = arith.cmpi ne, %convert_element_type3A_162, %cond3A_163 : i32
    scf.if %cond3A_164 {
      %dma_wait3A_564 = arith.constant 0 : i32
      %dma_wait3A_565 = arith.constant 0 : i32
      %dma_wait3A_566 = tpu.memref_slice %arg14[%dma_wait3A_564, %dma_wait3A_565] : memref<1x128xi32, #tpu.memory_space<vmem>> -> memref<1x128xi32, #tpu.memory_space<vmem>>
      %dma_wait3A_567 = tpu.memref_squeeze %dma_wait3A_566 : memref<1x128xi32, #tpu.memory_space<vmem>> -> memref<128xi32, #tpu.memory_space<vmem>>
      %dma_wait3A_568 = arith.constant 0 : i32
      %dma_wait3A_569 = tpu.memref_slice %arg19[%dma_wait3A_568] : memref<10240xf32, #tpu.memory_space<vmem_shared>> -> memref<10240xf32, #tpu.memory_space<vmem_shared>>
      tpu.wait_indirect_dma semaphore(%arg27 : memref<!tpu.dma_semaphore, #tpu.memory_space<semaphore_mem>>) src(%arg12 : memref<128xf32, #tpu.memory_space<vmem>>) dst(%dma_wait3A_569 : memref<10240xf32, #tpu.memory_space<vmem_shared>>)
    } else {
    }
    "tpu.region"() ({
      %run_scoped3A = tpu.sem_alloc : memref<!tpu.dma_semaphore, #tpu.memory_space<semaphore_mem>>
      %dma_start3A_564 = arith.constant 40 : i32
      %dma_start3A_565 = arith.constant 0 : i32
      %dma_start3A_566 = tpu.memref_slice %arg3[%add3A_9, %arg1, %dma_start3A_564, %dma_start3A_565] : memref<4x16x80x128xi32, #tpu.memory_space<hbm>> -> memref<1x1x40x128xi32, #tpu.memory_space<hbm>>
      %dma_start3A_567 = tpu.memref_squeeze %dma_start3A_566 : memref<1x1x40x128xi32, #tpu.memory_space<hbm>> -> memref<40x128xi32, #tpu.memory_space<hbm>>
      %dma_start3A_568 = arith.constant 40 : i32
      %dma_start3A_569 = arith.constant 0 : i32
      %dma_start3A_570 = tpu.memref_slice %arg3[%add3A_9, %arg1, %dma_start3A_568, %dma_start3A_569] : memref<4x16x80x128xi32, #tpu.memory_space<hbm>> -> memref<1x1x40x128xi32, #tpu.memory_space<hbm>>
      %dma_start3A_571 = tpu.memref_squeeze %dma_start3A_570 : memref<1x1x40x128xi32, #tpu.memory_space<hbm>> -> memref<40x128xi32, #tpu.memory_space<hbm>>
      tpu.enqueue_dma source(%dma_start3A_571 : memref<40x128xi32, #tpu.memory_space<hbm>>) target(%arg9 : memref<40x128xi32, #tpu.memory_space<vmem>>) target_semaphore(%run_scoped3A : memref<!tpu.dma_semaphore, #tpu.memory_space<semaphore_mem>>)
      %dma_wait3A_572 = arith.constant 40 : i32
      %dma_wait3A_573 = arith.constant 0 : i32
      %dma_wait3A_574 = tpu.memref_slice %arg3[%add3A_9, %arg1, %dma_wait3A_572, %dma_wait3A_573] : memref<4x16x80x128xi32, #tpu.memory_space<hbm>> -> memref<1x1x40x128xi32, #tpu.memory_space<hbm>>
      %dma_wait3A_575 = tpu.memref_squeeze %dma_wait3A_574 : memref<1x1x40x128xi32, #tpu.memory_space<hbm>> -> memref<40x128xi32, #tpu.memory_space<hbm>>
      %dma_wait3A_576 = arith.constant 40 : i32
      %dma_wait3A_577 = arith.constant 0 : i32
      %dma_wait3A_578 = tpu.memref_slice %arg3[%add3A_9, %arg1, %dma_wait3A_576, %dma_wait3A_577] : memref<4x16x80x128xi32, #tpu.memory_space<hbm>> -> memref<1x1x40x128xi32, #tpu.memory_space<hbm>>
      %dma_wait3A_579 = tpu.memref_squeeze %dma_wait3A_578 : memref<1x1x40x128xi32, #tpu.memory_space<hbm>> -> memref<40x128xi32, #tpu.memory_space<hbm>>
      tpu.wait_dma2 semaphore(%run_scoped3A : memref<!tpu.dma_semaphore, #tpu.memory_space<semaphore_mem>>) src(%dma_wait3A_579 : memref<40x128xi32, #tpu.memory_space<hbm>>) dst(%arg9 : memref<40x128xi32, #tpu.memory_space<vmem>>)
      tpu.yield
    }) : () -> ()
    "tpu.region"() ({
      %run_scoped3A = tpu.sem_alloc : memref<!tpu.dma_semaphore, #tpu.memory_space<semaphore_mem>>
      %dma_start3A_564 = arith.constant 40 : i32
      %dma_start3A_565 = arith.constant 0 : i32
      %dma_start3A_566 = tpu.memref_slice %arg4[%arg1, %dma_start3A_564, %dma_start3A_565] : memref<16x80x128xi32, #tpu.memory_space<hbm>> -> memref<1x40x128xi32, #tpu.memory_space<hbm>>
      %dma_start3A_567 = tpu.memref_squeeze %dma_start3A_566 : memref<1x40x128xi32, #tpu.memory_space<hbm>> -> memref<40x128xi32, #tpu.memory_space<hbm>>
      %dma_start3A_568 = arith.constant 40 : i32
      %dma_start3A_569 = arith.constant 0 : i32
      %dma_start3A_570 = tpu.memref_slice %arg4[%arg1, %dma_start3A_568, %dma_start3A_569] : memref<16x80x128xi32, #tpu.memory_space<hbm>> -> memref<1x40x128xi32, #tpu.memory_space<hbm>>
      %dma_start3A_571 = tpu.memref_squeeze %dma_start3A_570 : memref<1x40x128xi32, #tpu.memory_space<hbm>> -> memref<40x128xi32, #tpu.memory_space<hbm>>
      tpu.enqueue_dma source(%dma_start3A_571 : memref<40x128xi32, #tpu.memory_space<hbm>>) target(%arg10 : memref<40x128xi32, #tpu.memory_space<vmem>>) target_semaphore(%run_scoped3A : memref<!tpu.dma_semaphore, #tpu.memory_space<semaphore_mem>>)
      %dma_wait3A_572 = arith.constant 40 : i32
      %dma_wait3A_573 = arith.constant 0 : i32
      %dma_wait3A_574 = tpu.memref_slice %arg4[%arg1, %dma_wait3A_572, %dma_wait3A_573] : memref<16x80x128xi32, #tpu.memory_space<hbm>> -> memref<1x40x128xi32, #tpu.memory_space<hbm>>
      %dma_wait3A_575 = tpu.memref_squeeze %dma_wait3A_574 : memref<1x40x128xi32, #tpu.memory_space<hbm>> -> memref<40x128xi32, #tpu.memory_space<hbm>>
      %dma_wait3A_576 = arith.constant 40 : i32
      %dma_wait3A_577 = arith.constant 0 : i32
      %dma_wait3A_578 = tpu.memref_slice %arg4[%arg1, %dma_wait3A_576, %dma_wait3A_577] : memref<16x80x128xi32, #tpu.memory_space<hbm>> -> memref<1x40x128xi32, #tpu.memory_space<hbm>>
      %dma_wait3A_579 = tpu.memref_squeeze %dma_wait3A_578 : memref<1x40x128xi32, #tpu.memory_space<hbm>> -> memref<40x128xi32, #tpu.memory_space<hbm>>
      tpu.wait_dma2 semaphore(%run_scoped3A : memref<!tpu.dma_semaphore, #tpu.memory_space<semaphore_mem>>) src(%dma_wait3A_579 : memref<40x128xi32, #tpu.memory_space<hbm>>) dst(%arg10 : memref<40x128xi32, #tpu.memory_space<vmem>>)
      tpu.yield
    }) : () -> ()
    %dma_start3A_165 = arith.constant 0 : i32
    %dma_start3A_166 = arith.constant 0 : i32
    %dma_start3A_167 = tpu.memref_slice %arg9[%dma_start3A_165, %dma_start3A_166] : memref<40x128xi32, #tpu.memory_space<vmem>> -> memref<1x128xi32, #tpu.memory_space<vmem>>
    %dma_start3A_168 = tpu.memref_squeeze %dma_start3A_167 : memref<1x128xi32, #tpu.memory_space<vmem>> -> memref<128xi32, #tpu.memory_space<vmem>>
    %dma_start3A_169 = arith.constant 0 : i32
    %dma_start3A_170 = arith.constant 0 : i32
    %dma_start3A_171 = tpu.memref_slice %arg2[%dma_start3A_169, %dma_start3A_170] : memref<40960x128xf32, #tpu.memory_space<hbm>> -> memref<40960x128xf32, #tpu.memory_space<hbm>>
    tpu.enqueue_indirect_dma source(%dma_start3A_171 : memref<40960x128xf32, #tpu.memory_space<hbm>>) target(%arg16 : memref<128x128xf32, #tpu.memory_space<vmem>>) offsets(%dma_start3A_168 : memref<128xi32, #tpu.memory_space<vmem>>) semaphore(%arg20 : memref<!tpu.dma_semaphore, #tpu.memory_space<semaphore_mem>>)
    %eq3A_172 = arith.constant 1 : i32
    %eq3A_173 = arith.cmpi eq, %arg0, %eq3A_172 : i32
    %convert_element_type3A_174 = arith.extui %eq3A_173 : i1 to i32
    %cond3A_175 = arith.constant 0 : i32
    %cond3A_176 = arith.cmpi ne, %convert_element_type3A_174, %cond3A_175 : i32
    scf.if %cond3A_176 {
      %dma_start3A_564 = arith.constant 0 : i32
      %dma_start3A_565 = arith.constant 0 : i32
      %dma_start3A_566 = tpu.memref_slice %arg10[%dma_start3A_564, %dma_start3A_565] : memref<40x128xi32, #tpu.memory_space<vmem>> -> memref<1x128xi32, #tpu.memory_space<vmem>>
      %dma_start3A_567 = tpu.memref_squeeze %dma_start3A_566 : memref<1x128xi32, #tpu.memory_space<vmem>> -> memref<128xi32, #tpu.memory_space<vmem>>
      %dma_start3A_568 = arith.constant 0 : i32
      %dma_start3A_569 = tpu.memref_slice %arg6[%dma_start3A_568] : memref<10240xf32, #tpu.memory_space<hbm>> -> memref<10240xf32, #tpu.memory_space<hbm>>
      tpu.enqueue_indirect_dma source(%dma_start3A_569 : memref<10240xf32, #tpu.memory_space<hbm>>) target(%arg11 : memref<128xf32, #tpu.memory_space<vmem>>) offsets(%dma_start3A_567 : memref<128xi32, #tpu.memory_space<vmem>>) semaphore(%arg24 : memref<!tpu.dma_semaphore, #tpu.memory_space<semaphore_mem>>)
    } else {
    }
    %scan3A_177 = arith.constant 0 : i32
    %scan3A_178 = arith.constant 0 : i32
    %scan3A_179 = arith.constant 20 : i32
    %scan3A_180 = arith.addi %scan3A_178, %scan3A_179 : i32
    %scan3A_181 = arith.constant 1 : i32
    %scan3A_182 = scf.for %scan3A_564 = %scan3A_178 to %scan3A_180 step %scan3A_181 iter_args(%scan3A_565 = %scan3A_177) -> (i32)  : i32 {
      %mul3A_566 = arith.constant 2 : i32
      %mul3A_567 = arith.muli %mul3A_566, %scan3A_564 : i32
      %dma_wait3A_568 = arith.constant 0 : i32
      %dma_wait3A_569 = tpu.memref_slice %arg9[%mul3A_567, %dma_wait3A_568] : memref<40x128xi32, #tpu.memory_space<vmem>> -> memref<1x128xi32, #tpu.memory_space<vmem>>
      %dma_wait3A_570 = tpu.memref_squeeze %dma_wait3A_569 : memref<1x128xi32, #tpu.memory_space<vmem>> -> memref<128xi32, #tpu.memory_space<vmem>>
      %dma_wait3A_571 = arith.constant 0 : i32
      %dma_wait3A_572 = arith.constant 0 : i32
      %dma_wait3A_573 = tpu.memref_slice %arg2[%dma_wait3A_571, %dma_wait3A_572] : memref<40960x128xf32, #tpu.memory_space<hbm>> -> memref<40960x128xf32, #tpu.memory_space<hbm>>
      tpu.wait_indirect_dma semaphore(%arg20 : memref<!tpu.dma_semaphore, #tpu.memory_space<semaphore_mem>>) src(%dma_wait3A_573 : memref<40960x128xf32, #tpu.memory_space<hbm>>) dst(%arg16 : memref<128x128xf32, #tpu.memory_space<vmem>>)
      %gt3A = arith.constant 0 : i32
      %gt3A_574 = arith.cmpi sgt, %scan3A_564, %gt3A : i32
      %convert_element_type3A_575 = arith.extui %gt3A_574 : i1 to i32
      %cond3A_576 = arith.constant 0 : i32
      %cond3A_577 = arith.cmpi ne, %convert_element_type3A_575, %cond3A_576 : i32
      scf.if %cond3A_577 {
        %sub3A = arith.constant 1 : i32
        %sub3A_631 = arith.subi %mul3A_567, %sub3A : i32
        %dma_wait3A_632 = arith.constant 0 : i32
        %dma_wait3A_633 = tpu.memref_slice %arg10[%sub3A_631, %dma_wait3A_632] : memref<40x128xi32, #tpu.memory_space<vmem>> -> memref<1x128xi32, #tpu.memory_space<vmem>>
        %dma_wait3A_634 = tpu.memref_squeeze %dma_wait3A_633 : memref<1x128xi32, #tpu.memory_space<vmem>> -> memref<128xi32, #tpu.memory_space<vmem>>
        %dma_wait3A_635 = arith.constant 0 : i32
        %dma_wait3A_636 = arith.constant 0 : i32
        %dma_wait3A_637 = tpu.memref_slice %arg18[%dma_wait3A_635, %dma_wait3A_636] : memref<10240x128xf32, #tpu.memory_space<vmem_shared>> -> memref<10240x128xf32, #tpu.memory_space<vmem_shared>>
        tpu.wait_indirect_dma semaphore(%arg23 : memref<!tpu.dma_semaphore, #tpu.memory_space<semaphore_mem>>) src(%arg17 : memref<128x128xf32, #tpu.memory_space<vmem>>) dst(%dma_wait3A_637 : memref<10240x128xf32, #tpu.memory_space<vmem_shared>>)
      } else {
      }
      %add3A_578 = arith.constant 1 : i32
      %add3A_579 = arith.addi %mul3A_567, %add3A_578 : i32
      %dma_start3A_580 = arith.constant 0 : i32
      %dma_start3A_581 = tpu.memref_slice %arg9[%add3A_579, %dma_start3A_580] : memref<40x128xi32, #tpu.memory_space<vmem>> -> memref<1x128xi32, #tpu.memory_space<vmem>>
      %dma_start3A_582 = tpu.memref_squeeze %dma_start3A_581 : memref<1x128xi32, #tpu.memory_space<vmem>> -> memref<128xi32, #tpu.memory_space<vmem>>
      %dma_start3A_583 = arith.constant 0 : i32
      %dma_start3A_584 = arith.constant 0 : i32
      %dma_start3A_585 = tpu.memref_slice %arg2[%dma_start3A_583, %dma_start3A_584] : memref<40960x128xf32, #tpu.memory_space<hbm>> -> memref<40960x128xf32, #tpu.memory_space<hbm>>
      tpu.enqueue_indirect_dma source(%dma_start3A_585 : memref<40960x128xf32, #tpu.memory_space<hbm>>) target(%arg17 : memref<128x128xf32, #tpu.memory_space<vmem>>) offsets(%dma_start3A_582 : memref<128xi32, #tpu.memory_space<vmem>>) semaphore(%arg21 : memref<!tpu.dma_semaphore, #tpu.memory_space<semaphore_mem>>)
      %dma_start3A_586 = arith.constant 0 : i32
      %dma_start3A_587 = tpu.memref_slice %arg10[%mul3A_567, %dma_start3A_586] : memref<40x128xi32, #tpu.memory_space<vmem>> -> memref<1x128xi32, #tpu.memory_space<vmem>>
      %dma_start3A_588 = tpu.memref_squeeze %dma_start3A_587 : memref<1x128xi32, #tpu.memory_space<vmem>> -> memref<128xi32, #tpu.memory_space<vmem>>
      %dma_start3A_589 = arith.constant 0 : i32
      %dma_start3A_590 = arith.constant 0 : i32
      %dma_start3A_591 = tpu.memref_slice %arg18[%dma_start3A_589, %dma_start3A_590] : memref<10240x128xf32, #tpu.memory_space<vmem_shared>> -> memref<10240x128xf32, #tpu.memory_space<vmem_shared>>
      tpu.enqueue_indirect_dma source(%arg16 : memref<128x128xf32, #tpu.memory_space<vmem>>) target(%dma_start3A_591 : memref<10240x128xf32, #tpu.memory_space<vmem_shared>>) offsets(%dma_start3A_588 : memref<128xi32, #tpu.memory_space<vmem>>) semaphore(%arg22 : memref<!tpu.dma_semaphore, #tpu.memory_space<semaphore_mem>>) {add = true}
      %eq3A_592 = arith.constant 1 : i32
      %eq3A_593 = arith.cmpi eq, %arg0, %eq3A_592 : i32
      %convert_element_type3A_594 = arith.extui %eq3A_593 : i1 to i32
      %cond3A_595 = arith.constant 0 : i32
      %cond3A_596 = arith.cmpi ne, %convert_element_type3A_594, %cond3A_595 : i32
      scf.if %cond3A_596 {
        %dma_wait3A_631 = arith.constant 0 : i32
        %dma_wait3A_632 = tpu.memref_slice %arg10[%mul3A_567, %dma_wait3A_631] : memref<40x128xi32, #tpu.memory_space<vmem>> -> memref<1x128xi32, #tpu.memory_space<vmem>>
        %dma_wait3A_633 = tpu.memref_squeeze %dma_wait3A_632 : memref<1x128xi32, #tpu.memory_space<vmem>> -> memref<128xi32, #tpu.memory_space<vmem>>
        %dma_wait3A_634 = arith.constant 0 : i32
        %dma_wait3A_635 = tpu.memref_slice %arg6[%dma_wait3A_634] : memref<10240xf32, #tpu.memory_space<hbm>> -> memref<10240xf32, #tpu.memory_space<hbm>>
        tpu.wait_indirect_dma semaphore(%arg24 : memref<!tpu.dma_semaphore, #tpu.memory_space<semaphore_mem>>) src(%dma_wait3A_635 : memref<10240xf32, #tpu.memory_space<hbm>>) dst(%arg11 : memref<128xf32, #tpu.memory_space<vmem>>)
        %gt3A_636 = arith.constant 0 : i32
        %gt3A_637 = arith.cmpi sgt, %scan3A_564, %gt3A_636 : i32
        %convert_element_type3A_638 = arith.extui %gt3A_637 : i1 to i32
        %cond3A_639 = arith.constant 0 : i32
        %cond3A_640 = arith.cmpi ne, %convert_element_type3A_638, %cond3A_639 : i32
        scf.if %cond3A_640 {
          %dma_wait3A_661 = arith.constant 0 : i32
          %dma_wait3A_662 = arith.constant 0 : i32
          %dma_wait3A_663 = tpu.memref_slice %arg14[%dma_wait3A_661, %dma_wait3A_662] : memref<1x128xi32, #tpu.memory_space<vmem>> -> memref<1x128xi32, #tpu.memory_space<vmem>>
          %dma_wait3A_664 = tpu.memref_squeeze %dma_wait3A_663 : memref<1x128xi32, #tpu.memory_space<vmem>> -> memref<128xi32, #tpu.memory_space<vmem>>
          %dma_wait3A_665 = arith.constant 0 : i32
          %dma_wait3A_666 = tpu.memref_slice %arg19[%dma_wait3A_665] : memref<10240xf32, #tpu.memory_space<vmem_shared>> -> memref<10240xf32, #tpu.memory_space<vmem_shared>>
          tpu.wait_indirect_dma semaphore(%arg27 : memref<!tpu.dma_semaphore, #tpu.memory_space<semaphore_mem>>) src(%arg12 : memref<128xf32, #tpu.memory_space<vmem>>) dst(%dma_wait3A_666 : memref<10240xf32, #tpu.memory_space<vmem_shared>>)
        } else {
        }
        %add3A_641 = arith.constant 1 : i32
        %add3A_642 = arith.addi %mul3A_567, %add3A_641 : i32
        %dma_start3A_643 = arith.constant 0 : i32
        %dma_start3A_644 = tpu.memref_slice %arg10[%add3A_642, %dma_start3A_643] : memref<40x128xi32, #tpu.memory_space<vmem>> -> memref<1x128xi32, #tpu.memory_space<vmem>>
        %dma_start3A_645 = tpu.memref_squeeze %dma_start3A_644 : memref<1x128xi32, #tpu.memory_space<vmem>> -> memref<128xi32, #tpu.memory_space<vmem>>
        %dma_start3A_646 = arith.constant 0 : i32
        %dma_start3A_647 = tpu.memref_slice %arg6[%dma_start3A_646] : memref<10240xf32, #tpu.memory_space<hbm>> -> memref<10240xf32, #tpu.memory_space<hbm>>
        tpu.enqueue_indirect_dma source(%dma_start3A_647 : memref<10240xf32, #tpu.memory_space<hbm>>) target(%arg12 : memref<128xf32, #tpu.memory_space<vmem>>) offsets(%dma_start3A_645 : memref<128xi32, #tpu.memory_space<vmem>>) semaphore(%arg25 : memref<!tpu.dma_semaphore, #tpu.memory_space<semaphore_mem>>)
        %scan3A_648 = arith.constant 0 : i32
        %scan3A_649 = arith.constant 0 : i32
        %scan3A_650 = arith.constant 8 : i32
        %scan3A_651 = arith.addi %scan3A_649, %scan3A_650 : i32
        %scan3A_652 = arith.constant 1 : i32
        %scan3A_653 = scf.for %scan3A_661 = %scan3A_649 to %scan3A_651 step %scan3A_652 iter_args(%scan3A_662 = %scan3A_648) -> (i32)  : i32 {
          %mul3A_663 = arith.constant 16 : i32
          %mul3A_664 = arith.muli %scan3A_661, %mul3A_663 : i32
          %get3A = arith.index_cast %mul3A_567 : i32 to index
          %get3A_665 = arith.index_cast %mul3A_664 : i32 to index
          %get3A_666 = tpu.vector_load %arg9[%get3A, %get3A_665] {strides = array<i32>} : memref<40x128xi32, #tpu.memory_space<vmem>>, vector<1x16xi32>,
          %get3A_667 = vector.shape_cast %get3A_666 : vector<1x16xi32> to vector<16xi32>
          %sub3A = vector.broadcast %mul3A_11 : i32 to vector<16xi32>
          %sub3A_668 = arith.subi %get3A_667, %sub3A : vector<16xi32>
          %mul3A_669 = arith.constant 16 : i32
          %mul3A_670 = arith.muli %scan3A_661, %mul3A_669 : i32
          %swap3A = arith.constant 0 : i32
          %swap3A_671 = arith.index_cast %swap3A : i32 to index
          %swap3A_672 = arith.index_cast %mul3A_670 : i32 to index
          %swap3A_673 = tpu.vector_load %arg13[%swap3A_671, %swap3A_672] {strides = array<i32>} : memref<1x128xi32, #tpu.memory_space<vmem>>, vector<1x16xi32>,
          %swap3A_674 = vector.shape_cast %swap3A_673 : vector<1x16xi32> to vector<16xi32>
          %swap3A_675 = vector.shape_cast %sub3A_668 : vector<16xi32> to vector<1x16xi32>
          tpu.vector_store %arg13[%swap3A_671, %swap3A_672], %swap3A_675 {strides = array<i32>} : memref<1x128xi32, #tpu.memory_space<vmem>>, vector<1x16xi32>,
          %scan3A_676 = arith.constant 0 : i32
          scf.yield %scan3A_676 : i32
        }
        %scan3A_654 = arith.constant 8 : i32
        %dma_start3A_655 = arith.constant 0 : i32
        %dma_start3A_656 = arith.constant 0 : i32
        %dma_start3A_657 = tpu.memref_slice %arg13[%dma_start3A_655, %dma_start3A_656] : memref<1x128xi32, #tpu.memory_space<vmem>> -> memref<1x128xi32, #tpu.memory_space<vmem>>
        %dma_start3A_658 = tpu.memref_squeeze %dma_start3A_657 : memref<1x128xi32, #tpu.memory_space<vmem>> -> memref<128xi32, #tpu.memory_space<vmem>>
        %dma_start3A_659 = arith.constant 0 : i32
        %dma_start3A_660 = tpu.memref_slice %arg19[%dma_start3A_659] : memref<10240xf32, #tpu.memory_space<vmem_shared>> -> memref<10240xf32, #tpu.memory_space<vmem_shared>>
        tpu.enqueue_indirect_dma source(%arg11 : memref<128xf32, #tpu.memory_space<vmem>>) target(%dma_start3A_660 : memref<10240xf32, #tpu.memory_space<vmem_shared>>) offsets(%dma_start3A_658 : memref<128xi32, #tpu.memory_space<vmem>>) semaphore(%arg26 : memref<!tpu.dma_semaphore, #tpu.memory_space<semaphore_mem>>) {add = true}
      } else {
      }
      %add3A_597 = arith.constant 1 : i32
      %add3A_598 = arith.addi %mul3A_567, %add3A_597 : i32
      %dma_wait3A_599 = arith.constant 0 : i32
      %dma_wait3A_600 = tpu.memref_slice %arg9[%add3A_598, %dma_wait3A_599] : memref<40x128xi32, #tpu.memory_space<vmem>> -> memref<1x128xi32, #tpu.memory_space<vmem>>
      %dma_wait3A_601 = tpu.memref_squeeze %dma_wait3A_600 : memref<1x128xi32, #tpu.memory_space<vmem>> -> memref<128xi32, #tpu.memory_space<vmem>>
      %dma_wait3A_602 = arith.constant 0 : i32
      %dma_wait3A_603 = arith.constant 0 : i32
      %dma_wait3A_604 = tpu.memref_slice %arg2[%dma_wait3A_602, %dma_wait3A_603] : memref<40960x128xf32, #tpu.memory_space<hbm>> -> memref<40960x128xf32, #tpu.memory_space<hbm>>
      tpu.wait_indirect_dma semaphore(%arg21 : memref<!tpu.dma_semaphore, #tpu.memory_space<semaphore_mem>>) src(%dma_wait3A_604 : memref<40960x128xf32, #tpu.memory_space<hbm>>) dst(%arg17 : memref<128x128xf32, #tpu.memory_space<vmem>>)
      %dma_wait3A_605 = arith.constant 0 : i32
      %dma_wait3A_606 = tpu.memref_slice %arg10[%mul3A_567, %dma_wait3A_605] : memref<40x128xi32, #tpu.memory_space<vmem>> -> memref<1x128xi32, #tpu.memory_space<vmem>>
      %dma_wait3A_607 = tpu.memref_squeeze %dma_wait3A_606 : memref<1x128xi32, #tpu.memory_space<vmem>> -> memref<128xi32, #tpu.memory_space<vmem>>
      %dma_wait3A_608 = arith.constant 0 : i32
      %dma_wait3A_609 = arith.constant 0 : i32
      %dma_wait3A_610 = tpu.memref_slice %arg18[%dma_wait3A_608, %dma_wait3A_609] : memref<10240x128xf32, #tpu.memory_space<vmem_shared>> -> memref<10240x128xf32, #tpu.memory_space<vmem_shared>>
      tpu.wait_indirect_dma semaphore(%arg22 : memref<!tpu.dma_semaphore, #tpu.memory_space<semaphore_mem>>) src(%arg16 : memref<128x128xf32, #tpu.memory_space<vmem>>) dst(%dma_wait3A_610 : memref<10240x128xf32, #tpu.memory_space<vmem_shared>>)
      %add3A_611 = arith.constant 2 : i32
      %add3A_612 = arith.addi %mul3A_567, %add3A_611 : i32
      %lt3A = arith.constant 40 : i32
      %lt3A_613 = arith.cmpi slt, %add3A_612, %lt3A : i32
      %convert_element_type3A_614 = arith.extui %lt3A_613 : i1 to i32
      %cond3A_615 = arith.constant 0 : i32
      %cond3A_616 = arith.cmpi ne, %convert_element_type3A_614, %cond3A_615 : i32
      scf.if %cond3A_616 {
        %add3A_631 = arith.constant 2 : i32
        %add3A_632 = arith.addi %mul3A_567, %add3A_631 : i32
        %dma_start3A_633 = arith.constant 0 : i32
        %dma_start3A_634 = tpu.memref_slice %arg9[%add3A_632, %dma_start3A_633] : memref<40x128xi32, #tpu.memory_space<vmem>> -> memref<1x128xi32, #tpu.memory_space<vmem>>
        %dma_start3A_635 = tpu.memref_squeeze %dma_start3A_634 : memref<1x128xi32, #tpu.memory_space<vmem>> -> memref<128xi32, #tpu.memory_space<vmem>>
        %dma_start3A_636 = arith.constant 0 : i32
        %dma_start3A_637 = arith.constant 0 : i32
        %dma_start3A_638 = tpu.memref_slice %arg2[%dma_start3A_636, %dma_start3A_637] : memref<40960x128xf32, #tpu.memory_space<hbm>> -> memref<40960x128xf32, #tpu.memory_space<hbm>>
        tpu.enqueue_indirect_dma source(%dma_start3A_638 : memref<40960x128xf32, #tpu.memory_space<hbm>>) target(%arg16 : memref<128x128xf32, #tpu.memory_space<vmem>>) offsets(%dma_start3A_635 : memref<128xi32, #tpu.memory_space<vmem>>) semaphore(%arg20 : memref<!tpu.dma_semaphore, #tpu.memory_space<semaphore_mem>>)
      } else {
      }
      %add3A_617 = arith.constant 1 : i32
      %add3A_618 = arith.addi %mul3A_567, %add3A_617 : i32
      %dma_start3A_619 = arith.constant 0 : i32
      %dma_start3A_620 = tpu.memref_slice %arg10[%add3A_618, %dma_start3A_619] : memref<40x128xi32, #tpu.memory_space<vmem>> -> memref<1x128xi32, #tpu.memory_space<vmem>>
      %dma_start3A_621 = tpu.memref_squeeze %dma_start3A_620 : memref<1x128xi32, #tpu.memory_space<vmem>> -> memref<128xi32, #tpu.memory_space<vmem>>
      %dma_start3A_622 = arith.constant 0 : i32
      %dma_start3A_623 = arith.constant 0 : i32
      %dma_start3A_624 = tpu.memref_slice %arg18[%dma_start3A_622, %dma_start3A_623] : memref<10240x128xf32, #tpu.memory_space<vmem_shared>> -> memref<10240x128xf32, #tpu.memory_space<vmem_shared>>
      tpu.enqueue_indirect_dma source(%arg17 : memref<128x128xf32, #tpu.memory_space<vmem>>) target(%dma_start3A_624 : memref<10240x128xf32, #tpu.memory_space<vmem_shared>>) offsets(%dma_start3A_621 : memref<128xi32, #tpu.memory_space<vmem>>) semaphore(%arg23 : memref<!tpu.dma_semaphore, #tpu.memory_space<semaphore_mem>>) {add = true}
      %eq3A_625 = arith.constant 1 : i32
      %eq3A_626 = arith.cmpi eq, %arg0, %eq3A_625 : i32
      %convert_element_type3A_627 = arith.extui %eq3A_626 : i1 to i32
      %cond3A_628 = arith.constant 0 : i32
      %cond3A_629 = arith.cmpi ne, %convert_element_type3A_627, %cond3A_628 : i32
      scf.if %cond3A_629 {
        %add3A_631 = arith.constant 1 : i32
        %add3A_632 = arith.addi %mul3A_567, %add3A_631 : i32
        %dma_wait3A_633 = arith.constant 0 : i32
        %dma_wait3A_634 = tpu.memref_slice %arg10[%add3A_632, %dma_wait3A_633] : memref<40x128xi32, #tpu.memory_space<vmem>> -> memref<1x128xi32, #tpu.memory_space<vmem>>
        %dma_wait3A_635 = tpu.memref_squeeze %dma_wait3A_634 : memref<1x128xi32, #tpu.memory_space<vmem>> -> memref<128xi32, #tpu.memory_space<vmem>>
        %dma_wait3A_636 = arith.constant 0 : i32
        %dma_wait3A_637 = tpu.memref_slice %arg6[%dma_wait3A_636] : memref<10240xf32, #tpu.memory_space<hbm>> -> memref<10240xf32, #tpu.memory_space<hbm>>
        tpu.wait_indirect_dma semaphore(%arg25 : memref<!tpu.dma_semaphore, #tpu.memory_space<semaphore_mem>>) src(%dma_wait3A_637 : memref<10240xf32, #tpu.memory_space<hbm>>) dst(%arg12 : memref<128xf32, #tpu.memory_space<vmem>>)
        %dma_wait3A_638 = arith.constant 0 : i32
        %dma_wait3A_639 = arith.constant 0 : i32
        %dma_wait3A_640 = tpu.memref_slice %arg13[%dma_wait3A_638, %dma_wait3A_639] : memref<1x128xi32, #tpu.memory_space<vmem>> -> memref<1x128xi32, #tpu.memory_space<vmem>>
        %dma_wait3A_641 = tpu.memref_squeeze %dma_wait3A_640 : memref<1x128xi32, #tpu.memory_space<vmem>> -> memref<128xi32, #tpu.memory_space<vmem>>
        %dma_wait3A_642 = arith.constant 0 : i32
        %dma_wait3A_643 = tpu.memref_slice %arg19[%dma_wait3A_642] : memref<10240xf32, #tpu.memory_space<vmem_shared>> -> memref<10240xf32, #tpu.memory_space<vmem_shared>>
        tpu.wait_indirect_dma semaphore(%arg26 : memref<!tpu.dma_semaphore, #tpu.memory_space<semaphore_mem>>) src(%arg11 : memref<128xf32, #tpu.memory_space<vmem>>) dst(%dma_wait3A_643 : memref<10240xf32, #tpu.memory_space<vmem_shared>>)
        %add3A_644 = arith.constant 2 : i32
        %add3A_645 = arith.addi %mul3A_567, %add3A_644 : i32
        %lt3A_646 = arith.constant 40 : i32
        %lt3A_647 = arith.cmpi slt, %add3A_645, %lt3A_646 : i32
        %convert_element_type3A_648 = arith.extui %lt3A_647 : i1 to i32
        %cond3A_649 = arith.constant 0 : i32
        %cond3A_650 = arith.cmpi ne, %convert_element_type3A_648, %cond3A_649 : i32
        scf.if %cond3A_650 {
          %add3A_666 = arith.constant 2 : i32
          %add3A_667 = arith.addi %mul3A_567, %add3A_666 : i32
          %dma_start3A_668 = arith.constant 0 : i32
          %dma_start3A_669 = tpu.memref_slice %arg10[%add3A_667, %dma_start3A_668] : memref<40x128xi32, #tpu.memory_space<vmem>> -> memref<1x128xi32, #tpu.memory_space<vmem>>
          %dma_start3A_670 = tpu.memref_squeeze %dma_start3A_669 : memref<1x128xi32, #tpu.memory_space<vmem>> -> memref<128xi32, #tpu.memory_space<vmem>>
          %dma_start3A_671 = arith.constant 0 : i32
          %dma_start3A_672 = tpu.memref_slice %arg6[%dma_start3A_671] : memref<10240xf32, #tpu.memory_space<hbm>> -> memref<10240xf32, #tpu.memory_space<hbm>>
          tpu.enqueue_indirect_dma source(%dma_start3A_672 : memref<10240xf32, #tpu.memory_space<hbm>>) target(%arg11 : memref<128xf32, #tpu.memory_space<vmem>>) offsets(%dma_start3A_670 : memref<128xi32, #tpu.memory_space<vmem>>) semaphore(%arg24 : memref<!tpu.dma_semaphore, #tpu.memory_space<semaphore_mem>>)
        } else {
        }
        %add3A_651 = arith.constant 1 : i32
        %add3A_652 = arith.addi %mul3A_567, %add3A_651 : i32
        %scan3A_653 = arith.constant 0 : i32
        %scan3A_654 = arith.constant 0 : i32
        %scan3A_655 = arith.constant 8 : i32
        %scan3A_656 = arith.addi %scan3A_654, %scan3A_655 : i32
        %scan3A_657 = arith.constant 1 : i32
        %scan3A_658 = scf.for %scan3A_666 = %scan3A_654 to %scan3A_656 step %scan3A_657 iter_args(%scan3A_667 = %scan3A_653) -> (i32)  : i32 {
          %mul3A_668 = arith.constant 16 : i32
          %mul3A_669 = arith.muli %scan3A_666, %mul3A_668 : i32
          %get3A = arith.index_cast %add3A_652 : i32 to index
          %get3A_670 = arith.index_cast %mul3A_669 : i32 to index
          %get3A_671 = tpu.vector_load %arg9[%get3A, %get3A_670] {strides = array<i32>} : memref<40x128xi32, #tpu.memory_space<vmem>>, vector<1x16xi32>,
          %get3A_672 = vector.shape_cast %get3A_671 : vector<1x16xi32> to vector<16xi32>
          %sub3A = vector.broadcast %mul3A_11 : i32 to vector<16xi32>
          %sub3A_673 = arith.subi %get3A_672, %sub3A : vector<16xi32>
          %mul3A_674 = arith.constant 16 : i32
          %mul3A_675 = arith.muli %scan3A_666, %mul3A_674 : i32
          %swap3A = arith.constant 0 : i32
          %swap3A_676 = arith.index_cast %swap3A : i32 to index
          %swap3A_677 = arith.index_cast %mul3A_675 : i32 to index
          %swap3A_678 = tpu.vector_load %arg14[%swap3A_676, %swap3A_677] {strides = array<i32>} : memref<1x128xi32, #tpu.memory_space<vmem>>, vector<1x16xi32>,
          %swap3A_679 = vector.shape_cast %swap3A_678 : vector<1x16xi32> to vector<16xi32>
          %swap3A_680 = vector.shape_cast %sub3A_673 : vector<16xi32> to vector<1x16xi32>
          tpu.vector_store %arg14[%swap3A_676, %swap3A_677], %swap3A_680 {strides = array<i32>} : memref<1x128xi32, #tpu.memory_space<vmem>>, vector<1x16xi32>,
          %scan3A_681 = arith.constant 0 : i32
          scf.yield %scan3A_681 : i32
        }
        %scan3A_659 = arith.constant 8 : i32
        %dma_start3A_660 = arith.constant 0 : i32
        %dma_start3A_661 = arith.constant 0 : i32
        %dma_start3A_662 = tpu.memref_slice %arg14[%dma_start3A_660, %dma_start3A_661] : memref<1x128xi32, #tpu.memory_space<vmem>> -> memref<1x128xi32, #tpu.memory_space<vmem>>
        %dma_start3A_663 = tpu.memref_squeeze %dma_start3A_662 : memref<1x128xi32, #tpu.memory_space<vmem>> -> memref<128xi32, #tpu.memory_space<vmem>>
        %dma_start3A_664 = arith.constant 0 : i32
        %dma_start3A_665 = tpu.memref_slice %arg19[%dma_start3A_664] : memref<10240xf32, #tpu.memory_space<vmem_shared>> -> memref<10240xf32, #tpu.memory_space<vmem_shared>>
        tpu.enqueue_indirect_dma source(%arg12 : memref<128xf32, #tpu.memory_space<vmem>>) target(%dma_start3A_665 : memref<10240xf32, #tpu.memory_space<vmem_shared>>) offsets(%dma_start3A_663 : memref<128xi32, #tpu.memory_space<vmem>>) semaphore(%arg27 : memref<!tpu.dma_semaphore, #tpu.memory_space<semaphore_mem>>) {add = true}
      } else {
      }
      %scan3A_630 = arith.constant 0 : i32
      scf.yield %scan3A_630 : i32
    }
    %scan3A_183 = arith.constant 20 : i32
    %dma_wait3A_184 = arith.constant 39 : i32
    %dma_wait3A_185 = arith.constant 0 : i32
    %dma_wait3A_186 = tpu.memref_slice %arg10[%dma_wait3A_184, %dma_wait3A_185] : memref<40x128xi32, #tpu.memory_space<vmem>> -> memref<1x128xi32, #tpu.memory_space<vmem>>
    %dma_wait3A_187 = tpu.memref_squeeze %dma_wait3A_186 : memref<1x128xi32, #tpu.memory_space<vmem>> -> memref<128xi32, #tpu.memory_space<vmem>>
    %dma_wait3A_188 = arith.constant 0 : i32
    %dma_wait3A_189 = arith.constant 0 : i32
    %dma_wait3A_190 = tpu.memref_slice %arg18[%dma_wait3A_188, %dma_wait3A_189] : memref<10240x128xf32, #tpu.memory_space<vmem_shared>> -> memref<10240x128xf32, #tpu.memory_space<vmem_shared>>
    tpu.wait_indirect_dma semaphore(%arg23 : memref<!tpu.dma_semaphore, #tpu.memory_space<semaphore_mem>>) src(%arg17 : memref<128x128xf32, #tpu.memory_space<vmem>>) dst(%dma_wait3A_190 : memref<10240x128xf32, #tpu.memory_space<vmem_shared>>)
    %eq3A_191 = arith.constant 1 : i32
    %eq3A_192 = arith.cmpi eq, %arg0, %eq3A_191 : i32
    %convert_element_type3A_193 = arith.extui %eq3A_192 : i1 to i32
    %cond3A_194 = arith.constant 0 : i32
    %cond3A_195 = arith.cmpi ne, %convert_element_type3A_193, %cond3A_194 : i32
    scf.if %cond3A_195 {
      %dma_wait3A_564 = arith.constant 0 : i32
      %dma_wait3A_565 = arith.constant 0 : i32
      %dma_wait3A_566 = tpu.memref_slice %arg14[%dma_wait3A_564, %dma_wait3A_565] : memref<1x128xi32, #tpu.memory_space<vmem>> -> memref<1x128xi32, #tpu.memory_space<vmem>>
      %dma_wait3A_567 = tpu.memref_squeeze %dma_wait3A_566 : memref<1x128xi32, #tpu.memory_space<vmem>> -> memref<128xi32, #tpu.memory_space<vmem>>
      %dma_wait3A_568 = arith.constant 0 : i32
      %dma_wait3A_569 = tpu.memref_slice %arg19[%dma_wait3A_568] : memref<10240xf32, #tpu.memory_space<vmem_shared>> -> memref<10240xf32, #tpu.memory_space<vmem_shared>>
      tpu.wait_indirect_dma semaphore(%arg27 : memref<!tpu.dma_semaphore, #tpu.memory_space<semaphore_mem>>) src(%arg12 : memref<128xf32, #tpu.memory_space<vmem>>) dst(%dma_wait3A_569 : memref<10240xf32, #tpu.memory_space<vmem_shared>>)
    } else {
    }
    %barrier3A_196 = arith.constant 0 : index
    tpu.barrier barrier_id(%barrier3A_196)
    %add3A_197 = arith.constant 0 : i32
    %add3A_198 = arith.addi %mul3A_0, %add3A_197 : i32
    %dma_start3A_199 = arith.constant 0 : i32
    %dma_start3A_200 = arith.constant 0 : i32
    %dma_start3A_201 = tpu.memref_slice %arg7[%add3A_9, %dma_start3A_199, %dma_start3A_200] : memref<4x10240x128xf32, #tpu.memory_space<hbm>> -> memref<1x10240x128xf32, #tpu.memory_space<hbm>>
    %dma_start3A_202 = tpu.memref_squeeze %dma_start3A_201 : memref<1x10240x128xf32, #tpu.memory_space<hbm>> -> memref<10240x128xf32, #tpu.memory_space<hbm>>
    %dma_start3A_203 = arith.constant 0 : i32
    %dma_start3A_204 = tpu.memref_slice %dma_start3A_202[%add3A_198, %dma_start3A_203] : memref<10240x128xf32, #tpu.memory_space<hbm>> -> memref<128x128xf32, #tpu.memory_space<hbm>>
    %dma_start3A_205 = arith.constant 0 : i32
    %dma_start3A_206 = tpu.memref_slice %arg18[%add3A_198, %dma_start3A_205] : memref<10240x128xf32, #tpu.memory_space<vmem_shared>> -> memref<128x128xf32, #tpu.memory_space<vmem_shared>>
    tpu.enqueue_dma source(%dma_start3A_206 : memref<128x128xf32, #tpu.memory_space<vmem_shared>>) target(%dma_start3A_204 : memref<128x128xf32, #tpu.memory_space<hbm>>) target_semaphore(%arg20 : memref<!tpu.dma_semaphore, #tpu.memory_space<semaphore_mem>>)
    %add3A_207 = arith.constant 128 : i32
    %add3A_208 = arith.addi %mul3A_0, %add3A_207 : i32
    %dma_start3A_209 = arith.constant 0 : i32
    %dma_start3A_210 = arith.constant 0 : i32
    %dma_start3A_211 = tpu.memref_slice %arg7[%add3A_9, %dma_start3A_209, %dma_start3A_210] : memref<4x10240x128xf32, #tpu.memory_space<hbm>> -> memref<1x10240x128xf32, #tpu.memory_space<hbm>>
    %dma_start3A_212 = tpu.memref_squeeze %dma_start3A_211 : memref<1x10240x128xf32, #tpu.memory_space<hbm>> -> memref<10240x128xf32, #tpu.memory_space<hbm>>
    %dma_start3A_213 = arith.constant 0 : i32
    %dma_start3A_214 = tpu.memref_slice %dma_start3A_212[%add3A_208, %dma_start3A_213] : memref<10240x128xf32, #tpu.memory_space<hbm>> -> memref<128x128xf32, #tpu.memory_space<hbm>>
    %dma_start3A_215 = arith.constant 0 : i32
    %dma_start3A_216 = tpu.memref_slice %arg18[%add3A_208, %dma_start3A_215] : memref<10240x128xf32, #tpu.memory_space<vmem_shared>> -> memref<128x128xf32, #tpu.memory_space<vmem_shared>>
    tpu.enqueue_dma source(%dma_start3A_216 : memref<128x128xf32, #tpu.memory_space<vmem_shared>>) target(%dma_start3A_214 : memref<128x128xf32, #tpu.memory_space<hbm>>) target_semaphore(%arg20 : memref<!tpu.dma_semaphore, #tpu.memory_space<semaphore_mem>>)
    %add3A_217 = arith.constant 256 : i32
    %add3A_218 = arith.addi %mul3A_0, %add3A_217 : i32
    %dma_start3A_219 = arith.constant 0 : i32
    %dma_start3A_220 = arith.constant 0 : i32
    %dma_start3A_221 = tpu.memref_slice %arg7[%add3A_9, %dma_start3A_219, %dma_start3A_220] : memref<4x10240x128xf32, #tpu.memory_space<hbm>> -> memref<1x10240x128xf32, #tpu.memory_space<hbm>>
    %dma_start3A_222 = tpu.memref_squeeze %dma_start3A_221 : memref<1x10240x128xf32, #tpu.memory_space<hbm>> -> memref<10240x128xf32, #tpu.memory_space<hbm>>
    %dma_start3A_223 = arith.constant 0 : i32
    %dma_start3A_224 = tpu.memref_slice %dma_start3A_222[%add3A_218, %dma_start3A_223] : memref<10240x128xf32, #tpu.memory_space<hbm>> -> memref<128x128xf32, #tpu.memory_space<hbm>>
    %dma_start3A_225 = arith.constant 0 : i32
    %dma_start3A_226 = tpu.memref_slice %arg18[%add3A_218, %dma_start3A_225] : memref<10240x128xf32, #tpu.memory_space<vmem_shared>> -> memref<128x128xf32, #tpu.memory_space<vmem_shared>>
    tpu.enqueue_dma source(%dma_start3A_226 : memref<128x128xf32, #tpu.memory_space<vmem_shared>>) target(%dma_start3A_224 : memref<128x128xf32, #tpu.memory_space<hbm>>) target_semaphore(%arg20 : memref<!tpu.dma_semaphore, #tpu.memory_space<semaphore_mem>>)
    %add3A_227 = arith.constant 384 : i32
    %add3A_228 = arith.addi %mul3A_0, %add3A_227 : i32
    %dma_start3A_229 = arith.constant 0 : i32
    %dma_start3A_230 = arith.constant 0 : i32
    %dma_start3A_231 = tpu.memref_slice %arg7[%add3A_9, %dma_start3A_229, %dma_start3A_230] : memref<4x10240x128xf32, #tpu.memory_space<hbm>> -> memref<1x10240x128xf32, #tpu.memory_space<hbm>>
    %dma_start3A_232 = tpu.memref_squeeze %dma_start3A_231 : memref<1x10240x128xf32, #tpu.memory_space<hbm>> -> memref<10240x128xf32, #tpu.memory_space<hbm>>
    %dma_start3A_233 = arith.constant 0 : i32
    %dma_start3A_234 = tpu.memref_slice %dma_start3A_232[%add3A_228, %dma_start3A_233] : memref<10240x128xf32, #tpu.memory_space<hbm>> -> memref<128x128xf32, #tpu.memory_space<hbm>>
    %dma_start3A_235 = arith.constant 0 : i32
    %dma_start3A_236 = tpu.memref_slice %arg18[%add3A_228, %dma_start3A_235] : memref<10240x128xf32, #tpu.memory_space<vmem_shared>> -> memref<128x128xf32, #tpu.memory_space<vmem_shared>>
    tpu.enqueue_dma source(%dma_start3A_236 : memref<128x128xf32, #tpu.memory_space<vmem_shared>>) target(%dma_start3A_234 : memref<128x128xf32, #tpu.memory_space<hbm>>) target_semaphore(%arg20 : memref<!tpu.dma_semaphore, #tpu.memory_space<semaphore_mem>>)
    %add3A_237 = arith.constant 512 : i32
    %add3A_238 = arith.addi %mul3A_0, %add3A_237 : i32
    %dma_start3A_239 = arith.constant 0 : i32
    %dma_start3A_240 = arith.constant 0 : i32
    %dma_start3A_241 = tpu.memref_slice %arg7[%add3A_9, %dma_start3A_239, %dma_start3A_240] : memref<4x10240x128xf32, #tpu.memory_space<hbm>> -> memref<1x10240x128xf32, #tpu.memory_space<hbm>>
    %dma_start3A_242 = tpu.memref_squeeze %dma_start3A_241 : memref<1x10240x128xf32, #tpu.memory_space<hbm>> -> memref<10240x128xf32, #tpu.memory_space<hbm>>
    %dma_start3A_243 = arith.constant 0 : i32
    %dma_start3A_244 = tpu.memref_slice %dma_start3A_242[%add3A_238, %dma_start3A_243] : memref<10240x128xf32, #tpu.memory_space<hbm>> -> memref<128x128xf32, #tpu.memory_space<hbm>>
    %dma_start3A_245 = arith.constant 0 : i32
    %dma_start3A_246 = tpu.memref_slice %arg18[%add3A_238, %dma_start3A_245] : memref<10240x128xf32, #tpu.memory_space<vmem_shared>> -> memref<128x128xf32, #tpu.memory_space<vmem_shared>>
    tpu.enqueue_dma source(%dma_start3A_246 : memref<128x128xf32, #tpu.memory_space<vmem_shared>>) target(%dma_start3A_244 : memref<128x128xf32, #tpu.memory_space<hbm>>) target_semaphore(%arg20 : memref<!tpu.dma_semaphore, #tpu.memory_space<semaphore_mem>>)
    "tpu.region"() ({
      %run_scoped3A = tpu.sem_alloc : memref<!tpu.dma_semaphore, #tpu.memory_space<semaphore_mem>>
      %dma_start3A_564 = arith.constant 0 : i32
      %dma_start3A_565 = tpu.memref_slice %arg8[%arg0, %dma_start3A_564] : memref<2x10240xf32, #tpu.memory_space<hbm>> -> memref<1x10240xf32, #tpu.memory_space<hbm>>
      %dma_start3A_566 = tpu.memref_squeeze %dma_start3A_565 : memref<1x10240xf32, #tpu.memory_space<hbm>> -> memref<10240xf32, #tpu.memory_space<hbm>>
      %dma_start3A_567 = tpu.memref_slice %dma_start3A_566[%mul3A_0] : memref<10240xf32, #tpu.memory_space<hbm>> -> memref<640xf32, #tpu.memory_space<hbm>>
      %dma_start3A_568 = tpu.memref_slice %arg19[%mul3A_0] : memref<10240xf32, #tpu.memory_space<vmem_shared>> -> memref<640xf32, #tpu.memory_space<vmem_shared>>
      tpu.enqueue_dma source(%dma_start3A_568 : memref<640xf32, #tpu.memory_space<vmem_shared>>) target(%dma_start3A_567 : memref<640xf32, #tpu.memory_space<hbm>>) target_semaphore(%run_scoped3A : memref<!tpu.dma_semaphore, #tpu.memory_space<semaphore_mem>>)
      %dma_wait3A_569 = arith.constant 0 : i32
      %dma_wait3A_570 = tpu.memref_slice %arg8[%arg0, %dma_wait3A_569] : memref<2x10240xf32, #tpu.memory_space<hbm>> -> memref<1x10240xf32, #tpu.memory_space<hbm>>
      %dma_wait3A_571 = tpu.memref_squeeze %dma_wait3A_570 : memref<1x10240xf32, #tpu.memory_space<hbm>> -> memref<10240xf32, #tpu.memory_space<hbm>>
      %dma_wait3A_572 = tpu.memref_slice %dma_wait3A_571[%mul3A_0] : memref<10240xf32, #tpu.memory_space<hbm>> -> memref<640xf32, #tpu.memory_space<hbm>>
      %dma_wait3A_573 = tpu.memref_slice %arg19[%mul3A_0] : memref<10240xf32, #tpu.memory_space<vmem_shared>> -> memref<640xf32, #tpu.memory_space<vmem_shared>>
      tpu.wait_dma2 semaphore(%run_scoped3A : memref<!tpu.dma_semaphore, #tpu.memory_space<semaphore_mem>>) src(%dma_wait3A_573 : memref<640xf32, #tpu.memory_space<vmem_shared>>) dst(%dma_wait3A_572 : memref<640xf32, #tpu.memory_space<hbm>>)
      tpu.yield
    }) : () -> ()
    %scan3A_247 = arith.constant 0 : i32
    %scan3A_248 = arith.constant 0 : i32
    %scan3A_249 = arith.constant 1024 : i32
    %scan3A_250 = arith.addi %scan3A_248, %scan3A_249 : i32
    %scan3A_251 = arith.constant 1 : i32
    %scan3A_252 = scf.for %scan3A_564 = %scan3A_248 to %scan3A_250 step %scan3A_251 iter_args(%scan3A_565 = %scan3A_247) -> (i32)  : i32 {
      %jit3A = arith.constant 8 : i32
      %div3A = arith.divsi %scan3A_564, %jit3A : i32
      %sign3A = arith.constant 0 : i32
      %sign3A_566 = arith.cmpi sgt, %scan3A_564, %sign3A : i32
      %sign3A_567 = arith.extui %sign3A_566 : i1 to i32
      %sign3A_568 = arith.constant 0 : i32
      %sign3A_569 = arith.cmpi slt, %scan3A_564, %sign3A_568 : i32
      %sign3A_570 = arith.extui %sign3A_569 : i1 to i32
      %sign3A_571 = arith.subi %sign3A_567, %sign3A_570 : i32
      %sign3A_572 = arith.constant 0 : i32
      %sign3A_573 = arith.cmpi sgt, %jit3A, %sign3A_572 : i32
      %sign3A_574 = arith.extui %sign3A_573 : i1 to i32
      %sign3A_575 = arith.constant 0 : i32
      %sign3A_576 = arith.cmpi slt, %jit3A, %sign3A_575 : i32
      %sign3A_577 = arith.extui %sign3A_576 : i1 to i32
      %sign3A_578 = arith.subi %sign3A_574, %sign3A_577 : i32
      %ne3A = arith.cmpi ne, %sign3A_571, %sign3A_578 : i32
      %rem3A = arith.remsi %scan3A_564, %jit3A : i32
      %ne3A_579 = arith.constant 0 : i32
      %ne3A_580 = arith.cmpi ne, %rem3A, %ne3A_579 : i32
      %and3A = arith.andi %ne3A, %ne3A_580 : i1
      %sub3A = arith.constant 1 : i32
      %sub3A_581 = arith.subi %div3A, %sub3A : i32
      %select_n3A = arith.select %and3A, %sub3A_581, %div3A : i32
      %jit3A_582 = arith.constant 8 : i32
      %eq3A_583 = arith.constant 0 : i32
      %eq3A_584 = arith.cmpi eq, %jit3A_582, %eq3A_583 : i32
      %jit3A_585 = arith.constant 1 : i32
      %select_n3A_586 = arith.select %eq3A_584, %jit3A_585, %jit3A_582 : i32
      %rem3A_587 = arith.remsi %scan3A_564, %select_n3A_586 : i32
      %ne3A_588 = arith.constant 0 : i32
      %ne3A_589 = arith.cmpi ne, %rem3A_587, %ne3A_588 : i32
      %lt3A = arith.constant 0 : i32
      %lt3A_590 = arith.cmpi slt, %rem3A_587, %lt3A : i32
      %lt3A_591 = arith.constant 0 : i32
      %lt3A_592 = arith.cmpi slt, %select_n3A_586, %lt3A_591 : i32
      %ne3A_593 = arith.xori %lt3A_590, %lt3A_592 : i1
      %and3A_594 = arith.andi %ne3A_593, %ne3A_589 : i1
      %add3A_595 = arith.addi %rem3A_587, %select_n3A_586 : i32
      %select_n3A_596 = arith.select %and3A_594, %add3A_595, %rem3A_587 : i32
      %broadcast_in_dim3A = arith.constant 0.000000e+00 : f32
      %broadcast_in_dim3A_597 = vector.broadcast %broadcast_in_dim3A : f32 to vector<16xf32>
      %mul3A_598 = arith.constant 16 : i32
      %mul3A_599 = arith.muli %select_n3A_596, %mul3A_598 : i32
      %swap3A = arith.index_cast %select_n3A : i32 to index
      %swap3A_600 = arith.index_cast %mul3A_599 : i32 to index
      %swap3A_601 = tpu.vector_load %arg16[%swap3A, %swap3A_600] {strides = array<i32>} : memref<128x128xf32, #tpu.memory_space<vmem>>, vector<1x16xf32>,
      %swap3A_602 = vector.shape_cast %swap3A_601 : vector<1x16xf32> to vector<16xf32>
      %swap3A_603 = vector.shape_cast %broadcast_in_dim3A_597 : vector<16xf32> to vector<1x16xf32>
      tpu.vector_store %arg16[%swap3A, %swap3A_600], %swap3A_603 {strides = array<i32>} : memref<128x128xf32, #tpu.memory_space<vmem>>, vector<1x16xf32>,
      %scan3A_604 = arith.constant 0 : i32
      scf.yield %scan3A_604 : i32
    }
    %scan3A_253 = arith.constant 1024 : i32
    %add3A_254 = arith.constant 0 : i32
    %add3A_255 = arith.addi %mul3A_0, %add3A_254 : i32
    %dma_wait3A_256 = arith.constant 0 : i32
    %dma_wait3A_257 = arith.constant 0 : i32
    %dma_wait3A_258 = tpu.memref_slice %arg7[%add3A_9, %dma_wait3A_256, %dma_wait3A_257] : memref<4x10240x128xf32, #tpu.memory_space<hbm>> -> memref<1x10240x128xf32, #tpu.memory_space<hbm>>
    %dma_wait3A_259 = tpu.memref_squeeze %dma_wait3A_258 : memref<1x10240x128xf32, #tpu.memory_space<hbm>> -> memref<10240x128xf32, #tpu.memory_space<hbm>>
    %dma_wait3A_260 = arith.constant 0 : i32
    %dma_wait3A_261 = tpu.memref_slice %dma_wait3A_259[%add3A_255, %dma_wait3A_260] : memref<10240x128xf32, #tpu.memory_space<hbm>> -> memref<128x128xf32, #tpu.memory_space<hbm>>
    %dma_wait3A_262 = arith.constant 0 : i32
    %dma_wait3A_263 = tpu.memref_slice %arg18[%add3A_255, %dma_wait3A_262] : memref<10240x128xf32, #tpu.memory_space<vmem_shared>> -> memref<128x128xf32, #tpu.memory_space<vmem_shared>>
    tpu.wait_dma2 semaphore(%arg20 : memref<!tpu.dma_semaphore, #tpu.memory_space<semaphore_mem>>) src(%dma_wait3A_263 : memref<128x128xf32, #tpu.memory_space<vmem_shared>>) dst(%dma_wait3A_261 : memref<128x128xf32, #tpu.memory_space<hbm>>)
    %dma_start3A_264 = arith.constant 0 : i32
    %dma_start3A_265 = arith.constant 0 : i32
    %dma_start3A_266 = tpu.memref_slice %arg16[%dma_start3A_264, %dma_start3A_265] : memref<128x128xf32, #tpu.memory_space<vmem>> -> memref<128x128xf32, #tpu.memory_space<vmem>>
    %dma_start3A_267 = arith.constant 0 : i32
    %dma_start3A_268 = tpu.memref_slice %arg18[%add3A_255, %dma_start3A_267] : memref<10240x128xf32, #tpu.memory_space<vmem_shared>> -> memref<128x128xf32, #tpu.memory_space<vmem_shared>>
    %dma_start3A_269 = arith.constant 0 : i32
    %dma_start3A_270 = tpu.memref_slice %arg18[%add3A_255, %dma_start3A_269] : memref<10240x128xf32, #tpu.memory_space<vmem_shared>> -> memref<128x128xf32, #tpu.memory_space<vmem_shared>>
    %dma_start3A_271 = arith.constant 0 : i32
    %dma_start3A_272 = arith.constant 0 : i32
    %dma_start3A_273 = tpu.memref_slice %arg16[%dma_start3A_271, %dma_start3A_272] : memref<128x128xf32, #tpu.memory_space<vmem>> -> memref<128x128xf32, #tpu.memory_space<vmem>>
    tpu.enqueue_dma source(%dma_start3A_273 : memref<128x128xf32, #tpu.memory_space<vmem>>) target(%dma_start3A_270 : memref<128x128xf32, #tpu.memory_space<vmem_shared>>) target_semaphore(%arg21 : memref<!tpu.dma_semaphore, #tpu.memory_space<semaphore_mem>>)
    %add3A_274 = arith.constant 128 : i32
    %add3A_275 = arith.addi %mul3A_0, %add3A_274 : i32
    %dma_wait3A_276 = arith.constant 0 : i32
    %dma_wait3A_277 = arith.constant 0 : i32
    %dma_wait3A_278 = tpu.memref_slice %arg7[%add3A_9, %dma_wait3A_276, %dma_wait3A_277] : memref<4x10240x128xf32, #tpu.memory_space<hbm>> -> memref<1x10240x128xf32, #tpu.memory_space<hbm>>
    %dma_wait3A_279 = tpu.memref_squeeze %dma_wait3A_278 : memref<1x10240x128xf32, #tpu.memory_space<hbm>> -> memref<10240x128xf32, #tpu.memory_space<hbm>>
    %dma_wait3A_280 = arith.constant 0 : i32
    %dma_wait3A_281 = tpu.memref_slice %dma_wait3A_279[%add3A_275, %dma_wait3A_280] : memref<10240x128xf32, #tpu.memory_space<hbm>> -> memref<128x128xf32, #tpu.memory_space<hbm>>
    %dma_wait3A_282 = arith.constant 0 : i32
    %dma_wait3A_283 = tpu.memref_slice %arg18[%add3A_275, %dma_wait3A_282] : memref<10240x128xf32, #tpu.memory_space<vmem_shared>> -> memref<128x128xf32, #tpu.memory_space<vmem_shared>>
    tpu.wait_dma2 semaphore(%arg20 : memref<!tpu.dma_semaphore, #tpu.memory_space<semaphore_mem>>) src(%dma_wait3A_283 : memref<128x128xf32, #tpu.memory_space<vmem_shared>>) dst(%dma_wait3A_281 : memref<128x128xf32, #tpu.memory_space<hbm>>)
    %dma_start3A_284 = arith.constant 0 : i32
    %dma_start3A_285 = arith.constant 0 : i32
    %dma_start3A_286 = tpu.memref_slice %arg16[%dma_start3A_284, %dma_start3A_285] : memref<128x128xf32, #tpu.memory_space<vmem>> -> memref<128x128xf32, #tpu.memory_space<vmem>>
    %dma_start3A_287 = arith.constant 0 : i32
    %dma_start3A_288 = tpu.memref_slice %arg18[%add3A_275, %dma_start3A_287] : memref<10240x128xf32, #tpu.memory_space<vmem_shared>> -> memref<128x128xf32, #tpu.memory_space<vmem_shared>>
    %dma_start3A_289 = arith.constant 0 : i32
    %dma_start3A_290 = tpu.memref_slice %arg18[%add3A_275, %dma_start3A_289] : memref<10240x128xf32, #tpu.memory_space<vmem_shared>> -> memref<128x128xf32, #tpu.memory_space<vmem_shared>>
    %dma_start3A_291 = arith.constant 0 : i32
    %dma_start3A_292 = arith.constant 0 : i32
    %dma_start3A_293 = tpu.memref_slice %arg16[%dma_start3A_291, %dma_start3A_292] : memref<128x128xf32, #tpu.memory_space<vmem>> -> memref<128x128xf32, #tpu.memory_space<vmem>>
    tpu.enqueue_dma source(%dma_start3A_293 : memref<128x128xf32, #tpu.memory_space<vmem>>) target(%dma_start3A_290 : memref<128x128xf32, #tpu.memory_space<vmem_shared>>) target_semaphore(%arg21 : memref<!tpu.dma_semaphore, #tpu.memory_space<semaphore_mem>>)
    %add3A_294 = arith.constant 256 : i32
    %add3A_295 = arith.addi %mul3A_0, %add3A_294 : i32
    %dma_wait3A_296 = arith.constant 0 : i32
    %dma_wait3A_297 = arith.constant 0 : i32
    %dma_wait3A_298 = tpu.memref_slice %arg7[%add3A_9, %dma_wait3A_296, %dma_wait3A_297] : memref<4x10240x128xf32, #tpu.memory_space<hbm>> -> memref<1x10240x128xf32, #tpu.memory_space<hbm>>
    %dma_wait3A_299 = tpu.memref_squeeze %dma_wait3A_298 : memref<1x10240x128xf32, #tpu.memory_space<hbm>> -> memref<10240x128xf32, #tpu.memory_space<hbm>>
    %dma_wait3A_300 = arith.constant 0 : i32
    %dma_wait3A_301 = tpu.memref_slice %dma_wait3A_299[%add3A_295, %dma_wait3A_300] : memref<10240x128xf32, #tpu.memory_space<hbm>> -> memref<128x128xf32, #tpu.memory_space<hbm>>
    %dma_wait3A_302 = arith.constant 0 : i32
    %dma_wait3A_303 = tpu.memref_slice %arg18[%add3A_295, %dma_wait3A_302] : memref<10240x128xf32, #tpu.memory_space<vmem_shared>> -> memref<128x128xf32, #tpu.memory_space<vmem_shared>>
    tpu.wait_dma2 semaphore(%arg20 : memref<!tpu.dma_semaphore, #tpu.memory_space<semaphore_mem>>) src(%dma_wait3A_303 : memref<128x128xf32, #tpu.memory_space<vmem_shared>>) dst(%dma_wait3A_301 : memref<128x128xf32, #tpu.memory_space<hbm>>)
    %dma_start3A_304 = arith.constant 0 : i32
    %dma_start3A_305 = arith.constant 0 : i32
    %dma_start3A_306 = tpu.memref_slice %arg16[%dma_start3A_304, %dma_start3A_305] : memref<128x128xf32, #tpu.memory_space<vmem>> -> memref<128x128xf32, #tpu.memory_space<vmem>>
    %dma_start3A_307 = arith.constant 0 : i32
    %dma_start3A_308 = tpu.memref_slice %arg18[%add3A_295, %dma_start3A_307] : memref<10240x128xf32, #tpu.memory_space<vmem_shared>> -> memref<128x128xf32, #tpu.memory_space<vmem_shared>>
    %dma_start3A_309 = arith.constant 0 : i32
    %dma_start3A_310 = tpu.memref_slice %arg18[%add3A_295, %dma_start3A_309] : memref<10240x128xf32, #tpu.memory_space<vmem_shared>> -> memref<128x128xf32, #tpu.memory_space<vmem_shared>>
    %dma_start3A_311 = arith.constant 0 : i32
    %dma_start3A_312 = arith.constant 0 : i32
    %dma_start3A_313 = tpu.memref_slice %arg16[%dma_start3A_311, %dma_start3A_312] : memref<128x128xf32, #tpu.memory_space<vmem>> -> memref<128x128xf32, #tpu.memory_space<vmem>>
    tpu.enqueue_dma source(%dma_start3A_313 : memref<128x128xf32, #tpu.memory_space<vmem>>) target(%dma_start3A_310 : memref<128x128xf32, #tpu.memory_space<vmem_shared>>) target_semaphore(%arg21 : memref<!tpu.dma_semaphore, #tpu.memory_space<semaphore_mem>>)
    %add3A_314 = arith.constant 384 : i32
    %add3A_315 = arith.addi %mul3A_0, %add3A_314 : i32
    %dma_wait3A_316 = arith.constant 0 : i32
    %dma_wait3A_317 = arith.constant 0 : i32
    %dma_wait3A_318 = tpu.memref_slice %arg7[%add3A_9, %dma_wait3A_316, %dma_wait3A_317] : memref<4x10240x128xf32, #tpu.memory_space<hbm>> -> memref<1x10240x128xf32, #tpu.memory_space<hbm>>
    %dma_wait3A_319 = tpu.memref_squeeze %dma_wait3A_318 : memref<1x10240x128xf32, #tpu.memory_space<hbm>> -> memref<10240x128xf32, #tpu.memory_space<hbm>>
    %dma_wait3A_320 = arith.constant 0 : i32
    %dma_wait3A_321 = tpu.memref_slice %dma_wait3A_319[%add3A_315, %dma_wait3A_320] : memref<10240x128xf32, #tpu.memory_space<hbm>> -> memref<128x128xf32, #tpu.memory_space<hbm>>
    %dma_wait3A_322 = arith.constant 0 : i32
    %dma_wait3A_323 = tpu.memref_slice %arg18[%add3A_315, %dma_wait3A_322] : memref<10240x128xf32, #tpu.memory_space<vmem_shared>> -> memref<128x128xf32, #tpu.memory_space<vmem_shared>>
    tpu.wait_dma2 semaphore(%arg20 : memref<!tpu.dma_semaphore, #tpu.memory_space<semaphore_mem>>) src(%dma_wait3A_323 : memref<128x128xf32, #tpu.memory_space<vmem_shared>>) dst(%dma_wait3A_321 : memref<128x128xf32, #tpu.memory_space<hbm>>)
    %dma_start3A_324 = arith.constant 0 : i32
    %dma_start3A_325 = arith.constant 0 : i32
    %dma_start3A_326 = tpu.memref_slice %arg16[%dma_start3A_324, %dma_start3A_325] : memref<128x128xf32, #tpu.memory_space<vmem>> -> memref<128x128xf32, #tpu.memory_space<vmem>>
    %dma_start3A_327 = arith.constant 0 : i32
    %dma_start3A_328 = tpu.memref_slice %arg18[%add3A_315, %dma_start3A_327] : memref<10240x128xf32, #tpu.memory_space<vmem_shared>> -> memref<128x128xf32, #tpu.memory_space<vmem_shared>>
    %dma_start3A_329 = arith.constant 0 : i32
    %dma_start3A_330 = tpu.memref_slice %arg18[%add3A_315, %dma_start3A_329] : memref<10240x128xf32, #tpu.memory_space<vmem_shared>> -> memref<128x128xf32, #tpu.memory_space<vmem_shared>>
    %dma_start3A_331 = arith.constant 0 : i32
    %dma_start3A_332 = arith.constant 0 : i32
    %dma_start3A_333 = tpu.memref_slice %arg16[%dma_start3A_331, %dma_start3A_332] : memref<128x128xf32, #tpu.memory_space<vmem>> -> memref<128x128xf32, #tpu.memory_space<vmem>>
    tpu.enqueue_dma source(%dma_start3A_333 : memref<128x128xf32, #tpu.memory_space<vmem>>) target(%dma_start3A_330 : memref<128x128xf32, #tpu.memory_space<vmem_shared>>) target_semaphore(%arg21 : memref<!tpu.dma_semaphore, #tpu.memory_space<semaphore_mem>>)
    %add3A_334 = arith.constant 512 : i32
    %add3A_335 = arith.addi %mul3A_0, %add3A_334 : i32
    %dma_wait3A_336 = arith.constant 0 : i32
    %dma_wait3A_337 = arith.constant 0 : i32
    %dma_wait3A_338 = tpu.memref_slice %arg7[%add3A_9, %dma_wait3A_336, %dma_wait3A_337] : memref<4x10240x128xf32, #tpu.memory_space<hbm>> -> memref<1x10240x128xf32, #tpu.memory_space<hbm>>
    %dma_wait3A_339 = tpu.memref_squeeze %dma_wait3A_338 : memref<1x10240x128xf32, #tpu.memory_space<hbm>> -> memref<10240x128xf32, #tpu.memory_space<hbm>>
    %dma_wait3A_340 = arith.constant 0 : i32
    %dma_wait3A_341 = tpu.memref_slice %dma_wait3A_339[%add3A_335, %dma_wait3A_340] : memref<10240x128xf32, #tpu.memory_space<hbm>> -> memref<128x128xf32, #tpu.memory_space<hbm>>
    %dma_wait3A_342 = arith.constant 0 : i32
    %dma_wait3A_343 = tpu.memref_slice %arg18[%add3A_335, %dma_wait3A_342] : memref<10240x128xf32, #tpu.memory_space<vmem_shared>> -> memref<128x128xf32, #tpu.memory_space<vmem_shared>>
    tpu.wait_dma2 semaphore(%arg20 : memref<!tpu.dma_semaphore, #tpu.memory_space<semaphore_mem>>) src(%dma_wait3A_343 : memref<128x128xf32, #tpu.memory_space<vmem_shared>>) dst(%dma_wait3A_341 : memref<128x128xf32, #tpu.memory_space<hbm>>)
    %dma_start3A_344 = arith.constant 0 : i32
    %dma_start3A_345 = arith.constant 0 : i32
    %dma_start3A_346 = tpu.memref_slice %arg16[%dma_start3A_344, %dma_start3A_345] : memref<128x128xf32, #tpu.memory_space<vmem>> -> memref<128x128xf32, #tpu.memory_space<vmem>>
    %dma_start3A_347 = arith.constant 0 : i32
    %dma_start3A_348 = tpu.memref_slice %arg18[%add3A_335, %dma_start3A_347] : memref<10240x128xf32, #tpu.memory_space<vmem_shared>> -> memref<128x128xf32, #tpu.memory_space<vmem_shared>>
    %dma_start3A_349 = arith.constant 0 : i32
    %dma_start3A_350 = tpu.memref_slice %arg18[%add3A_335, %dma_start3A_349] : memref<10240x128xf32, #tpu.memory_space<vmem_shared>> -> memref<128x128xf32, #tpu.memory_space<vmem_shared>>
    %dma_start3A_351 = arith.constant 0 : i32
    %dma_start3A_352 = arith.constant 0 : i32
    %dma_start3A_353 = tpu.memref_slice %arg16[%dma_start3A_351, %dma_start3A_352] : memref<128x128xf32, #tpu.memory_space<vmem>> -> memref<128x128xf32, #tpu.memory_space<vmem>>
    tpu.enqueue_dma source(%dma_start3A_353 : memref<128x128xf32, #tpu.memory_space<vmem>>) target(%dma_start3A_350 : memref<128x128xf32, #tpu.memory_space<vmem_shared>>) target_semaphore(%arg21 : memref<!tpu.dma_semaphore, #tpu.memory_space<semaphore_mem>>)
    %add3A_354 = arith.constant 0 : i32
    %add3A_355 = arith.addi %mul3A_0, %add3A_354 : i32
    %dma_wait3A_356 = arith.constant 0 : i32
    %dma_wait3A_357 = arith.constant 0 : i32
    %dma_wait3A_358 = tpu.memref_slice %arg16[%dma_wait3A_356, %dma_wait3A_357] : memref<128x128xf32, #tpu.memory_space<vmem>> -> memref<128x128xf32, #tpu.memory_space<vmem>>
    %dma_wait3A_359 = arith.constant 0 : i32
    %dma_wait3A_360 = tpu.memref_slice %arg18[%add3A_355, %dma_wait3A_359] : memref<10240x128xf32, #tpu.memory_space<vmem_shared>> -> memref<128x128xf32, #tpu.memory_space<vmem_shared>>
    %dma_wait3A_361 = arith.constant 0 : i32
    %dma_wait3A_362 = tpu.memref_slice %arg18[%add3A_355, %dma_wait3A_361] : memref<10240x128xf32, #tpu.memory_space<vmem_shared>> -> memref<128x128xf32, #tpu.memory_space<vmem_shared>>
    %dma_wait3A_363 = arith.constant 0 : i32
    %dma_wait3A_364 = arith.constant 0 : i32
    %dma_wait3A_365 = tpu.memref_slice %arg16[%dma_wait3A_363, %dma_wait3A_364] : memref<128x128xf32, #tpu.memory_space<vmem>> -> memref<128x128xf32, #tpu.memory_space<vmem>>
    tpu.wait_dma2 semaphore(%arg21 : memref<!tpu.dma_semaphore, #tpu.memory_space<semaphore_mem>>) src(%dma_wait3A_365 : memref<128x128xf32, #tpu.memory_space<vmem>>) dst(%dma_wait3A_362 : memref<128x128xf32, #tpu.memory_space<vmem_shared>>)
    %add3A_366 = arith.constant 128 : i32
    %add3A_367 = arith.addi %mul3A_0, %add3A_366 : i32
    %dma_wait3A_368 = arith.constant 0 : i32
    %dma_wait3A_369 = arith.constant 0 : i32
    %dma_wait3A_370 = tpu.memref_slice %arg16[%dma_wait3A_368, %dma_wait3A_369] : memref<128x128xf32, #tpu.memory_space<vmem>> -> memref<128x128xf32, #tpu.memory_space<vmem>>
    %dma_wait3A_371 = arith.constant 0 : i32
    %dma_wait3A_372 = tpu.memref_slice %arg18[%add3A_367, %dma_wait3A_371] : memref<10240x128xf32, #tpu.memory_space<vmem_shared>> -> memref<128x128xf32, #tpu.memory_space<vmem_shared>>
    %dma_wait3A_373 = arith.constant 0 : i32
    %dma_wait3A_374 = tpu.memref_slice %arg18[%add3A_367, %dma_wait3A_373] : memref<10240x128xf32, #tpu.memory_space<vmem_shared>> -> memref<128x128xf32, #tpu.memory_space<vmem_shared>>
    %dma_wait3A_375 = arith.constant 0 : i32
    %dma_wait3A_376 = arith.constant 0 : i32
    %dma_wait3A_377 = tpu.memref_slice %arg16[%dma_wait3A_375, %dma_wait3A_376] : memref<128x128xf32, #tpu.memory_space<vmem>> -> memref<128x128xf32, #tpu.memory_space<vmem>>
    tpu.wait_dma2 semaphore(%arg21 : memref<!tpu.dma_semaphore, #tpu.memory_space<semaphore_mem>>) src(%dma_wait3A_377 : memref<128x128xf32, #tpu.memory_space<vmem>>) dst(%dma_wait3A_374 : memref<128x128xf32, #tpu.memory_space<vmem_shared>>)
    %add3A_378 = arith.constant 256 : i32
    %add3A_379 = arith.addi %mul3A_0, %add3A_378 : i32
    %dma_wait3A_380 = arith.constant 0 : i32
    %dma_wait3A_381 = arith.constant 0 : i32
    %dma_wait3A_382 = tpu.memref_slice %arg16[%dma_wait3A_380, %dma_wait3A_381] : memref<128x128xf32, #tpu.memory_space<vmem>> -> memref<128x128xf32, #tpu.memory_space<vmem>>
    %dma_wait3A_383 = arith.constant 0 : i32
    %dma_wait3A_384 = tpu.memref_slice %arg18[%add3A_379, %dma_wait3A_383] : memref<10240x128xf32, #tpu.memory_space<vmem_shared>> -> memref<128x128xf32, #tpu.memory_space<vmem_shared>>
    %dma_wait3A_385 = arith.constant 0 : i32
    %dma_wait3A_386 = tpu.memref_slice %arg18[%add3A_379, %dma_wait3A_385] : memref<10240x128xf32, #tpu.memory_space<vmem_shared>> -> memref<128x128xf32, #tpu.memory_space<vmem_shared>>
    %dma_wait3A_387 = arith.constant 0 : i32
    %dma_wait3A_388 = arith.constant 0 : i32
    %dma_wait3A_389 = tpu.memref_slice %arg16[%dma_wait3A_387, %dma_wait3A_388] : memref<128x128xf32, #tpu.memory_space<vmem>> -> memref<128x128xf32, #tpu.memory_space<vmem>>
    tpu.wait_dma2 semaphore(%arg21 : memref<!tpu.dma_semaphore, #tpu.memory_space<semaphore_mem>>) src(%dma_wait3A_389 : memref<128x128xf32, #tpu.memory_space<vmem>>) dst(%dma_wait3A_386 : memref<128x128xf32, #tpu.memory_space<vmem_shared>>)
    %add3A_390 = arith.constant 384 : i32
    %add3A_391 = arith.addi %mul3A_0, %add3A_390 : i32
    %dma_wait3A_392 = arith.constant 0 : i32
    %dma_wait3A_393 = arith.constant 0 : i32
    %dma_wait3A_394 = tpu.memref_slice %arg16[%dma_wait3A_392, %dma_wait3A_393] : memref<128x128xf32, #tpu.memory_space<vmem>> -> memref<128x128xf32, #tpu.memory_space<vmem>>
    %dma_wait3A_395 = arith.constant 0 : i32
    %dma_wait3A_396 = tpu.memref_slice %arg18[%add3A_391, %dma_wait3A_395] : memref<10240x128xf32, #tpu.memory_space<vmem_shared>> -> memref<128x128xf32, #tpu.memory_space<vmem_shared>>
    %dma_wait3A_397 = arith.constant 0 : i32
    %dma_wait3A_398 = tpu.memref_slice %arg18[%add3A_391, %dma_wait3A_397] : memref<10240x128xf32, #tpu.memory_space<vmem_shared>> -> memref<128x128xf32, #tpu.memory_space<vmem_shared>>
    %dma_wait3A_399 = arith.constant 0 : i32
    %dma_wait3A_400 = arith.constant 0 : i32
    %dma_wait3A_401 = tpu.memref_slice %arg16[%dma_wait3A_399, %dma_wait3A_400] : memref<128x128xf32, #tpu.memory_space<vmem>> -> memref<128x128xf32, #tpu.memory_space<vmem>>
    tpu.wait_dma2 semaphore(%arg21 : memref<!tpu.dma_semaphore, #tpu.memory_space<semaphore_mem>>) src(%dma_wait3A_401 : memref<128x128xf32, #tpu.memory_space<vmem>>) dst(%dma_wait3A_398 : memref<128x128xf32, #tpu.memory_space<vmem_shared>>)
    %add3A_402 = arith.constant 512 : i32
    %add3A_403 = arith.addi %mul3A_0, %add3A_402 : i32
    %dma_wait3A_404 = arith.constant 0 : i32
    %dma_wait3A_405 = arith.constant 0 : i32
    %dma_wait3A_406 = tpu.memref_slice %arg16[%dma_wait3A_404, %dma_wait3A_405] : memref<128x128xf32, #tpu.memory_space<vmem>> -> memref<128x128xf32, #tpu.memory_space<vmem>>
    %dma_wait3A_407 = arith.constant 0 : i32
    %dma_wait3A_408 = tpu.memref_slice %arg18[%add3A_403, %dma_wait3A_407] : memref<10240x128xf32, #tpu.memory_space<vmem_shared>> -> memref<128x128xf32, #tpu.memory_space<vmem_shared>>
    %dma_wait3A_409 = arith.constant 0 : i32
    %dma_wait3A_410 = tpu.memref_slice %arg18[%add3A_403, %dma_wait3A_409] : memref<10240x128xf32, #tpu.memory_space<vmem_shared>> -> memref<128x128xf32, #tpu.memory_space<vmem_shared>>
    %dma_wait3A_411 = arith.constant 0 : i32
    %dma_wait3A_412 = arith.constant 0 : i32
    %dma_wait3A_413 = tpu.memref_slice %arg16[%dma_wait3A_411, %dma_wait3A_412] : memref<128x128xf32, #tpu.memory_space<vmem>> -> memref<128x128xf32, #tpu.memory_space<vmem>>
    tpu.wait_dma2 semaphore(%arg21 : memref<!tpu.dma_semaphore, #tpu.memory_space<semaphore_mem>>) src(%dma_wait3A_413 : memref<128x128xf32, #tpu.memory_space<vmem>>) dst(%dma_wait3A_410 : memref<128x128xf32, #tpu.memory_space<vmem_shared>>)
    %mul3A_414 = arith.constant 2 : i32
    %mul3A_415 = arith.muli %arg0, %mul3A_414 : i32
    %add3A_416 = arith.constant 1 : i32
    %add3A_417 = arith.addi %mul3A_415, %add3A_416 : i32
    %mul3A_418 = arith.constant 10240 : i32
    %mul3A_419 = arith.muli %add3A_417, %mul3A_418 : i32
    %barrier3A_420 = arith.constant 0 : index
    tpu.barrier barrier_id(%barrier3A_420)
    "tpu.region"() ({
      %run_scoped3A = tpu.sem_alloc : memref<!tpu.dma_semaphore, #tpu.memory_space<semaphore_mem>>
      %dma_start3A_564 = arith.constant 0 : i32
      %dma_start3A_565 = arith.constant 0 : i32
      %dma_start3A_566 = tpu.memref_slice %arg3[%add3A_417, %arg1, %dma_start3A_564, %dma_start3A_565] : memref<4x16x80x128xi32, #tpu.memory_space<hbm>> -> memref<1x1x40x128xi32, #tpu.memory_space<hbm>>
      %dma_start3A_567 = tpu.memref_squeeze %dma_start3A_566 : memref<1x1x40x128xi32, #tpu.memory_space<hbm>> -> memref<40x128xi32, #tpu.memory_space<hbm>>
      %dma_start3A_568 = arith.constant 0 : i32
      %dma_start3A_569 = arith.constant 0 : i32
      %dma_start3A_570 = tpu.memref_slice %arg3[%add3A_417, %arg1, %dma_start3A_568, %dma_start3A_569] : memref<4x16x80x128xi32, #tpu.memory_space<hbm>> -> memref<1x1x40x128xi32, #tpu.memory_space<hbm>>
      %dma_start3A_571 = tpu.memref_squeeze %dma_start3A_570 : memref<1x1x40x128xi32, #tpu.memory_space<hbm>> -> memref<40x128xi32, #tpu.memory_space<hbm>>
      tpu.enqueue_dma source(%dma_start3A_571 : memref<40x128xi32, #tpu.memory_space<hbm>>) target(%arg9 : memref<40x128xi32, #tpu.memory_space<vmem>>) target_semaphore(%run_scoped3A : memref<!tpu.dma_semaphore, #tpu.memory_space<semaphore_mem>>)
      %dma_wait3A_572 = arith.constant 0 : i32
      %dma_wait3A_573 = arith.constant 0 : i32
      %dma_wait3A_574 = tpu.memref_slice %arg3[%add3A_417, %arg1, %dma_wait3A_572, %dma_wait3A_573] : memref<4x16x80x128xi32, #tpu.memory_space<hbm>> -> memref<1x1x40x128xi32, #tpu.memory_space<hbm>>
      %dma_wait3A_575 = tpu.memref_squeeze %dma_wait3A_574 : memref<1x1x40x128xi32, #tpu.memory_space<hbm>> -> memref<40x128xi32, #tpu.memory_space<hbm>>
      %dma_wait3A_576 = arith.constant 0 : i32
      %dma_wait3A_577 = arith.constant 0 : i32
      %dma_wait3A_578 = tpu.memref_slice %arg3[%add3A_417, %arg1, %dma_wait3A_576, %dma_wait3A_577] : memref<4x16x80x128xi32, #tpu.memory_space<hbm>> -> memref<1x1x40x128xi32, #tpu.memory_space<hbm>>
      %dma_wait3A_579 = tpu.memref_squeeze %dma_wait3A_578 : memref<1x1x40x128xi32, #tpu.memory_space<hbm>> -> memref<40x128xi32, #tpu.memory_space<hbm>>
      tpu.wait_dma2 semaphore(%run_scoped3A : memref<!tpu.dma_semaphore, #tpu.memory_space<semaphore_mem>>) src(%dma_wait3A_579 : memref<40x128xi32, #tpu.memory_space<hbm>>) dst(%arg9 : memref<40x128xi32, #tpu.memory_space<vmem>>)
      tpu.yield
    }) : () -> ()
    "tpu.region"() ({
      %run_scoped3A = tpu.sem_alloc : memref<!tpu.dma_semaphore, #tpu.memory_space<semaphore_mem>>
      %dma_start3A_564 = arith.constant 0 : i32
      %dma_start3A_565 = arith.constant 0 : i32
      %dma_start3A_566 = tpu.memref_slice %arg4[%arg1, %dma_start3A_564, %dma_start3A_565] : memref<16x80x128xi32, #tpu.memory_space<hbm>> -> memref<1x40x128xi32, #tpu.memory_space<hbm>>
      %dma_start3A_567 = tpu.memref_squeeze %dma_start3A_566 : memref<1x40x128xi32, #tpu.memory_space<hbm>> -> memref<40x128xi32, #tpu.memory_space<hbm>>
      %dma_start3A_568 = arith.constant 0 : i32
      %dma_start3A_569 = arith.constant 0 : i32
      %dma_start3A_570 = tpu.memref_slice %arg4[%arg1, %dma_start3A_568, %dma_start3A_569] : memref<16x80x128xi32, #tpu.memory_space<hbm>> -> memref<1x40x128xi32, #tpu.memory_space<hbm>>
      %dma_start3A_571 = tpu.memref_squeeze %dma_start3A_570 : memref<1x40x128xi32, #tpu.memory_space<hbm>> -> memref<40x128xi32, #tpu.memory_space<hbm>>
      tpu.enqueue_dma source(%dma_start3A_571 : memref<40x128xi32, #tpu.memory_space<hbm>>) target(%arg10 : memref<40x128xi32, #tpu.memory_space<vmem>>) target_semaphore(%run_scoped3A : memref<!tpu.dma_semaphore, #tpu.memory_space<semaphore_mem>>)
      %dma_wait3A_572 = arith.constant 0 : i32
      %dma_wait3A_573 = arith.constant 0 : i32
      %dma_wait3A_574 = tpu.memref_slice %arg4[%arg1, %dma_wait3A_572, %dma_wait3A_573] : memref<16x80x128xi32, #tpu.memory_space<hbm>> -> memref<1x40x128xi32, #tpu.memory_space<hbm>>
      %dma_wait3A_575 = tpu.memref_squeeze %dma_wait3A_574 : memref<1x40x128xi32, #tpu.memory_space<hbm>> -> memref<40x128xi32, #tpu.memory_space<hbm>>
      %dma_wait3A_576 = arith.constant 0 : i32
      %dma_wait3A_577 = arith.constant 0 : i32
      %dma_wait3A_578 = tpu.memref_slice %arg4[%arg1, %dma_wait3A_576, %dma_wait3A_577] : memref<16x80x128xi32, #tpu.memory_space<hbm>> -> memref<1x40x128xi32, #tpu.memory_space<hbm>>
      %dma_wait3A_579 = tpu.memref_squeeze %dma_wait3A_578 : memref<1x40x128xi32, #tpu.memory_space<hbm>> -> memref<40x128xi32, #tpu.memory_space<hbm>>
      tpu.wait_dma2 semaphore(%run_scoped3A : memref<!tpu.dma_semaphore, #tpu.memory_space<semaphore_mem>>) src(%dma_wait3A_579 : memref<40x128xi32, #tpu.memory_space<hbm>>) dst(%arg10 : memref<40x128xi32, #tpu.memory_space<vmem>>)
      tpu.yield
    }) : () -> ()
    %dma_start3A_421 = arith.constant 0 : i32
    %dma_start3A_422 = arith.constant 0 : i32
    %dma_start3A_423 = tpu.memref_slice %arg9[%dma_start3A_421, %dma_start3A_422] : memref<40x128xi32, #tpu.memory_space<vmem>> -> memref<1x128xi32, #tpu.memory_space<vmem>>
    %dma_start3A_424 = tpu.memref_squeeze %dma_start3A_423 : memref<1x128xi32, #tpu.memory_space<vmem>> -> memref<128xi32, #tpu.memory_space<vmem>>
    %dma_start3A_425 = arith.constant 0 : i32
    %dma_start3A_426 = arith.constant 0 : i32
    %dma_start3A_427 = tpu.memref_slice %arg2[%dma_start3A_425, %dma_start3A_426] : memref<40960x128xf32, #tpu.memory_space<hbm>> -> memref<40960x128xf32, #tpu.memory_space<hbm>>
    tpu.enqueue_indirect_dma source(%dma_start3A_427 : memref<40960x128xf32, #tpu.memory_space<hbm>>) target(%arg16 : memref<128x128xf32, #tpu.memory_space<vmem>>) offsets(%dma_start3A_424 : memref<128xi32, #tpu.memory_space<vmem>>) semaphore(%arg20 : memref<!tpu.dma_semaphore, #tpu.memory_space<semaphore_mem>>)
    %scan3A_428 = arith.constant 0 : i32
    %scan3A_429 = arith.constant 0 : i32
    %scan3A_430 = arith.constant 20 : i32
    %scan3A_431 = arith.addi %scan3A_429, %scan3A_430 : i32
    %scan3A_432 = arith.constant 1 : i32
    %scan3A_433 = scf.for %scan3A_564 = %scan3A_429 to %scan3A_431 step %scan3A_432 iter_args(%scan3A_565 = %scan3A_428) -> (i32)  : i32 {
      %mul3A_566 = arith.constant 2 : i32
      %mul3A_567 = arith.muli %mul3A_566, %scan3A_564 : i32
      %dma_wait3A_568 = arith.constant 0 : i32
      %dma_wait3A_569 = tpu.memref_slice %arg9[%mul3A_567, %dma_wait3A_568] : memref<40x128xi32, #tpu.memory_space<vmem>> -> memref<1x128xi32, #tpu.memory_space<vmem>>
      %dma_wait3A_570 = tpu.memref_squeeze %dma_wait3A_569 : memref<1x128xi32, #tpu.memory_space<vmem>> -> memref<128xi32, #tpu.memory_space<vmem>>
      %dma_wait3A_571 = arith.constant 0 : i32
      %dma_wait3A_572 = arith.constant 0 : i32
      %dma_wait3A_573 = tpu.memref_slice %arg2[%dma_wait3A_571, %dma_wait3A_572] : memref<40960x128xf32, #tpu.memory_space<hbm>> -> memref<40960x128xf32, #tpu.memory_space<hbm>>
      tpu.wait_indirect_dma semaphore(%arg20 : memref<!tpu.dma_semaphore, #tpu.memory_space<semaphore_mem>>) src(%dma_wait3A_573 : memref<40960x128xf32, #tpu.memory_space<hbm>>) dst(%arg16 : memref<128x128xf32, #tpu.memory_space<vmem>>)
      %gt3A = arith.constant 0 : i32
      %gt3A_574 = arith.cmpi sgt, %scan3A_564, %gt3A : i32
      %convert_element_type3A_575 = arith.extui %gt3A_574 : i1 to i32
      %cond3A_576 = arith.constant 0 : i32
      %cond3A_577 = arith.cmpi ne, %convert_element_type3A_575, %cond3A_576 : i32
      scf.if %cond3A_577 {
        %sub3A = arith.constant 1 : i32
        %sub3A_621 = arith.subi %mul3A_567, %sub3A : i32
        %dma_wait3A_622 = arith.constant 0 : i32
        %dma_wait3A_623 = tpu.memref_slice %arg10[%sub3A_621, %dma_wait3A_622] : memref<40x128xi32, #tpu.memory_space<vmem>> -> memref<1x128xi32, #tpu.memory_space<vmem>>
        %dma_wait3A_624 = tpu.memref_squeeze %dma_wait3A_623 : memref<1x128xi32, #tpu.memory_space<vmem>> -> memref<128xi32, #tpu.memory_space<vmem>>
        %dma_wait3A_625 = arith.constant 0 : i32
        %dma_wait3A_626 = arith.constant 0 : i32
        %dma_wait3A_627 = tpu.memref_slice %arg18[%dma_wait3A_625, %dma_wait3A_626] : memref<10240x128xf32, #tpu.memory_space<vmem_shared>> -> memref<10240x128xf32, #tpu.memory_space<vmem_shared>>
        tpu.wait_indirect_dma semaphore(%arg23 : memref<!tpu.dma_semaphore, #tpu.memory_space<semaphore_mem>>) src(%arg17 : memref<128x128xf32, #tpu.memory_space<vmem>>) dst(%dma_wait3A_627 : memref<10240x128xf32, #tpu.memory_space<vmem_shared>>)
      } else {
      }
      %add3A_578 = arith.constant 1 : i32
      %add3A_579 = arith.addi %mul3A_567, %add3A_578 : i32
      %dma_start3A_580 = arith.constant 0 : i32
      %dma_start3A_581 = tpu.memref_slice %arg9[%add3A_579, %dma_start3A_580] : memref<40x128xi32, #tpu.memory_space<vmem>> -> memref<1x128xi32, #tpu.memory_space<vmem>>
      %dma_start3A_582 = tpu.memref_squeeze %dma_start3A_581 : memref<1x128xi32, #tpu.memory_space<vmem>> -> memref<128xi32, #tpu.memory_space<vmem>>
      %dma_start3A_583 = arith.constant 0 : i32
      %dma_start3A_584 = arith.constant 0 : i32
      %dma_start3A_585 = tpu.memref_slice %arg2[%dma_start3A_583, %dma_start3A_584] : memref<40960x128xf32, #tpu.memory_space<hbm>> -> memref<40960x128xf32, #tpu.memory_space<hbm>>
      tpu.enqueue_indirect_dma source(%dma_start3A_585 : memref<40960x128xf32, #tpu.memory_space<hbm>>) target(%arg17 : memref<128x128xf32, #tpu.memory_space<vmem>>) offsets(%dma_start3A_582 : memref<128xi32, #tpu.memory_space<vmem>>) semaphore(%arg21 : memref<!tpu.dma_semaphore, #tpu.memory_space<semaphore_mem>>)
      %dma_start3A_586 = arith.constant 0 : i32
      %dma_start3A_587 = tpu.memref_slice %arg10[%mul3A_567, %dma_start3A_586] : memref<40x128xi32, #tpu.memory_space<vmem>> -> memref<1x128xi32, #tpu.memory_space<vmem>>
      %dma_start3A_588 = tpu.memref_squeeze %dma_start3A_587 : memref<1x128xi32, #tpu.memory_space<vmem>> -> memref<128xi32, #tpu.memory_space<vmem>>
      %dma_start3A_589 = arith.constant 0 : i32
      %dma_start3A_590 = arith.constant 0 : i32
      %dma_start3A_591 = tpu.memref_slice %arg18[%dma_start3A_589, %dma_start3A_590] : memref<10240x128xf32, #tpu.memory_space<vmem_shared>> -> memref<10240x128xf32, #tpu.memory_space<vmem_shared>>
      tpu.enqueue_indirect_dma source(%arg16 : memref<128x128xf32, #tpu.memory_space<vmem>>) target(%dma_start3A_591 : memref<10240x128xf32, #tpu.memory_space<vmem_shared>>) offsets(%dma_start3A_588 : memref<128xi32, #tpu.memory_space<vmem>>) semaphore(%arg22 : memref<!tpu.dma_semaphore, #tpu.memory_space<semaphore_mem>>) {add = true}
      %add3A_592 = arith.constant 1 : i32
      %add3A_593 = arith.addi %mul3A_567, %add3A_592 : i32
      %dma_wait3A_594 = arith.constant 0 : i32
      %dma_wait3A_595 = tpu.memref_slice %arg9[%add3A_593, %dma_wait3A_594] : memref<40x128xi32, #tpu.memory_space<vmem>> -> memref<1x128xi32, #tpu.memory_space<vmem>>
      %dma_wait3A_596 = tpu.memref_squeeze %dma_wait3A_595 : memref<1x128xi32, #tpu.memory_space<vmem>> -> memref<128xi32, #tpu.memory_space<vmem>>
      %dma_wait3A_597 = arith.constant 0 : i32
      %dma_wait3A_598 = arith.constant 0 : i32
      %dma_wait3A_599 = tpu.memref_slice %arg2[%dma_wait3A_597, %dma_wait3A_598] : memref<40960x128xf32, #tpu.memory_space<hbm>> -> memref<40960x128xf32, #tpu.memory_space<hbm>>
      tpu.wait_indirect_dma semaphore(%arg21 : memref<!tpu.dma_semaphore, #tpu.memory_space<semaphore_mem>>) src(%dma_wait3A_599 : memref<40960x128xf32, #tpu.memory_space<hbm>>) dst(%arg17 : memref<128x128xf32, #tpu.memory_space<vmem>>)
      %dma_wait3A_600 = arith.constant 0 : i32
      %dma_wait3A_601 = tpu.memref_slice %arg10[%mul3A_567, %dma_wait3A_600] : memref<40x128xi32, #tpu.memory_space<vmem>> -> memref<1x128xi32, #tpu.memory_space<vmem>>
      %dma_wait3A_602 = tpu.memref_squeeze %dma_wait3A_601 : memref<1x128xi32, #tpu.memory_space<vmem>> -> memref<128xi32, #tpu.memory_space<vmem>>
      %dma_wait3A_603 = arith.constant 0 : i32
      %dma_wait3A_604 = arith.constant 0 : i32
      %dma_wait3A_605 = tpu.memref_slice %arg18[%dma_wait3A_603, %dma_wait3A_604] : memref<10240x128xf32, #tpu.memory_space<vmem_shared>> -> memref<10240x128xf32, #tpu.memory_space<vmem_shared>>
      tpu.wait_indirect_dma semaphore(%arg22 : memref<!tpu.dma_semaphore, #tpu.memory_space<semaphore_mem>>) src(%arg16 : memref<128x128xf32, #tpu.memory_space<vmem>>) dst(%dma_wait3A_605 : memref<10240x128xf32, #tpu.memory_space<vmem_shared>>)
      %add3A_606 = arith.constant 2 : i32
      %add3A_607 = arith.addi %mul3A_567, %add3A_606 : i32
      %lt3A = arith.constant 40 : i32
      %lt3A_608 = arith.cmpi slt, %add3A_607, %lt3A : i32
      %convert_element_type3A_609 = arith.extui %lt3A_608 : i1 to i32
      %cond3A_610 = arith.constant 0 : i32
      %cond3A_611 = arith.cmpi ne, %convert_element_type3A_609, %cond3A_610 : i32
      scf.if %cond3A_611 {
        %add3A_621 = arith.constant 2 : i32
        %add3A_622 = arith.addi %mul3A_567, %add3A_621 : i32
        %dma_start3A_623 = arith.constant 0 : i32
        %dma_start3A_624 = tpu.memref_slice %arg9[%add3A_622, %dma_start3A_623] : memref<40x128xi32, #tpu.memory_space<vmem>> -> memref<1x128xi32, #tpu.memory_space<vmem>>
        %dma_start3A_625 = tpu.memref_squeeze %dma_start3A_624 : memref<1x128xi32, #tpu.memory_space<vmem>> -> memref<128xi32, #tpu.memory_space<vmem>>
        %dma_start3A_626 = arith.constant 0 : i32
        %dma_start3A_627 = arith.constant 0 : i32
        %dma_start3A_628 = tpu.memref_slice %arg2[%dma_start3A_626, %dma_start3A_627] : memref<40960x128xf32, #tpu.memory_space<hbm>> -> memref<40960x128xf32, #tpu.memory_space<hbm>>
        tpu.enqueue_indirect_dma source(%dma_start3A_628 : memref<40960x128xf32, #tpu.memory_space<hbm>>) target(%arg16 : memref<128x128xf32, #tpu.memory_space<vmem>>) offsets(%dma_start3A_625 : memref<128xi32, #tpu.memory_space<vmem>>) semaphore(%arg20 : memref<!tpu.dma_semaphore, #tpu.memory_space<semaphore_mem>>)
      } else {
      }
      %add3A_612 = arith.constant 1 : i32
      %add3A_613 = arith.addi %mul3A_567, %add3A_612 : i32
      %dma_start3A_614 = arith.constant 0 : i32
      %dma_start3A_615 = tpu.memref_slice %arg10[%add3A_613, %dma_start3A_614] : memref<40x128xi32, #tpu.memory_space<vmem>> -> memref<1x128xi32, #tpu.memory_space<vmem>>
      %dma_start3A_616 = tpu.memref_squeeze %dma_start3A_615 : memref<1x128xi32, #tpu.memory_space<vmem>> -> memref<128xi32, #tpu.memory_space<vmem>>
      %dma_start3A_617 = arith.constant 0 : i32
      %dma_start3A_618 = arith.constant 0 : i32
      %dma_start3A_619 = tpu.memref_slice %arg18[%dma_start3A_617, %dma_start3A_618] : memref<10240x128xf32, #tpu.memory_space<vmem_shared>> -> memref<10240x128xf32, #tpu.memory_space<vmem_shared>>
      tpu.enqueue_indirect_dma source(%arg17 : memref<128x128xf32, #tpu.memory_space<vmem>>) target(%dma_start3A_619 : memref<10240x128xf32, #tpu.memory_space<vmem_shared>>) offsets(%dma_start3A_616 : memref<128xi32, #tpu.memory_space<vmem>>) semaphore(%arg23 : memref<!tpu.dma_semaphore, #tpu.memory_space<semaphore_mem>>) {add = true}
      %scan3A_620 = arith.constant 0 : i32
      scf.yield %scan3A_620 : i32
    }
    %scan3A_434 = arith.constant 20 : i32
    %dma_wait3A_435 = arith.constant 39 : i32
    %dma_wait3A_436 = arith.constant 0 : i32
    %dma_wait3A_437 = tpu.memref_slice %arg10[%dma_wait3A_435, %dma_wait3A_436] : memref<40x128xi32, #tpu.memory_space<vmem>> -> memref<1x128xi32, #tpu.memory_space<vmem>>
    %dma_wait3A_438 = tpu.memref_squeeze %dma_wait3A_437 : memref<1x128xi32, #tpu.memory_space<vmem>> -> memref<128xi32, #tpu.memory_space<vmem>>
    %dma_wait3A_439 = arith.constant 0 : i32
    %dma_wait3A_440 = arith.constant 0 : i32
    %dma_wait3A_441 = tpu.memref_slice %arg18[%dma_wait3A_439, %dma_wait3A_440] : memref<10240x128xf32, #tpu.memory_space<vmem_shared>> -> memref<10240x128xf32, #tpu.memory_space<vmem_shared>>
    tpu.wait_indirect_dma semaphore(%arg23 : memref<!tpu.dma_semaphore, #tpu.memory_space<semaphore_mem>>) src(%arg17 : memref<128x128xf32, #tpu.memory_space<vmem>>) dst(%dma_wait3A_441 : memref<10240x128xf32, #tpu.memory_space<vmem_shared>>)
    "tpu.region"() ({
      %run_scoped3A = tpu.sem_alloc : memref<!tpu.dma_semaphore, #tpu.memory_space<semaphore_mem>>
      %dma_start3A_564 = arith.constant 40 : i32
      %dma_start3A_565 = arith.constant 0 : i32
      %dma_start3A_566 = tpu.memref_slice %arg3[%add3A_417, %arg1, %dma_start3A_564, %dma_start3A_565] : memref<4x16x80x128xi32, #tpu.memory_space<hbm>> -> memref<1x1x40x128xi32, #tpu.memory_space<hbm>>
      %dma_start3A_567 = tpu.memref_squeeze %dma_start3A_566 : memref<1x1x40x128xi32, #tpu.memory_space<hbm>> -> memref<40x128xi32, #tpu.memory_space<hbm>>
      %dma_start3A_568 = arith.constant 40 : i32
      %dma_start3A_569 = arith.constant 0 : i32
      %dma_start3A_570 = tpu.memref_slice %arg3[%add3A_417, %arg1, %dma_start3A_568, %dma_start3A_569] : memref<4x16x80x128xi32, #tpu.memory_space<hbm>> -> memref<1x1x40x128xi32, #tpu.memory_space<hbm>>
      %dma_start3A_571 = tpu.memref_squeeze %dma_start3A_570 : memref<1x1x40x128xi32, #tpu.memory_space<hbm>> -> memref<40x128xi32, #tpu.memory_space<hbm>>
      tpu.enqueue_dma source(%dma_start3A_571 : memref<40x128xi32, #tpu.memory_space<hbm>>) target(%arg9 : memref<40x128xi32, #tpu.memory_space<vmem>>) target_semaphore(%run_scoped3A : memref<!tpu.dma_semaphore, #tpu.memory_space<semaphore_mem>>)
      %dma_wait3A_572 = arith.constant 40 : i32
      %dma_wait3A_573 = arith.constant 0 : i32
      %dma_wait3A_574 = tpu.memref_slice %arg3[%add3A_417, %arg1, %dma_wait3A_572, %dma_wait3A_573] : memref<4x16x80x128xi32, #tpu.memory_space<hbm>> -> memref<1x1x40x128xi32, #tpu.memory_space<hbm>>
      %dma_wait3A_575 = tpu.memref_squeeze %dma_wait3A_574 : memref<1x1x40x128xi32, #tpu.memory_space<hbm>> -> memref<40x128xi32, #tpu.memory_space<hbm>>
      %dma_wait3A_576 = arith.constant 40 : i32
      %dma_wait3A_577 = arith.constant 0 : i32
      %dma_wait3A_578 = tpu.memref_slice %arg3[%add3A_417, %arg1, %dma_wait3A_576, %dma_wait3A_577] : memref<4x16x80x128xi32, #tpu.memory_space<hbm>> -> memref<1x1x40x128xi32, #tpu.memory_space<hbm>>
      %dma_wait3A_579 = tpu.memref_squeeze %dma_wait3A_578 : memref<1x1x40x128xi32, #tpu.memory_space<hbm>> -> memref<40x128xi32, #tpu.memory_space<hbm>>
      tpu.wait_dma2 semaphore(%run_scoped3A : memref<!tpu.dma_semaphore, #tpu.memory_space<semaphore_mem>>) src(%dma_wait3A_579 : memref<40x128xi32, #tpu.memory_space<hbm>>) dst(%arg9 : memref<40x128xi32, #tpu.memory_space<vmem>>)
      tpu.yield
    }) : () -> ()
    "tpu.region"() ({
      %run_scoped3A = tpu.sem_alloc : memref<!tpu.dma_semaphore, #tpu.memory_space<semaphore_mem>>
      %dma_start3A_564 = arith.constant 40 : i32
      %dma_start3A_565 = arith.constant 0 : i32
      %dma_start3A_566 = tpu.memref_slice %arg4[%arg1, %dma_start3A_564, %dma_start3A_565] : memref<16x80x128xi32, #tpu.memory_space<hbm>> -> memref<1x40x128xi32, #tpu.memory_space<hbm>>
      %dma_start3A_567 = tpu.memref_squeeze %dma_start3A_566 : memref<1x40x128xi32, #tpu.memory_space<hbm>> -> memref<40x128xi32, #tpu.memory_space<hbm>>
      %dma_start3A_568 = arith.constant 40 : i32
      %dma_start3A_569 = arith.constant 0 : i32
      %dma_start3A_570 = tpu.memref_slice %arg4[%arg1, %dma_start3A_568, %dma_start3A_569] : memref<16x80x128xi32, #tpu.memory_space<hbm>> -> memref<1x40x128xi32, #tpu.memory_space<hbm>>
      %dma_start3A_571 = tpu.memref_squeeze %dma_start3A_570 : memref<1x40x128xi32, #tpu.memory_space<hbm>> -> memref<40x128xi32, #tpu.memory_space<hbm>>
      tpu.enqueue_dma source(%dma_start3A_571 : memref<40x128xi32, #tpu.memory_space<hbm>>) target(%arg10 : memref<40x128xi32, #tpu.memory_space<vmem>>) target_semaphore(%run_scoped3A : memref<!tpu.dma_semaphore, #tpu.memory_space<semaphore_mem>>)
      %dma_wait3A_572 = arith.constant 40 : i32
      %dma_wait3A_573 = arith.constant 0 : i32
      %dma_wait3A_574 = tpu.memref_slice %arg4[%arg1, %dma_wait3A_572, %dma_wait3A_573] : memref<16x80x128xi32, #tpu.memory_space<hbm>> -> memref<1x40x128xi32, #tpu.memory_space<hbm>>
      %dma_wait3A_575 = tpu.memref_squeeze %dma_wait3A_574 : memref<1x40x128xi32, #tpu.memory_space<hbm>> -> memref<40x128xi32, #tpu.memory_space<hbm>>
      %dma_wait3A_576 = arith.constant 40 : i32
      %dma_wait3A_577 = arith.constant 0 : i32
      %dma_wait3A_578 = tpu.memref_slice %arg4[%arg1, %dma_wait3A_576, %dma_wait3A_577] : memref<16x80x128xi32, #tpu.memory_space<hbm>> -> memref<1x40x128xi32, #tpu.memory_space<hbm>>
      %dma_wait3A_579 = tpu.memref_squeeze %dma_wait3A_578 : memref<1x40x128xi32, #tpu.memory_space<hbm>> -> memref<40x128xi32, #tpu.memory_space<hbm>>
      tpu.wait_dma2 semaphore(%run_scoped3A : memref<!tpu.dma_semaphore, #tpu.memory_space<semaphore_mem>>) src(%dma_wait3A_579 : memref<40x128xi32, #tpu.memory_space<hbm>>) dst(%arg10 : memref<40x128xi32, #tpu.memory_space<vmem>>)
      tpu.yield
    }) : () -> ()
    %dma_start3A_442 = arith.constant 0 : i32
    %dma_start3A_443 = arith.constant 0 : i32
    %dma_start3A_444 = tpu.memref_slice %arg9[%dma_start3A_442, %dma_start3A_443] : memref<40x128xi32, #tpu.memory_space<vmem>> -> memref<1x128xi32, #tpu.memory_space<vmem>>
    %dma_start3A_445 = tpu.memref_squeeze %dma_start3A_444 : memref<1x128xi32, #tpu.memory_space<vmem>> -> memref<128xi32, #tpu.memory_space<vmem>>
    %dma_start3A_446 = arith.constant 0 : i32
    %dma_start3A_447 = arith.constant 0 : i32
    %dma_start3A_448 = tpu.memref_slice %arg2[%dma_start3A_446, %dma_start3A_447] : memref<40960x128xf32, #tpu.memory_space<hbm>> -> memref<40960x128xf32, #tpu.memory_space<hbm>>
    tpu.enqueue_indirect_dma source(%dma_start3A_448 : memref<40960x128xf32, #tpu.memory_space<hbm>>) target(%arg16 : memref<128x128xf32, #tpu.memory_space<vmem>>) offsets(%dma_start3A_445 : memref<128xi32, #tpu.memory_space<vmem>>) semaphore(%arg20 : memref<!tpu.dma_semaphore, #tpu.memory_space<semaphore_mem>>)
    %scan3A_449 = arith.constant 0 : i32
    %scan3A_450 = arith.constant 0 : i32
    %scan3A_451 = arith.constant 20 : i32
    %scan3A_452 = arith.addi %scan3A_450, %scan3A_451 : i32
    %scan3A_453 = arith.constant 1 : i32
    %scan3A_454 = scf.for %scan3A_564 = %scan3A_450 to %scan3A_452 step %scan3A_453 iter_args(%scan3A_565 = %scan3A_449) -> (i32)  : i32 {
      %mul3A_566 = arith.constant 2 : i32
      %mul3A_567 = arith.muli %mul3A_566, %scan3A_564 : i32
      %dma_wait3A_568 = arith.constant 0 : i32
      %dma_wait3A_569 = tpu.memref_slice %arg9[%mul3A_567, %dma_wait3A_568] : memref<40x128xi32, #tpu.memory_space<vmem>> -> memref<1x128xi32, #tpu.memory_space<vmem>>
      %dma_wait3A_570 = tpu.memref_squeeze %dma_wait3A_569 : memref<1x128xi32, #tpu.memory_space<vmem>> -> memref<128xi32, #tpu.memory_space<vmem>>
      %dma_wait3A_571 = arith.constant 0 : i32
      %dma_wait3A_572 = arith.constant 0 : i32
      %dma_wait3A_573 = tpu.memref_slice %arg2[%dma_wait3A_571, %dma_wait3A_572] : memref<40960x128xf32, #tpu.memory_space<hbm>> -> memref<40960x128xf32, #tpu.memory_space<hbm>>
      tpu.wait_indirect_dma semaphore(%arg20 : memref<!tpu.dma_semaphore, #tpu.memory_space<semaphore_mem>>) src(%dma_wait3A_573 : memref<40960x128xf32, #tpu.memory_space<hbm>>) dst(%arg16 : memref<128x128xf32, #tpu.memory_space<vmem>>)
      %gt3A = arith.constant 0 : i32
      %gt3A_574 = arith.cmpi sgt, %scan3A_564, %gt3A : i32
      %convert_element_type3A_575 = arith.extui %gt3A_574 : i1 to i32
      %cond3A_576 = arith.constant 0 : i32
      %cond3A_577 = arith.cmpi ne, %convert_element_type3A_575, %cond3A_576 : i32
      scf.if %cond3A_577 {
        %sub3A = arith.constant 1 : i32
        %sub3A_621 = arith.subi %mul3A_567, %sub3A : i32
        %dma_wait3A_622 = arith.constant 0 : i32
        %dma_wait3A_623 = tpu.memref_slice %arg10[%sub3A_621, %dma_wait3A_622] : memref<40x128xi32, #tpu.memory_space<vmem>> -> memref<1x128xi32, #tpu.memory_space<vmem>>
        %dma_wait3A_624 = tpu.memref_squeeze %dma_wait3A_623 : memref<1x128xi32, #tpu.memory_space<vmem>> -> memref<128xi32, #tpu.memory_space<vmem>>
        %dma_wait3A_625 = arith.constant 0 : i32
        %dma_wait3A_626 = arith.constant 0 : i32
        %dma_wait3A_627 = tpu.memref_slice %arg18[%dma_wait3A_625, %dma_wait3A_626] : memref<10240x128xf32, #tpu.memory_space<vmem_shared>> -> memref<10240x128xf32, #tpu.memory_space<vmem_shared>>
        tpu.wait_indirect_dma semaphore(%arg23 : memref<!tpu.dma_semaphore, #tpu.memory_space<semaphore_mem>>) src(%arg17 : memref<128x128xf32, #tpu.memory_space<vmem>>) dst(%dma_wait3A_627 : memref<10240x128xf32, #tpu.memory_space<vmem_shared>>)
      } else {
      }
      %add3A_578 = arith.constant 1 : i32
      %add3A_579 = arith.addi %mul3A_567, %add3A_578 : i32
      %dma_start3A_580 = arith.constant 0 : i32
      %dma_start3A_581 = tpu.memref_slice %arg9[%add3A_579, %dma_start3A_580] : memref<40x128xi32, #tpu.memory_space<vmem>> -> memref<1x128xi32, #tpu.memory_space<vmem>>
      %dma_start3A_582 = tpu.memref_squeeze %dma_start3A_581 : memref<1x128xi32, #tpu.memory_space<vmem>> -> memref<128xi32, #tpu.memory_space<vmem>>
      %dma_start3A_583 = arith.constant 0 : i32
      %dma_start3A_584 = arith.constant 0 : i32
      %dma_start3A_585 = tpu.memref_slice %arg2[%dma_start3A_583, %dma_start3A_584] : memref<40960x128xf32, #tpu.memory_space<hbm>> -> memref<40960x128xf32, #tpu.memory_space<hbm>>
      tpu.enqueue_indirect_dma source(%dma_start3A_585 : memref<40960x128xf32, #tpu.memory_space<hbm>>) target(%arg17 : memref<128x128xf32, #tpu.memory_space<vmem>>) offsets(%dma_start3A_582 : memref<128xi32, #tpu.memory_space<vmem>>) semaphore(%arg21 : memref<!tpu.dma_semaphore, #tpu.memory_space<semaphore_mem>>)
      %dma_start3A_586 = arith.constant 0 : i32
      %dma_start3A_587 = tpu.memref_slice %arg10[%mul3A_567, %dma_start3A_586] : memref<40x128xi32, #tpu.memory_space<vmem>> -> memref<1x128xi32, #tpu.memory_space<vmem>>
      %dma_start3A_588 = tpu.memref_squeeze %dma_start3A_587 : memref<1x128xi32, #tpu.memory_space<vmem>> -> memref<128xi32, #tpu.memory_space<vmem>>
      %dma_start3A_589 = arith.constant 0 : i32
      %dma_start3A_590 = arith.constant 0 : i32
      %dma_start3A_591 = tpu.memref_slice %arg18[%dma_start3A_589, %dma_start3A_590] : memref<10240x128xf32, #tpu.memory_space<vmem_shared>> -> memref<10240x128xf32, #tpu.memory_space<vmem_shared>>
      tpu.enqueue_indirect_dma source(%arg16 : memref<128x128xf32, #tpu.memory_space<vmem>>) target(%dma_start3A_591 : memref<10240x128xf32, #tpu.memory_space<vmem_shared>>) offsets(%dma_start3A_588 : memref<128xi32, #tpu.memory_space<vmem>>) semaphore(%arg22 : memref<!tpu.dma_semaphore, #tpu.memory_space<semaphore_mem>>) {add = true}
      %add3A_592 = arith.constant 1 : i32
      %add3A_593 = arith.addi %mul3A_567, %add3A_592 : i32
      %dma_wait3A_594 = arith.constant 0 : i32
      %dma_wait3A_595 = tpu.memref_slice %arg9[%add3A_593, %dma_wait3A_594] : memref<40x128xi32, #tpu.memory_space<vmem>> -> memref<1x128xi32, #tpu.memory_space<vmem>>
      %dma_wait3A_596 = tpu.memref_squeeze %dma_wait3A_595 : memref<1x128xi32, #tpu.memory_space<vmem>> -> memref<128xi32, #tpu.memory_space<vmem>>
      %dma_wait3A_597 = arith.constant 0 : i32
      %dma_wait3A_598 = arith.constant 0 : i32
      %dma_wait3A_599 = tpu.memref_slice %arg2[%dma_wait3A_597, %dma_wait3A_598] : memref<40960x128xf32, #tpu.memory_space<hbm>> -> memref<40960x128xf32, #tpu.memory_space<hbm>>
      tpu.wait_indirect_dma semaphore(%arg21 : memref<!tpu.dma_semaphore, #tpu.memory_space<semaphore_mem>>) src(%dma_wait3A_599 : memref<40960x128xf32, #tpu.memory_space<hbm>>) dst(%arg17 : memref<128x128xf32, #tpu.memory_space<vmem>>)
      %dma_wait3A_600 = arith.constant 0 : i32
      %dma_wait3A_601 = tpu.memref_slice %arg10[%mul3A_567, %dma_wait3A_600] : memref<40x128xi32, #tpu.memory_space<vmem>> -> memref<1x128xi32, #tpu.memory_space<vmem>>
      %dma_wait3A_602 = tpu.memref_squeeze %dma_wait3A_601 : memref<1x128xi32, #tpu.memory_space<vmem>> -> memref<128xi32, #tpu.memory_space<vmem>>
      %dma_wait3A_603 = arith.constant 0 : i32
      %dma_wait3A_604 = arith.constant 0 : i32
      %dma_wait3A_605 = tpu.memref_slice %arg18[%dma_wait3A_603, %dma_wait3A_604] : memref<10240x128xf32, #tpu.memory_space<vmem_shared>> -> memref<10240x128xf32, #tpu.memory_space<vmem_shared>>
      tpu.wait_indirect_dma semaphore(%arg22 : memref<!tpu.dma_semaphore, #tpu.memory_space<semaphore_mem>>) src(%arg16 : memref<128x128xf32, #tpu.memory_space<vmem>>) dst(%dma_wait3A_605 : memref<10240x128xf32, #tpu.memory_space<vmem_shared>>)
      %add3A_606 = arith.constant 2 : i32
      %add3A_607 = arith.addi %mul3A_567, %add3A_606 : i32
      %lt3A = arith.constant 40 : i32
      %lt3A_608 = arith.cmpi slt, %add3A_607, %lt3A : i32
      %convert_element_type3A_609 = arith.extui %lt3A_608 : i1 to i32
      %cond3A_610 = arith.constant 0 : i32
      %cond3A_611 = arith.cmpi ne, %convert_element_type3A_609, %cond3A_610 : i32
      scf.if %cond3A_611 {
        %add3A_621 = arith.constant 2 : i32
        %add3A_622 = arith.addi %mul3A_567, %add3A_621 : i32
        %dma_start3A_623 = arith.constant 0 : i32
        %dma_start3A_624 = tpu.memref_slice %arg9[%add3A_622, %dma_start3A_623] : memref<40x128xi32, #tpu.memory_space<vmem>> -> memref<1x128xi32, #tpu.memory_space<vmem>>
        %dma_start3A_625 = tpu.memref_squeeze %dma_start3A_624 : memref<1x128xi32, #tpu.memory_space<vmem>> -> memref<128xi32, #tpu.memory_space<vmem>>
        %dma_start3A_626 = arith.constant 0 : i32
        %dma_start3A_627 = arith.constant 0 : i32
        %dma_start3A_628 = tpu.memref_slice %arg2[%dma_start3A_626, %dma_start3A_627] : memref<40960x128xf32, #tpu.memory_space<hbm>> -> memref<40960x128xf32, #tpu.memory_space<hbm>>
        tpu.enqueue_indirect_dma source(%dma_start3A_628 : memref<40960x128xf32, #tpu.memory_space<hbm>>) target(%arg16 : memref<128x128xf32, #tpu.memory_space<vmem>>) offsets(%dma_start3A_625 : memref<128xi32, #tpu.memory_space<vmem>>) semaphore(%arg20 : memref<!tpu.dma_semaphore, #tpu.memory_space<semaphore_mem>>)
      } else {
      }
      %add3A_612 = arith.constant 1 : i32
      %add3A_613 = arith.addi %mul3A_567, %add3A_612 : i32
      %dma_start3A_614 = arith.constant 0 : i32
      %dma_start3A_615 = tpu.memref_slice %arg10[%add3A_613, %dma_start3A_614] : memref<40x128xi32, #tpu.memory_space<vmem>> -> memref<1x128xi32, #tpu.memory_space<vmem>>
      %dma_start3A_616 = tpu.memref_squeeze %dma_start3A_615 : memref<1x128xi32, #tpu.memory_space<vmem>> -> memref<128xi32, #tpu.memory_space<vmem>>
      %dma_start3A_617 = arith.constant 0 : i32
      %dma_start3A_618 = arith.constant 0 : i32
      %dma_start3A_619 = tpu.memref_slice %arg18[%dma_start3A_617, %dma_start3A_618] : memref<10240x128xf32, #tpu.memory_space<vmem_shared>> -> memref<10240x128xf32, #tpu.memory_space<vmem_shared>>
      tpu.enqueue_indirect_dma source(%arg17 : memref<128x128xf32, #tpu.memory_space<vmem>>) target(%dma_start3A_619 : memref<10240x128xf32, #tpu.memory_space<vmem_shared>>) offsets(%dma_start3A_616 : memref<128xi32, #tpu.memory_space<vmem>>) semaphore(%arg23 : memref<!tpu.dma_semaphore, #tpu.memory_space<semaphore_mem>>) {add = true}
      %scan3A_620 = arith.constant 0 : i32
      scf.yield %scan3A_620 : i32
    }
    %scan3A_455 = arith.constant 20 : i32
    %dma_wait3A_456 = arith.constant 39 : i32
    %dma_wait3A_457 = arith.constant 0 : i32
    %dma_wait3A_458 = tpu.memref_slice %arg10[%dma_wait3A_456, %dma_wait3A_457] : memref<40x128xi32, #tpu.memory_space<vmem>> -> memref<1x128xi32, #tpu.memory_space<vmem>>
    %dma_wait3A_459 = tpu.memref_squeeze %dma_wait3A_458 : memref<1x128xi32, #tpu.memory_space<vmem>> -> memref<128xi32, #tpu.memory_space<vmem>>
    %dma_wait3A_460 = arith.constant 0 : i32
    %dma_wait3A_461 = arith.constant 0 : i32
    %dma_wait3A_462 = tpu.memref_slice %arg18[%dma_wait3A_460, %dma_wait3A_461] : memref<10240x128xf32, #tpu.memory_space<vmem_shared>> -> memref<10240x128xf32, #tpu.memory_space<vmem_shared>>
    tpu.wait_indirect_dma semaphore(%arg23 : memref<!tpu.dma_semaphore, #tpu.memory_space<semaphore_mem>>) src(%arg17 : memref<128x128xf32, #tpu.memory_space<vmem>>) dst(%dma_wait3A_462 : memref<10240x128xf32, #tpu.memory_space<vmem_shared>>)
    %barrier3A_463 = arith.constant 0 : index
    tpu.barrier barrier_id(%barrier3A_463)
    %add3A_464 = arith.constant 0 : i32
    %add3A_465 = arith.addi %mul3A_0, %add3A_464 : i32
    %dma_start3A_466 = arith.constant 0 : i32
    %dma_start3A_467 = arith.constant 0 : i32
    %dma_start3A_468 = tpu.memref_slice %arg7[%add3A_417, %dma_start3A_466, %dma_start3A_467] : memref<4x10240x128xf32, #tpu.memory_space<hbm>> -> memref<1x10240x128xf32, #tpu.memory_space<hbm>>
    %dma_start3A_469 = tpu.memref_squeeze %dma_start3A_468 : memref<1x10240x128xf32, #tpu.memory_space<hbm>> -> memref<10240x128xf32, #tpu.memory_space<hbm>>
    %dma_start3A_470 = arith.constant 0 : i32
    %dma_start3A_471 = tpu.memref_slice %dma_start3A_469[%add3A_465, %dma_start3A_470] : memref<10240x128xf32, #tpu.memory_space<hbm>> -> memref<128x128xf32, #tpu.memory_space<hbm>>
    %dma_start3A_472 = arith.constant 0 : i32
    %dma_start3A_473 = tpu.memref_slice %arg18[%add3A_465, %dma_start3A_472] : memref<10240x128xf32, #tpu.memory_space<vmem_shared>> -> memref<128x128xf32, #tpu.memory_space<vmem_shared>>
    tpu.enqueue_dma source(%dma_start3A_473 : memref<128x128xf32, #tpu.memory_space<vmem_shared>>) target(%dma_start3A_471 : memref<128x128xf32, #tpu.memory_space<hbm>>) target_semaphore(%arg20 : memref<!tpu.dma_semaphore, #tpu.memory_space<semaphore_mem>>)
    %add3A_474 = arith.constant 128 : i32
    %add3A_475 = arith.addi %mul3A_0, %add3A_474 : i32
    %dma_start3A_476 = arith.constant 0 : i32
    %dma_start3A_477 = arith.constant 0 : i32
    %dma_start3A_478 = tpu.memref_slice %arg7[%add3A_417, %dma_start3A_476, %dma_start3A_477] : memref<4x10240x128xf32, #tpu.memory_space<hbm>> -> memref<1x10240x128xf32, #tpu.memory_space<hbm>>
    %dma_start3A_479 = tpu.memref_squeeze %dma_start3A_478 : memref<1x10240x128xf32, #tpu.memory_space<hbm>> -> memref<10240x128xf32, #tpu.memory_space<hbm>>
    %dma_start3A_480 = arith.constant 0 : i32
    %dma_start3A_481 = tpu.memref_slice %dma_start3A_479[%add3A_475, %dma_start3A_480] : memref<10240x128xf32, #tpu.memory_space<hbm>> -> memref<128x128xf32, #tpu.memory_space<hbm>>
    %dma_start3A_482 = arith.constant 0 : i32
    %dma_start3A_483 = tpu.memref_slice %arg18[%add3A_475, %dma_start3A_482] : memref<10240x128xf32, #tpu.memory_space<vmem_shared>> -> memref<128x128xf32, #tpu.memory_space<vmem_shared>>
    tpu.enqueue_dma source(%dma_start3A_483 : memref<128x128xf32, #tpu.memory_space<vmem_shared>>) target(%dma_start3A_481 : memref<128x128xf32, #tpu.memory_space<hbm>>) target_semaphore(%arg20 : memref<!tpu.dma_semaphore, #tpu.memory_space<semaphore_mem>>)
    %add3A_484 = arith.constant 256 : i32
    %add3A_485 = arith.addi %mul3A_0, %add3A_484 : i32
    %dma_start3A_486 = arith.constant 0 : i32
    %dma_start3A_487 = arith.constant 0 : i32
    %dma_start3A_488 = tpu.memref_slice %arg7[%add3A_417, %dma_start3A_486, %dma_start3A_487] : memref<4x10240x128xf32, #tpu.memory_space<hbm>> -> memref<1x10240x128xf32, #tpu.memory_space<hbm>>
    %dma_start3A_489 = tpu.memref_squeeze %dma_start3A_488 : memref<1x10240x128xf32, #tpu.memory_space<hbm>> -> memref<10240x128xf32, #tpu.memory_space<hbm>>
    %dma_start3A_490 = arith.constant 0 : i32
    %dma_start3A_491 = tpu.memref_slice %dma_start3A_489[%add3A_485, %dma_start3A_490] : memref<10240x128xf32, #tpu.memory_space<hbm>> -> memref<128x128xf32, #tpu.memory_space<hbm>>
    %dma_start3A_492 = arith.constant 0 : i32
    %dma_start3A_493 = tpu.memref_slice %arg18[%add3A_485, %dma_start3A_492] : memref<10240x128xf32, #tpu.memory_space<vmem_shared>> -> memref<128x128xf32, #tpu.memory_space<vmem_shared>>
    tpu.enqueue_dma source(%dma_start3A_493 : memref<128x128xf32, #tpu.memory_space<vmem_shared>>) target(%dma_start3A_491 : memref<128x128xf32, #tpu.memory_space<hbm>>) target_semaphore(%arg20 : memref<!tpu.dma_semaphore, #tpu.memory_space<semaphore_mem>>)
    %add3A_494 = arith.constant 384 : i32
    %add3A_495 = arith.addi %mul3A_0, %add3A_494 : i32
    %dma_start3A_496 = arith.constant 0 : i32
    %dma_start3A_497 = arith.constant 0 : i32
    %dma_start3A_498 = tpu.memref_slice %arg7[%add3A_417, %dma_start3A_496, %dma_start3A_497] : memref<4x10240x128xf32, #tpu.memory_space<hbm>> -> memref<1x10240x128xf32, #tpu.memory_space<hbm>>
    %dma_start3A_499 = tpu.memref_squeeze %dma_start3A_498 : memref<1x10240x128xf32, #tpu.memory_space<hbm>> -> memref<10240x128xf32, #tpu.memory_space<hbm>>
    %dma_start3A_500 = arith.constant 0 : i32
    %dma_start3A_501 = tpu.memref_slice %dma_start3A_499[%add3A_495, %dma_start3A_500] : memref<10240x128xf32, #tpu.memory_space<hbm>> -> memref<128x128xf32, #tpu.memory_space<hbm>>
    %dma_start3A_502 = arith.constant 0 : i32
    %dma_start3A_503 = tpu.memref_slice %arg18[%add3A_495, %dma_start3A_502] : memref<10240x128xf32, #tpu.memory_space<vmem_shared>> -> memref<128x128xf32, #tpu.memory_space<vmem_shared>>
    tpu.enqueue_dma source(%dma_start3A_503 : memref<128x128xf32, #tpu.memory_space<vmem_shared>>) target(%dma_start3A_501 : memref<128x128xf32, #tpu.memory_space<hbm>>) target_semaphore(%arg20 : memref<!tpu.dma_semaphore, #tpu.memory_space<semaphore_mem>>)
    %add3A_504 = arith.constant 512 : i32
    %add3A_505 = arith.addi %mul3A_0, %add3A_504 : i32
    %dma_start3A_506 = arith.constant 0 : i32
    %dma_start3A_507 = arith.constant 0 : i32
    %dma_start3A_508 = tpu.memref_slice %arg7[%add3A_417, %dma_start3A_506, %dma_start3A_507] : memref<4x10240x128xf32, #tpu.memory_space<hbm>> -> memref<1x10240x128xf32, #tpu.memory_space<hbm>>
    %dma_start3A_509 = tpu.memref_squeeze %dma_start3A_508 : memref<1x10240x128xf32, #tpu.memory_space<hbm>> -> memref<10240x128xf32, #tpu.memory_space<hbm>>
    %dma_start3A_510 = arith.constant 0 : i32
    %dma_start3A_511 = tpu.memref_slice %dma_start3A_509[%add3A_505, %dma_start3A_510] : memref<10240x128xf32, #tpu.memory_space<hbm>> -> memref<128x128xf32, #tpu.memory_space<hbm>>
    %dma_start3A_512 = arith.constant 0 : i32
    %dma_start3A_513 = tpu.memref_slice %arg18[%add3A_505, %dma_start3A_512] : memref<10240x128xf32, #tpu.memory_space<vmem_shared>> -> memref<128x128xf32, #tpu.memory_space<vmem_shared>>
    tpu.enqueue_dma source(%dma_start3A_513 : memref<128x128xf32, #tpu.memory_space<vmem_shared>>) target(%dma_start3A_511 : memref<128x128xf32, #tpu.memory_space<hbm>>) target_semaphore(%arg20 : memref<!tpu.dma_semaphore, #tpu.memory_space<semaphore_mem>>)
    %add3A_514 = arith.constant 0 : i32
    %add3A_515 = arith.addi %mul3A_0, %add3A_514 : i32
    %dma_wait3A_516 = arith.constant 0 : i32
    %dma_wait3A_517 = arith.constant 0 : i32
    %dma_wait3A_518 = tpu.memref_slice %arg7[%add3A_417, %dma_wait3A_516, %dma_wait3A_517] : memref<4x10240x128xf32, #tpu.memory_space<hbm>> -> memref<1x10240x128xf32, #tpu.memory_space<hbm>>
    %dma_wait3A_519 = tpu.memref_squeeze %dma_wait3A_518 : memref<1x10240x128xf32, #tpu.memory_space<hbm>> -> memref<10240x128xf32, #tpu.memory_space<hbm>>
    %dma_wait3A_520 = arith.constant 0 : i32
    %dma_wait3A_521 = tpu.memref_slice %dma_wait3A_519[%add3A_515, %dma_wait3A_520] : memref<10240x128xf32, #tpu.memory_space<hbm>> -> memref<128x128xf32, #tpu.memory_space<hbm>>
    %dma_wait3A_522 = arith.constant 0 : i32
    %dma_wait3A_523 = tpu.memref_slice %arg18[%add3A_515, %dma_wait3A_522] : memref<10240x128xf32, #tpu.memory_space<vmem_shared>> -> memref<128x128xf32, #tpu.memory_space<vmem_shared>>
    tpu.wait_dma2 semaphore(%arg20 : memref<!tpu.dma_semaphore, #tpu.memory_space<semaphore_mem>>) src(%dma_wait3A_523 : memref<128x128xf32, #tpu.memory_space<vmem_shared>>) dst(%dma_wait3A_521 : memref<128x128xf32, #tpu.memory_space<hbm>>)
    %add3A_524 = arith.constant 128 : i32
    %add3A_525 = arith.addi %mul3A_0, %add3A_524 : i32
    %dma_wait3A_526 = arith.constant 0 : i32
    %dma_wait3A_527 = arith.constant 0 : i32
    %dma_wait3A_528 = tpu.memref_slice %arg7[%add3A_417, %dma_wait3A_526, %dma_wait3A_527] : memref<4x10240x128xf32, #tpu.memory_space<hbm>> -> memref<1x10240x128xf32, #tpu.memory_space<hbm>>
    %dma_wait3A_529 = tpu.memref_squeeze %dma_wait3A_528 : memref<1x10240x128xf32, #tpu.memory_space<hbm>> -> memref<10240x128xf32, #tpu.memory_space<hbm>>
    %dma_wait3A_530 = arith.constant 0 : i32
    %dma_wait3A_531 = tpu.memref_slice %dma_wait3A_529[%add3A_525, %dma_wait3A_530] : memref<10240x128xf32, #tpu.memory_space<hbm>> -> memref<128x128xf32, #tpu.memory_space<hbm>>
    %dma_wait3A_532 = arith.constant 0 : i32
    %dma_wait3A_533 = tpu.memref_slice %arg18[%add3A_525, %dma_wait3A_532] : memref<10240x128xf32, #tpu.memory_space<vmem_shared>> -> memref<128x128xf32, #tpu.memory_space<vmem_shared>>
    tpu.wait_dma2 semaphore(%arg20 : memref<!tpu.dma_semaphore, #tpu.memory_space<semaphore_mem>>) src(%dma_wait3A_533 : memref<128x128xf32, #tpu.memory_space<vmem_shared>>) dst(%dma_wait3A_531 : memref<128x128xf32, #tpu.memory_space<hbm>>)
    %add3A_534 = arith.constant 256 : i32
    %add3A_535 = arith.addi %mul3A_0, %add3A_534 : i32
    %dma_wait3A_536 = arith.constant 0 : i32
    %dma_wait3A_537 = arith.constant 0 : i32
    %dma_wait3A_538 = tpu.memref_slice %arg7[%add3A_417, %dma_wait3A_536, %dma_wait3A_537] : memref<4x10240x128xf32, #tpu.memory_space<hbm>> -> memref<1x10240x128xf32, #tpu.memory_space<hbm>>
    %dma_wait3A_539 = tpu.memref_squeeze %dma_wait3A_538 : memref<1x10240x128xf32, #tpu.memory_space<hbm>> -> memref<10240x128xf32, #tpu.memory_space<hbm>>
    %dma_wait3A_540 = arith.constant 0 : i32
    %dma_wait3A_541 = tpu.memref_slice %dma_wait3A_539[%add3A_535, %dma_wait3A_540] : memref<10240x128xf32, #tpu.memory_space<hbm>> -> memref<128x128xf32, #tpu.memory_space<hbm>>
    %dma_wait3A_542 = arith.constant 0 : i32
    %dma_wait3A_543 = tpu.memref_slice %arg18[%add3A_535, %dma_wait3A_542] : memref<10240x128xf32, #tpu.memory_space<vmem_shared>> -> memref<128x128xf32, #tpu.memory_space<vmem_shared>>
    tpu.wait_dma2 semaphore(%arg20 : memref<!tpu.dma_semaphore, #tpu.memory_space<semaphore_mem>>) src(%dma_wait3A_543 : memref<128x128xf32, #tpu.memory_space<vmem_shared>>) dst(%dma_wait3A_541 : memref<128x128xf32, #tpu.memory_space<hbm>>)
    %add3A_544 = arith.constant 384 : i32
    %add3A_545 = arith.addi %mul3A_0, %add3A_544 : i32
    %dma_wait3A_546 = arith.constant 0 : i32
    %dma_wait3A_547 = arith.constant 0 : i32
    %dma_wait3A_548 = tpu.memref_slice %arg7[%add3A_417, %dma_wait3A_546, %dma_wait3A_547] : memref<4x10240x128xf32, #tpu.memory_space<hbm>> -> memref<1x10240x128xf32, #tpu.memory_space<hbm>>
    %dma_wait3A_549 = tpu.memref_squeeze %dma_wait3A_548 : memref<1x10240x128xf32, #tpu.memory_space<hbm>> -> memref<10240x128xf32, #tpu.memory_space<hbm>>
    %dma_wait3A_550 = arith.constant 0 : i32
    %dma_wait3A_551 = tpu.memref_slice %dma_wait3A_549[%add3A_545, %dma_wait3A_550] : memref<10240x128xf32, #tpu.memory_space<hbm>> -> memref<128x128xf32, #tpu.memory_space<hbm>>
    %dma_wait3A_552 = arith.constant 0 : i32
    %dma_wait3A_553 = tpu.memref_slice %arg18[%add3A_545, %dma_wait3A_552] : memref<10240x128xf32, #tpu.memory_space<vmem_shared>> -> memref<128x128xf32, #tpu.memory_space<vmem_shared>>
    tpu.wait_dma2 semaphore(%arg20 : memref<!tpu.dma_semaphore, #tpu.memory_space<semaphore_mem>>) src(%dma_wait3A_553 : memref<128x128xf32, #tpu.memory_space<vmem_shared>>) dst(%dma_wait3A_551 : memref<128x128xf32, #tpu.memory_space<hbm>>)
    %add3A_554 = arith.constant 512 : i32
    %add3A_555 = arith.addi %mul3A_0, %add3A_554 : i32
    %dma_wait3A_556 = arith.constant 0 : i32
    %dma_wait3A_557 = arith.constant 0 : i32
    %dma_wait3A_558 = tpu.memref_slice %arg7[%add3A_417, %dma_wait3A_556, %dma_wait3A_557] : memref<4x10240x128xf32, #tpu.memory_space<hbm>> -> memref<1x10240x128xf32, #tpu.memory_space<hbm>>
    %dma_wait3A_559 = tpu.memref_squeeze %dma_wait3A_558 : memref<1x10240x128xf32, #tpu.memory_space<hbm>> -> memref<10240x128xf32, #tpu.memory_space<hbm>>
    %dma_wait3A_560 = arith.constant 0 : i32
    %dma_wait3A_561 = tpu.memref_slice %dma_wait3A_559[%add3A_555, %dma_wait3A_560] : memref<10240x128xf32, #tpu.memory_space<hbm>> -> memref<128x128xf32, #tpu.memory_space<hbm>>
    %dma_wait3A_562 = arith.constant 0 : i32
    %dma_wait3A_563 = tpu.memref_slice %arg18[%add3A_555, %dma_wait3A_562] : memref<10240x128xf32, #tpu.memory_space<vmem_shared>> -> memref<128x128xf32, #tpu.memory_space<vmem_shared>>
    tpu.wait_dma2 semaphore(%arg20 : memref<!tpu.dma_semaphore, #tpu.memory_space<semaphore_mem>>) src(%dma_wait3A_563 : memref<128x128xf32, #tpu.memory_space<vmem_shared>>) dst(%dma_wait3A_561 : memref<128x128xf32, #tpu.memory_space<hbm>>)
    return
  }
}

#map = affine_map<(d0, d1) -> (0, 0, 0)>
#map1 = affine_map<(d0, d1) -> (0, 0)>
module attributes {stable_mosaic.version = 14 : i64} {
  func.func @_k1_deg(%arg0: i32, %arg1: i32, %arg2: memref<16x80x128xi32, #tpu.memory_space<hbm>>, %arg3: memref<2x10240xf32, #tpu.memory_space<hbm>>, %arg4: memref<40x128xi32, #tpu.memory_space<vmem>>, %arg5: memref<128xf32, #tpu.memory_space<vmem>>, %arg6: memref<640xf32, #tpu.memory_space<vmem>>, %arg7: memref<10240xf32, #tpu.memory_space<vmem_shared>>) attributes {dimension_semantics = [#tpu.dimension_semantics<core_parallel>, #tpu.dimension_semantics<subcore_parallel>], iteration_bounds = array<i64: 2, 16>, scalar_prefetch = 0 : i64, scratch_operands = 4 : i64, tpu.core_type = #tpu.core_type<sc_vector_subcore>, window_params = [{transform_indices = #map}, {transform_indices = #map1}]} {
    %mul3A = arith.constant 640 : i32
    %mul3A_0 = arith.muli %arg1, %mul3A : i32
    %scan3A = arith.constant 0 : i32
    %scan3A_1 = arith.constant 0 : i32
    %scan3A_2 = arith.constant 40 : i32
    %scan3A_3 = arith.addi %scan3A_1, %scan3A_2 : i32
    %scan3A_4 = arith.constant 1 : i32
    %scan3A_5 = scf.for %scan3A_24 = %scan3A_1 to %scan3A_3 step %scan3A_4 iter_args(%scan3A_25 = %scan3A) -> (i32)  : i32 {
      %broadcast_in_dim3A = arith.constant 0.000000e+00 : f32
      %broadcast_in_dim3A_26 = vector.broadcast %broadcast_in_dim3A : f32 to vector<16xf32>
      %mul3A_27 = arith.constant 16 : i32
      %mul3A_28 = arith.muli %scan3A_24, %mul3A_27 : i32
      %swap3A = arith.index_cast %mul3A_28 : i32 to index
      %swap3A_29 = tpu.vector_load %arg6[%swap3A] {strides = array<i32>} : memref<640xf32, #tpu.memory_space<vmem>>, vector<16xf32>,
      %swap3A_30 = vector.shape_cast %swap3A_29 : vector<16xf32> to vector<16xf32>
      %swap3A_31 = vector.shape_cast %broadcast_in_dim3A_26 : vector<16xf32> to vector<16xf32>
      tpu.vector_store %arg6[%swap3A], %swap3A_31 {strides = array<i32>} : memref<640xf32, #tpu.memory_space<vmem>>, vector<16xf32>,
      %scan3A_32 = arith.constant 0 : i32
      scf.yield %scan3A_32 : i32
    }
    %scan3A_6 = arith.constant 40 : i32
    "tpu.region"() ({
      %run_scoped3A = tpu.sem_alloc : memref<!tpu.dma_semaphore, #tpu.memory_space<semaphore_mem>>
      %dma_start3A = tpu.memref_slice %arg7[%mul3A_0] : memref<10240xf32, #tpu.memory_space<vmem_shared>> -> memref<640xf32, #tpu.memory_space<vmem_shared>>
      %dma_start3A_24 = tpu.memref_slice %arg7[%mul3A_0] : memref<10240xf32, #tpu.memory_space<vmem_shared>> -> memref<640xf32, #tpu.memory_space<vmem_shared>>
      tpu.enqueue_dma source(%arg6 : memref<640xf32, #tpu.memory_space<vmem>>) target(%dma_start3A_24 : memref<640xf32, #tpu.memory_space<vmem_shared>>) target_semaphore(%run_scoped3A : memref<!tpu.dma_semaphore, #tpu.memory_space<semaphore_mem>>)
      %dma_wait3A = tpu.memref_slice %arg7[%mul3A_0] : memref<10240xf32, #tpu.memory_space<vmem_shared>> -> memref<640xf32, #tpu.memory_space<vmem_shared>>
      %dma_wait3A_25 = tpu.memref_slice %arg7[%mul3A_0] : memref<10240xf32, #tpu.memory_space<vmem_shared>> -> memref<640xf32, #tpu.memory_space<vmem_shared>>
      tpu.wait_dma2 semaphore(%run_scoped3A : memref<!tpu.dma_semaphore, #tpu.memory_space<semaphore_mem>>) src(%arg6 : memref<640xf32, #tpu.memory_space<vmem>>) dst(%dma_wait3A_25 : memref<640xf32, #tpu.memory_space<vmem_shared>>)
      tpu.yield
    }) : () -> ()
    %mul3A_7 = arith.constant 40 : i32
    %mul3A_8 = arith.muli %arg0, %mul3A_7 : i32
    "tpu.region"() ({
      %run_scoped3A = tpu.sem_alloc : memref<!tpu.dma_semaphore, #tpu.memory_space<semaphore_mem>>
      %dma_start3A = arith.constant 0 : i32
      %dma_start3A_24 = tpu.memref_slice %arg2[%arg1, %mul3A_8, %dma_start3A] : memref<16x80x128xi32, #tpu.memory_space<hbm>> -> memref<1x40x128xi32, #tpu.memory_space<hbm>>
      %dma_start3A_25 = tpu.memref_squeeze %dma_start3A_24 : memref<1x40x128xi32, #tpu.memory_space<hbm>> -> memref<40x128xi32, #tpu.memory_space<hbm>>
      %dma_start3A_26 = arith.constant 0 : i32
      %dma_start3A_27 = tpu.memref_slice %arg2[%arg1, %mul3A_8, %dma_start3A_26] : memref<16x80x128xi32, #tpu.memory_space<hbm>> -> memref<1x40x128xi32, #tpu.memory_space<hbm>>
      %dma_start3A_28 = tpu.memref_squeeze %dma_start3A_27 : memref<1x40x128xi32, #tpu.memory_space<hbm>> -> memref<40x128xi32, #tpu.memory_space<hbm>>
      tpu.enqueue_dma source(%dma_start3A_28 : memref<40x128xi32, #tpu.memory_space<hbm>>) target(%arg4 : memref<40x128xi32, #tpu.memory_space<vmem>>) target_semaphore(%run_scoped3A : memref<!tpu.dma_semaphore, #tpu.memory_space<semaphore_mem>>)
      %dma_wait3A = arith.constant 0 : i32
      %dma_wait3A_29 = tpu.memref_slice %arg2[%arg1, %mul3A_8, %dma_wait3A] : memref<16x80x128xi32, #tpu.memory_space<hbm>> -> memref<1x40x128xi32, #tpu.memory_space<hbm>>
      %dma_wait3A_30 = tpu.memref_squeeze %dma_wait3A_29 : memref<1x40x128xi32, #tpu.memory_space<hbm>> -> memref<40x128xi32, #tpu.memory_space<hbm>>
      %dma_wait3A_31 = arith.constant 0 : i32
      %dma_wait3A_32 = tpu.memref_slice %arg2[%arg1, %mul3A_8, %dma_wait3A_31] : memref<16x80x128xi32, #tpu.memory_space<hbm>> -> memref<1x40x128xi32, #tpu.memory_space<hbm>>
      %dma_wait3A_33 = tpu.memref_squeeze %dma_wait3A_32 : memref<1x40x128xi32, #tpu.memory_space<hbm>> -> memref<40x128xi32, #tpu.memory_space<hbm>>
      tpu.wait_dma2 semaphore(%run_scoped3A : memref<!tpu.dma_semaphore, #tpu.memory_space<semaphore_mem>>) src(%dma_wait3A_33 : memref<40x128xi32, #tpu.memory_space<hbm>>) dst(%arg4 : memref<40x128xi32, #tpu.memory_space<vmem>>)
      tpu.yield
    }) : () -> ()
    %scan3A_9 = arith.constant 0 : i32
    %scan3A_10 = arith.constant 0 : i32
    %scan3A_11 = arith.constant 8 : i32
    %scan3A_12 = arith.addi %scan3A_10, %scan3A_11 : i32
    %scan3A_13 = arith.constant 1 : i32
    %scan3A_14 = scf.for %scan3A_24 = %scan3A_10 to %scan3A_12 step %scan3A_13 iter_args(%scan3A_25 = %scan3A_9) -> (i32)  : i32 {
      %broadcast_in_dim3A = arith.constant 1.000000e+00 : f32
      %broadcast_in_dim3A_26 = vector.broadcast %broadcast_in_dim3A : f32 to vector<16xf32>
      %mul3A_27 = arith.constant 16 : i32
      %mul3A_28 = arith.muli %scan3A_24, %mul3A_27 : i32
      %swap3A = arith.index_cast %mul3A_28 : i32 to index
      %swap3A_29 = tpu.vector_load %arg5[%swap3A] {strides = array<i32>} : memref<128xf32, #tpu.memory_space<vmem>>, vector<16xf32>,
      %swap3A_30 = vector.shape_cast %swap3A_29 : vector<16xf32> to vector<16xf32>
      %swap3A_31 = vector.shape_cast %broadcast_in_dim3A_26 : vector<16xf32> to vector<16xf32>
      tpu.vector_store %arg5[%swap3A], %swap3A_31 {strides = array<i32>} : memref<128xf32, #tpu.memory_space<vmem>>, vector<16xf32>,
      %scan3A_32 = arith.constant 0 : i32
      scf.yield %scan3A_32 : i32
    }
    %scan3A_15 = arith.constant 8 : i32
    %barrier3A = arith.constant 0 : index
    tpu.barrier barrier_id(%barrier3A)
    %scan3A_16 = arith.constant 0 : i32
    %scan3A_17 = arith.constant 0 : i32
    %scan3A_18 = arith.constant 40 : i32
    %scan3A_19 = arith.addi %scan3A_17, %scan3A_18 : i32
    %scan3A_20 = arith.constant 1 : i32
    %scan3A_21 = scf.for %scan3A_24 = %scan3A_17 to %scan3A_19 step %scan3A_20 iter_args(%scan3A_25 = %scan3A_16) -> (i32)  : i32 {
      "tpu.region"() ({
        %run_scoped3A = tpu.sem_alloc : memref<!tpu.dma_semaphore, #tpu.memory_space<semaphore_mem>>
        %dma_start3A = arith.constant 0 : i32
        %dma_start3A_27 = tpu.memref_slice %arg4[%scan3A_24, %dma_start3A] : memref<40x128xi32, #tpu.memory_space<vmem>> -> memref<1x128xi32, #tpu.memory_space<vmem>>
        %dma_start3A_28 = tpu.memref_squeeze %dma_start3A_27 : memref<1x128xi32, #tpu.memory_space<vmem>> -> memref<128xi32, #tpu.memory_space<vmem>>
        %dma_start3A_29 = arith.constant 0 : i32
        %dma_start3A_30 = tpu.memref_slice %arg7[%dma_start3A_29] : memref<10240xf32, #tpu.memory_space<vmem_shared>> -> memref<10240xf32, #tpu.memory_space<vmem_shared>>
        tpu.enqueue_indirect_dma source(%arg5 : memref<128xf32, #tpu.memory_space<vmem>>) target(%dma_start3A_30 : memref<10240xf32, #tpu.memory_space<vmem_shared>>) offsets(%dma_start3A_28 : memref<128xi32, #tpu.memory_space<vmem>>) semaphore(%run_scoped3A : memref<!tpu.dma_semaphore, #tpu.memory_space<semaphore_mem>>) {add = true}
        %dma_wait3A = arith.constant 0 : i32
        %dma_wait3A_31 = tpu.memref_slice %arg4[%scan3A_24, %dma_wait3A] : memref<40x128xi32, #tpu.memory_space<vmem>> -> memref<1x128xi32, #tpu.memory_space<vmem>>
        %dma_wait3A_32 = tpu.memref_squeeze %dma_wait3A_31 : memref<1x128xi32, #tpu.memory_space<vmem>> -> memref<128xi32, #tpu.memory_space<vmem>>
        %dma_wait3A_33 = arith.constant 0 : i32
        %dma_wait3A_34 = tpu.memref_slice %arg7[%dma_wait3A_33] : memref<10240xf32, #tpu.memory_space<vmem_shared>> -> memref<10240xf32, #tpu.memory_space<vmem_shared>>
        tpu.wait_indirect_dma semaphore(%run_scoped3A : memref<!tpu.dma_semaphore, #tpu.memory_space<semaphore_mem>>) src(%arg5 : memref<128xf32, #tpu.memory_space<vmem>>) dst(%dma_wait3A_34 : memref<10240xf32, #tpu.memory_space<vmem_shared>>)
        tpu.yield
      }) : () -> ()
      %scan3A_26 = arith.constant 0 : i32
      scf.yield %scan3A_26 : i32
    }
    %scan3A_22 = arith.constant 40 : i32
    %barrier3A_23 = arith.constant 0 : index
    tpu.barrier barrier_id(%barrier3A_23)
    "tpu.region"() ({
      %run_scoped3A = tpu.sem_alloc : memref<!tpu.dma_semaphore, #tpu.memory_space<semaphore_mem>>
      %dma_start3A = arith.constant 0 : i32
      %dma_start3A_24 = tpu.memref_slice %arg3[%arg0, %dma_start3A] : memref<2x10240xf32, #tpu.memory_space<hbm>> -> memref<1x10240xf32, #tpu.memory_space<hbm>>
      %dma_start3A_25 = tpu.memref_squeeze %dma_start3A_24 : memref<1x10240xf32, #tpu.memory_space<hbm>> -> memref<10240xf32, #tpu.memory_space<hbm>>
      %dma_start3A_26 = tpu.memref_slice %dma_start3A_25[%mul3A_0] : memref<10240xf32, #tpu.memory_space<hbm>> -> memref<640xf32, #tpu.memory_space<hbm>>
      %dma_start3A_27 = tpu.memref_slice %arg7[%mul3A_0] : memref<10240xf32, #tpu.memory_space<vmem_shared>> -> memref<640xf32, #tpu.memory_space<vmem_shared>>
      tpu.enqueue_dma source(%dma_start3A_27 : memref<640xf32, #tpu.memory_space<vmem_shared>>) target(%dma_start3A_26 : memref<640xf32, #tpu.memory_space<hbm>>) target_semaphore(%run_scoped3A : memref<!tpu.dma_semaphore, #tpu.memory_space<semaphore_mem>>)
      %dma_wait3A = arith.constant 0 : i32
      %dma_wait3A_28 = tpu.memref_slice %arg3[%arg0, %dma_wait3A] : memref<2x10240xf32, #tpu.memory_space<hbm>> -> memref<1x10240xf32, #tpu.memory_space<hbm>>
      %dma_wait3A_29 = tpu.memref_squeeze %dma_wait3A_28 : memref<1x10240xf32, #tpu.memory_space<hbm>> -> memref<10240xf32, #tpu.memory_space<hbm>>
      %dma_wait3A_30 = tpu.memref_slice %dma_wait3A_29[%mul3A_0] : memref<10240xf32, #tpu.memory_space<hbm>> -> memref<640xf32, #tpu.memory_space<hbm>>
      %dma_wait3A_31 = tpu.memref_slice %arg7[%mul3A_0] : memref<10240xf32, #tpu.memory_space<vmem_shared>> -> memref<640xf32, #tpu.memory_space<vmem_shared>>
      tpu.wait_dma2 semaphore(%run_scoped3A : memref<!tpu.dma_semaphore, #tpu.memory_space<semaphore_mem>>) src(%dma_wait3A_31 : memref<640xf32, #tpu.memory_space<vmem_shared>>) dst(%dma_wait3A_30 : memref<640xf32, #tpu.memory_space<hbm>>)
      tpu.yield
    }) : () -> ()
    return
  }
}

module attributes {stable_mosaic.version = 14 : i64} {
  func.func @_k2_body(%arg0: i32, %arg1: i32, %arg2: memref<1x1024x128xf32, #tpu.memory_space<vmem>>, %arg3: memref<128x128xf32, #tpu.memory_space<vmem>>, %arg4: memref<1x1x1024xf32, #tpu.memory_space<vmem>>, %arg5: memref<1x1x1024xf32, #tpu.memory_space<vmem>>, %arg6: memref<1x1024x128xf32, #tpu.memory_space<vmem>>, %arg7: memref<1x1x1024xf32, #tpu.memory_space<vmem>>) attributes {dimension_semantics = [#tpu.dimension_semantics<arbitrary>, #tpu.dimension_semantics<arbitrary>], iteration_bounds = array<i64: 4, 10>, scalar_prefetch = 0 : i64, scratch_operands = 0 : i64, tpu.core_type = #tpu.core_type<tc>, window_params = [{transform_indices = @transform_0, window_bounds = array<i64: 1, 1024, 128>}, {pipeline_mode = #tpu.pipeline_mode<synchronous>, transform_indices = @transform_1, window_bounds = array<i64: 128, 128>}, {transform_indices = @transform_2, window_bounds = array<i64: 1, 1, 1024>}, {transform_indices = @transform_3, window_bounds = array<i64: 1, 1, 1024>}, {transform_indices = @transform_4, window_bounds = array<i64: 1, 1024, 128>}, {transform_indices = @transform_5, window_bounds = array<i64: 1, 1, 1024>}]} {
    %get3A = arith.constant 0 : index
    %get3A_0 = arith.constant 0 : index
    %get3A_1 = arith.constant 0 : index
    %get3A_2 = vector.load %arg2[%get3A, %get3A_0, %get3A_1] : memref<1x1024x128xf32, #tpu.memory_space<vmem>>, vector<1x1024x128xf32>
    %get3A_3 = vector.shape_cast %get3A_2 : vector<1x1024x128xf32> to vector<1024x128xf32>
    %get3A_4 = arith.constant 0 : index
    %get3A_5 = arith.constant 0 : index
    %get3A_6 = arith.constant 0 : index
    %get3A_7 = vector.load %arg4[%get3A_4, %get3A_5, %get3A_6] : memref<1x1x1024xf32, #tpu.memory_space<vmem>>, vector<1x1x1024xf32>
    %get3A_8 = vector.shape_cast %get3A_7 : vector<1x1x1024xf32> to vector<1024xf32>
    %get3A_9 = arith.constant 0 : index
    %get3A_10 = arith.constant 0 : index
    %get3A_11 = arith.constant 0 : index
    %get3A_12 = vector.load %arg5[%get3A_9, %get3A_10, %get3A_11] : memref<1x1x1024xf32, #tpu.memory_space<vmem>>, vector<1x1x1024xf32>
    %get3A_13 = vector.shape_cast %get3A_12 : vector<1x1x1024xf32> to vector<1024xf32>
    %add3A = arith.addf %get3A_8, %get3A_13 : vector<1024xf32>
    %add3A_14 = arith.constant 1.000000e+00 : f32
    %add3A_15 = vector.broadcast %add3A_14 : f32 to vector<1024xf32>
    %add3A_16 = arith.addf %add3A, %add3A_15 : vector<1024xf32>
    %rsqrt3A = math.rsqrt %add3A_16 : vector<1024xf32>
    %swap3A = arith.constant 0 : index
    %swap3A_17 = arith.constant 0 : index
    %swap3A_18 = arith.constant 0 : index
    %swap3A_19 = vector.load %arg7[%swap3A, %swap3A_17, %swap3A_18] : memref<1x1x1024xf32, #tpu.memory_space<vmem>>, vector<1x1x1024xf32>
    %swap3A_20 = vector.shape_cast %swap3A_19 : vector<1x1x1024xf32> to vector<1024xf32>
    %swap3A_21 = vector.shape_cast %rsqrt3A : vector<1024xf32> to vector<1x1x1024xf32>
    tpu.vector_store %arg7[%swap3A, %swap3A_17, %swap3A_18], %swap3A_21 {strides = array<i32>} : memref<1x1x1024xf32, #tpu.memory_space<vmem>>, vector<1x1x1024xf32>,
    %get3A_22 = arith.constant 0 : index
    %get3A_23 = arith.constant 0 : index
    %get3A_24 = vector.load %arg3[%get3A_22, %get3A_23] : memref<128x128xf32, #tpu.memory_space<vmem>>, vector<128x128xf32>
    %dot_general3A = arith.constant dense<0.000000e+00> : vector<1024x128xf32>
    %dot_general3A_25 = tpu.matmul %get3A_3, %get3A_24, %dot_general3A {dimension_numbers = #tpu.dot_dimension_numbers<[1], [0], [0], [1], [0, 0, 1, 1], [], []>, transpose_lhs_hint = false} : vector<1024x128xf32>, vector<128x128xf32>, vector<1024x128xf32> -> vector<1024x128xf32>
    %broadcast_in_dim3A = vector.shape_cast %rsqrt3A : vector<1024xf32> to vector<1024x1xf32>
    %mul3A = vector.broadcast %broadcast_in_dim3A : vector<1024x1xf32> to vector<1024x128xf32>
    %mul3A_26 = arith.mulf %dot_general3A_25, %mul3A : vector<1024x128xf32>
    %swap3A_27 = arith.constant 0 : index
    %swap3A_28 = arith.constant 0 : index
    %swap3A_29 = arith.constant 0 : index
    %swap3A_30 = vector.load %arg6[%swap3A_27, %swap3A_28, %swap3A_29] : memref<1x1024x128xf32, #tpu.memory_space<vmem>>, vector<1x1024x128xf32>
    %swap3A_31 = vector.shape_cast %swap3A_30 : vector<1x1024x128xf32> to vector<1024x128xf32>
    %swap3A_32 = vector.shape_cast %mul3A_26 : vector<1024x128xf32> to vector<1x1024x128xf32>
    tpu.vector_store %arg6[%swap3A_27, %swap3A_28, %swap3A_29], %swap3A_32 {strides = array<i32>} : memref<1x1024x128xf32, #tpu.memory_space<vmem>>, vector<1x1024x128xf32>,
    return
  }
  func.func @transform_0(%arg0: i32, %arg1: i32) -> (i32, i32, i32) {
    %c0_i32 = arith.constant 0 : i32
    %c0_i32_0 = arith.constant 0 : i32
    return %arg0, %arg1, %c0_i32 : i32, i32, i32
  }
  func.func @transform_1(%arg0: i32, %arg1: i32) -> (i32, i32) {
    %c0_i32 = arith.constant 0 : i32
    %c0_i32_0 = arith.constant 0 : i32
    %c0_i32_1 = arith.constant 0 : i32
    return %c0_i32, %c0_i32_0 : i32, i32
  }
  func.func @transform_2(%arg0: i32, %arg1: i32) -> (i32, i32, i32) {
    %c0_i32 = arith.constant 0 : i32
    %c0_i32_0 = arith.constant 0 : i32
    %c0_i32_1 = arith.constant 0 : i32
    return %arg1, %c0_i32, %c0_i32_0 : i32, i32, i32
  }
  func.func @transform_3(%arg0: i32, %arg1: i32) -> (i32, i32, i32) {
    %c0_i32 = arith.constant 0 : i32
    %c0_i32_0 = arith.constant 0 : i32
    %c0_i32_1 = arith.constant 0 : i32
    return %arg1, %c0_i32, %c0_i32_0 : i32, i32, i32
  }
  func.func @transform_4(%arg0: i32, %arg1: i32) -> (i32, i32, i32) {
    %c0_i32 = arith.constant 0 : i32
    %c0_i32_0 = arith.constant 0 : i32
    return %arg0, %arg1, %c0_i32 : i32, i32, i32
  }
  func.func @transform_5(%arg0: i32, %arg1: i32) -> (i32, i32, i32) {
    %c0_i32 = arith.constant 0 : i32
    %c0_i32_0 = arith.constant 0 : i32
    %c0_i32_1 = arith.constant 0 : i32
    return %arg1, %c0_i32, %c0_i32_0 : i32, i32, i32
  }
}

module attributes {stable_mosaic.version = 14 : i64} {
  func.func @_k4_body(%arg0: i32, %arg1: memref<4x1024x128xf32, #tpu.memory_space<vmem>>, %arg2: memref<4x1024x128xf32, #tpu.memory_space<vmem>>, %arg3: memref<1x1x1024xf32, #tpu.memory_space<vmem>>, %arg4: memref<1x1x1024xf32, #tpu.memory_space<vmem>>, %arg5: memref<1x1x1024xf32, #tpu.memory_space<vmem>>, %arg6: memref<1x128xf32, #tpu.memory_space<vmem>>, %arg7: memref<128x128xf32, #tpu.memory_space<vmem>>, %arg8: memref<1x128xf32, #tpu.memory_space<vmem>>, %arg9: memref<4x128xf32, #tpu.memory_space<vmem>>, %arg10: memref<4x128xf32, #tpu.memory_space<vmem>>) attributes {dimension_semantics = [#tpu.dimension_semantics<arbitrary>], iteration_bounds = array<i64: 10>, scalar_prefetch = 0 : i64, scratch_operands = 1 : i64, tpu.core_type = #tpu.core_type<tc>, window_params = [{transform_indices = @transform_0, window_bounds = array<i64: 4, 1024, 128>}, {transform_indices = @transform_1, window_bounds = array<i64: 4, 1024, 128>}, {transform_indices = @transform_2, window_bounds = array<i64: 1, 1, 1024>}, {transform_indices = @transform_3, window_bounds = array<i64: 1, 1, 1024>}, {transform_indices = @transform_4, window_bounds = array<i64: 1, 1, 1024>}, {pipeline_mode = #tpu.pipeline_mode<synchronous>, transform_indices = @transform_5, window_bounds = array<i64: 1, 128>}, {pipeline_mode = #tpu.pipeline_mode<synchronous>, transform_indices = @transform_6, window_bounds = array<i64: 128, 128>}, {pipeline_mode = #tpu.pipeline_mode<synchronous>, transform_indices = @transform_7, window_bounds = array<i64: 1, 128>}, {pipeline_mode = #tpu.pipeline_mode<synchronous>, transform_indices = @transform_8, window_bounds = array<i64: 4, 128>}]} {
    %eq3A = arith.constant 0 : i32
    %eq3A_0 = arith.cmpi eq, %arg0, %eq3A : i32
    %convert_element_type3A = arith.extui %eq3A_0 : i1 to i32
    %cond3A = arith.constant 0 : i32
    %cond3A_1 = arith.cmpi ne, %convert_element_type3A, %cond3A : i32
    scf.if %cond3A_1 {
      %broadcast_in_dim3A_60 = arith.constant 0.000000e+00 : f32
      %broadcast_in_dim3A_61 = vector.broadcast %broadcast_in_dim3A_60 : f32 to vector<4x128xf32>
      %swap3A_62 = arith.constant 0 : index
      %swap3A_63 = arith.constant 0 : index
      %swap3A_64 = vector.load %arg10[%swap3A_62, %swap3A_63] : memref<4x128xf32, #tpu.memory_space<vmem>>, vector<4x128xf32>
      tpu.vector_store %arg10[%swap3A_62, %swap3A_63], %broadcast_in_dim3A_61 {strides = array<i32>} : memref<4x128xf32, #tpu.memory_space<vmem>>, vector<4x128xf32>,
    } else {
    }
    %get3A = arith.constant 0 : index
    %get3A_2 = arith.constant 0 : index
    %get3A_3 = arith.constant 0 : index
    %get3A_4 = vector.load %arg3[%get3A, %get3A_2, %get3A_3] : memref<1x1x1024xf32, #tpu.memory_space<vmem>>, vector<1x1x1024xf32>
    %get3A_5 = vector.shape_cast %get3A_4 : vector<1x1x1024xf32> to vector<1024xf32>
    %get3A_6 = arith.constant 0 : index
    %get3A_7 = arith.constant 0 : index
    %get3A_8 = arith.constant 0 : index
    %get3A_9 = vector.load %arg4[%get3A_6, %get3A_7, %get3A_8] : memref<1x1x1024xf32, #tpu.memory_space<vmem>>, vector<1x1x1024xf32>
    %get3A_10 = vector.shape_cast %get3A_9 : vector<1x1x1024xf32> to vector<1024xf32>
    %add3A = arith.addf %get3A_5, %get3A_10 : vector<1024xf32>
    %get3A_11 = arith.constant 0 : index
    %get3A_12 = arith.constant 0 : index
    %get3A_13 = arith.constant 0 : index
    %get3A_14 = vector.load %arg5[%get3A_11, %get3A_12, %get3A_13] : memref<1x1x1024xf32, #tpu.memory_space<vmem>>, vector<1x1x1024xf32>
    %get3A_15 = vector.shape_cast %get3A_14 : vector<1x1x1024xf32> to vector<1024xf32>
    %add3A_16 = arith.addf %add3A, %get3A_15 : vector<1024xf32>
    %mul3A = arith.mulf %get3A_5, %add3A_16 : vector<1024xf32>
    %mul3A_17 = arith.constant 1024 : i32
    %mul3A_18 = arith.muli %arg0, %mul3A_17 : i32
    %iota3A = tpu.iota {dimensions = array<i32: 1>} : vector<1x1024xi32>
    %iota3A_19 = vector.shape_cast %iota3A : vector<1x1024xi32> to vector<1024xi32>
    %add3A_20 = vector.broadcast %mul3A_18 : i32 to vector<1024xi32>
    %add3A_21 = arith.addi %add3A_20, %iota3A_19 : vector<1024xi32>
    %lt3A = arith.constant 10000 : i32
    %lt3A_22 = vector.broadcast %lt3A : i32 to vector<1024xi32>
    %lt3A_23 = arith.cmpi slt, %add3A_21, %lt3A_22 : vector<1024xi32>
    %jit3A = arith.constant 0.000000e+00 : f32
    %broadcast_in_dim3A = vector.broadcast %jit3A : f32 to vector<1024xf32>
    %select_n3A = arith.select %lt3A_23, %mul3A, %broadcast_in_dim3A : vector<1024xi1>, vector<1024xf32>
    %get3A_24 = arith.constant 0 : index
    %get3A_25 = arith.constant 0 : index
    %get3A_26 = arith.constant 0 : index
    %get3A_27 = vector.load %arg1[%get3A_24, %get3A_25, %get3A_26] : memref<4x1024x128xf32, #tpu.memory_space<vmem>>, vector<4x1024x128xf32>
    %get3A_28 = arith.constant 0 : index
    %get3A_29 = arith.constant 0 : index
    %get3A_30 = arith.constant 0 : index
    %get3A_31 = vector.load %arg2[%get3A_28, %get3A_29, %get3A_30] : memref<4x1024x128xf32, #tpu.memory_space<vmem>>, vector<4x1024x128xf32>
    %add3A_32 = arith.addf %get3A_27, %get3A_31 : vector<4x1024x128xf32>
    %broadcast_in_dim3A_33 = vector.shape_cast %get3A_5 : vector<1024xf32> to vector<1x1024x1xf32>
    %mul3A_34 = vector.broadcast %broadcast_in_dim3A_33 : vector<1x1024x1xf32> to vector<4x1024x128xf32>
    %mul3A_35 = arith.mulf %add3A_32, %mul3A_34 : vector<4x1024x128xf32>
    %get3A_36 = arith.constant 0 : index
    %get3A_37 = arith.constant 0 : index
    %get3A_38 = vector.load %arg6[%get3A_36, %get3A_37] : memref<1x128xf32, #tpu.memory_space<vmem>>, vector<1x128xf32>
    %get3A_39 = vector.shape_cast %get3A_38 : vector<1x128xf32> to vector<128xf32>
    %broadcast_in_dim3A_40 = vector.shape_cast %get3A_39 : vector<128xf32> to vector<1x1x128xf32>
    %add3A_41 = vector.broadcast %broadcast_in_dim3A_40 : vector<1x1x128xf32> to vector<4x1024x128xf32>
    %add3A_42 = arith.addf %mul3A_35, %add3A_41 : vector<4x1024x128xf32>
    %max3A = arith.constant 0.000000e+00 : f32
    %max3A_43 = vector.broadcast %max3A : f32 to vector<4x1024x128xf32>
    %max3A_44 = arith.maximumf %add3A_42, %max3A_43 : vector<4x1024x128xf32>
    %get3A_45 = arith.constant 0 : index
    %get3A_46 = arith.constant 0 : index
    %get3A_47 = vector.load %arg10[%get3A_45, %get3A_46] : memref<4x128xf32, #tpu.memory_space<vmem>>, vector<4x128xf32>
    %broadcast_in_dim3A_48 = vector.shape_cast %select_n3A : vector<1024xf32> to vector<1x1024x1xf32>
    %mul3A_49 = vector.broadcast %broadcast_in_dim3A_48 : vector<1x1024x1xf32> to vector<4x1024x128xf32>
    %mul3A_50 = arith.mulf %max3A_44, %mul3A_49 : vector<4x1024x128xf32>
    %reduce_sum3A = arith.constant dense<0.000000e+00> : vector<4x128xf32>
    %reduce_sum3A_51 = vector.multi_reduction <add>, %mul3A_50, %reduce_sum3A [1] : vector<4x1024x128xf32> to vector<4x128xf32>
    %add3A_52 = arith.addf %get3A_47, %reduce_sum3A_51 : vector<4x128xf32>
    %swap3A = arith.constant 0 : index
    %swap3A_53 = arith.constant 0 : index
    %swap3A_54 = vector.load %arg10[%swap3A, %swap3A_53] : memref<4x128xf32, #tpu.memory_space<vmem>>, vector<4x128xf32>
    tpu.vector_store %arg10[%swap3A, %swap3A_53], %add3A_52 {strides = array<i32>} : memref<4x128xf32, #tpu.memory_space<vmem>>, vector<4x128xf32>,
    %eq3A_55 = arith.constant 9 : i32
    %eq3A_56 = arith.cmpi eq, %arg0, %eq3A_55 : i32
    %convert_element_type3A_57 = arith.extui %eq3A_56 : i1 to i32
    %cond3A_58 = arith.constant 0 : i32
    %cond3A_59 = arith.cmpi ne, %convert_element_type3A_57, %cond3A_58 : i32
    scf.if %cond3A_59 {
      %get3A_60 = arith.constant 0 : index
      %get3A_61 = arith.constant 0 : index
      %get3A_62 = vector.load %arg10[%get3A_60, %get3A_61] : memref<4x128xf32, #tpu.memory_space<vmem>>, vector<4x128xf32>
      %mul3A_63 = arith.constant 9.99999974E-5 : f32
      %mul3A_64 = vector.broadcast %mul3A_63 : f32 to vector<4x128xf32>
      %mul3A_65 = arith.mulf %get3A_62, %mul3A_64 : vector<4x128xf32>
      %get3A_66 = arith.constant 0 : index
      %get3A_67 = arith.constant 0 : index
      %get3A_68 = vector.load %arg7[%get3A_66, %get3A_67] : memref<128x128xf32, #tpu.memory_space<vmem>>, vector<128x128xf32>
      %dot_general3A = arith.constant dense<0.000000e+00> : vector<4x128xf32>
      %dot_general3A_69 = tpu.matmul %mul3A_65, %get3A_68, %dot_general3A {dimension_numbers = #tpu.dot_dimension_numbers<[1], [0], [0], [1], [0, 0, 1, 1], [], []>, transpose_lhs_hint = false} : vector<4x128xf32>, vector<128x128xf32>, vector<4x128xf32> -> vector<4x128xf32>
      %get3A_70 = arith.constant 0 : index
      %get3A_71 = arith.constant 0 : index
      %get3A_72 = vector.load %arg8[%get3A_70, %get3A_71] : memref<1x128xf32, #tpu.memory_space<vmem>>, vector<1x128xf32>
      %add3A_73 = vector.broadcast %get3A_72 : vector<1x128xf32> to vector<4x128xf32>
      %add3A_74 = arith.addf %dot_general3A_69, %add3A_73 : vector<4x128xf32>
      %swap3A_75 = arith.constant 0 : index
      %swap3A_76 = arith.constant 0 : index
      %swap3A_77 = vector.load %arg9[%swap3A_75, %swap3A_76] : memref<4x128xf32, #tpu.memory_space<vmem>>, vector<4x128xf32>
      tpu.vector_store %arg9[%swap3A_75, %swap3A_76], %add3A_74 {strides = array<i32>} : memref<4x128xf32, #tpu.memory_space<vmem>>, vector<4x128xf32>,
    } else {
    }
    return
  }
  func.func @transform_0(%arg0: i32) -> (i32, i32, i32) {
    %c0_i32 = arith.constant 0 : i32
    %c0_i32_0 = arith.constant 0 : i32
    %c0_i32_1 = arith.constant 0 : i32
    return %c0_i32, %arg0, %c0_i32_0 : i32, i32, i32
  }
  func.func @transform_1(%arg0: i32) -> (i32, i32, i32) {
    %c0_i32 = arith.constant 0 : i32
    %c0_i32_0 = arith.constant 0 : i32
    %c0_i32_1 = arith.constant 0 : i32
    return %c0_i32, %arg0, %c0_i32_0 : i32, i32, i32
  }
  func.func @transform_2(%arg0: i32) -> (i32, i32, i32) {
    %c0_i32 = arith.constant 0 : i32
    %c0_i32_0 = arith.constant 0 : i32
    %c0_i32_1 = arith.constant 0 : i32
    return %arg0, %c0_i32, %c0_i32_0 : i32, i32, i32
  }
  func.func @transform_3(%arg0: i32) -> (i32, i32, i32) {
    %c0_i32 = arith.constant 0 : i32
    %c0_i32_0 = arith.constant 0 : i32
    %c0_i32_1 = arith.constant 0 : i32
    return %arg0, %c0_i32, %c0_i32_0 : i32, i32, i32
  }
  func.func @transform_4(%arg0: i32) -> (i32, i32, i32) {
    %c0_i32 = arith.constant 0 : i32
    %c0_i32_0 = arith.constant 0 : i32
    %c0_i32_1 = arith.constant 0 : i32
    return %arg0, %c0_i32, %c0_i32_0 : i32, i32, i32
  }
  func.func @transform_5(%arg0: i32) -> (i32, i32) {
    %c0_i32 = arith.constant 0 : i32
    %c0_i32_0 = arith.constant 0 : i32
    %c0_i32_1 = arith.constant 0 : i32
    return %c0_i32, %c0_i32_0 : i32, i32
  }
  func.func @transform_6(%arg0: i32) -> (i32, i32) {
    %c0_i32 = arith.constant 0 : i32
    %c0_i32_0 = arith.constant 0 : i32
    %c0_i32_1 = arith.constant 0 : i32
    return %c0_i32, %c0_i32_0 : i32, i32
  }
  func.func @transform_7(%arg0: i32) -> (i32, i32) {
    %c0_i32 = arith.constant 0 : i32
    %c0_i32_0 = arith.constant 0 : i32
    %c0_i32_1 = arith.constant 0 : i32
    return %c0_i32, %c0_i32_0 : i32, i32
  }
  func.func @transform_8(%arg0: i32) -> (i32, i32) {
    %c0_i32 = arith.constant 0 : i32
    %c0_i32_0 = arith.constant 0 : i32
    %c0_i32_1 = arith.constant 0 : i32
    return %c0_i32, %c0_i32_0 : i32, i32
  }
}

</mosaic_0001>

<sc_bundles>
// kernel: kernel.6.cloned.1.call-start
scs
__scs_entry_jumppad:
0x0: {  	(pc) =	sbr.rel $0x88, $3  }
0x1: {  	(tag) =	ssettag $0x0;
	lr =	simm.s32 $0x1  }
0x2: {  	[smem:$0x3F9B] =	sst lr;
	_ =	strace $0xD0000000  }
0x3: {  	_ = 	snop  }
0x4: {  	_ = 	snop  }
0x5: {  	_ = 	snop  }
0x6: {  	_ = 	snop  }
0x7: {  	_ = 	snop  }
__scs_overlays_trampoline_lowered:
0x8: {  	[smem:$0x3FAA] =	sst s0  }
0x9: {  	[smem:$0x3FAB] =	sst s1  }
0xa: {  	[smem:$0x3FAC] =	sst s2  }
0xb: {  	[smem:$0x3FAD] =	sst s3  }
0xc: {  	[smem:$0x3FAE] =	sst s4  }
0xd: {  	[smem:$0x3FAF] =	sst s5  }
0xe: {  	[smem:$0x3FB0] =	sst s6  }
0xf: {  	[smem:$0x3FB1] =	sst s7  }
0x10: {  	[smem:$0x3FB2] =	sst s8  }
0x11: {  	[smem:$0x3FB3] =	sst s9;
	s0 =	simm.s32 @!p0 $0x0  }
0x12: {  	s1 =	sld [smem:$0x3F99];
	s0 =	simm.s32 @p0 $0x1  }
0x13: {  	[smem:$0x3FB4] =	sst s0;
	s0 =	simm.s32 @!p1 $0x0  }
0x14: {  	s2 =	sld [smem:$0x3F98];
	s0 =	simm.s32 @p1 $0x1  }
0x15: {  	[smem:$0x3FB5] =	sst s0;
	s0 =	simm.s32 @!p2 $0x0  }
0x16: {  	s3 =	sld [smem:$0x3FDB];
	s0 =	simm.s32 @p2 $0x1  }
0x17: {  	s4 =	simm.s32 $0x1BF5;
	[smem:$0x3FB7] =	sst s0  }
0x18: {  	s0 =	sld [smem:$0x3F9A];
	_ =	swait.ge [sflag:s4], $0x0  }
0x19: {  	s7 =	sld [smem:$0x3F9B]  }
0x1a: {  	s8 =	sadd.s32 $0xFFFFE003, lr  }
0x1b: {  	s9 =	sadd.s32 $0xFFFFFEF7, lr;
	s5 =	simm.s32 $0xFFFFFFFF;
	p2 =	slt.u32 s8, $0xFFFFF086  }
0x1c: {  	p1 =	slt.u32 s9, $0xF7A;
	s5 =	simm.s32 @!p2 $0x0  }
0x1d: {  	s5 =	simm.s32 @p1 $0x1;
	p0 =	seq.s32 s7, s2  }
0x1e: {  	s7 =	smul.u32 @!p0 $0xF7A, s2;
	p2 =	seq.s32 @!p0 s5, $0x0  }
0x1f: {  	s9 =	smul.u32 $0xF7A, s1;
	s8 =	simm.s32 @!p0 $0x1BF5;
	p2 =	por !p2, p0  }
0x20: {  	[sflag:s8] =	ssyncset.s32 @!p0 $0xFFFFF086;
	s6 =	sadd.s32 @!p0 s3, s7;
	s7 =	simm.s32 @!p0 $0x108  }
0x21: {  	s3 =	sadd.s32 s3, s9;
	s6 =	sadd.s32 @!p0 $0x88, s6;
	s7 =	simm.s32 @p2 $0x1082  }
0x22: {  	[simem:s7], [sflag:s8] =	dma.local @!p0 [hbm:s6], $0xF7A  }
0x23: {  	s9 =	sor.u32 $0xD0000000, s2;
	s6 =	simm.s32 $0x108;
	_ =	swait.ge @!p0 [sflag:s8], $0x0  }
0x24: {  	s3 =	sadd.s32 $0x88, s3;
	s6 =	simm.s32 @!p1 $0x1082;
	[sflag:s4] =	ssyncset.s32 $0xFFFFF086  }
0x25: {  	[simem:s6], [sflag:s4] =	dma.local [hbm:s3], $0xF7A  }
0x26: {  	[smem:$0x3F9B] =	sst s1;
	(tag) =	ssettag s2;
	_ =	strace s9  }
0x27: {  	s1 =	sld [smem:$0x3FAB]  }
0x28: {  	s2 =	sld [smem:$0x3FAC]  }
0x29: {  	s4 =	sld [smem:$0x3FAE]  }
0x2a: {  	p0 =	seq.s32 s5, $0x0;
	s5 =	sld [smem:$0x3FAF]  }
0x2b: {  	s6 =	sld [smem:$0x3FB0]  }
0x2c: {  	s7 =	sld [smem:$0x3FB1]  }
0x2d: {  	s3 =	simm.s32 $0x108;
	s8 =	sld [smem:$0x3FB2]  }
0x2e: {  	s3 =	simm.s32 @!p0 $0x1082;
	s9 =	sld [smem:$0x3FB3]  }
0x2f: {  	lr =	sadd.s32 s0, s3;
	s0 =	sld [smem:$0x3FAA]  }
0x30: {  	s3 =	sld [smem:$0x3FAD]  }
0x31: {  	[smem:$0x3FB6] =	sst s10  }
0x32: {  	s10 =	sld [smem:$0x3FB4];
	_ =	sdelay $0x3  }
0x33: {  	p0 =	seq.s32 s10, $0x1;
	s10 =	sld [smem:$0x3FB6];
	_ =	sdelay $0x3  }
0x34: {  	[smem:$0x3FB6] =	sst s10  }
0x35: {  	s10 =	sld [smem:$0x3FB5];
	_ =	sdelay $0x3  }
0x36: {  	p1 =	seq.s32 s10, $0x1;
	s10 =	sld [smem:$0x3FB6];
	_ =	sdelay $0x3  }
0x37: {  	[smem:$0x3FB6] =	sst s10  }
0x38: {  	s10 =	sld [smem:$0x3FB7]  }
0x39: {  	_ = 	snop;
	(pc) =	sbr.ind lr, $3  }
0x3a: {  	_ = 	snop  }
0x3b: {  	_ = 	snop  }
0x3c: {  	p2 =	seq.s32 s10, $0x1;
	s10 =	sld [smem:$0x3FB6]  }
0x3d: {  	_ =	shalt  }
0x3e: {  	_ =	shalt  }
0x3f: {  	_ =	shalt  }
0x40: {  	_ =	shalt  }
0x41: {  	_ =	shalt  }
0x42: {  	_ =	shalt  }
0x43: {  	_ =	shalt  }
0x44: {  	_ =	shalt  }
0x45: {  	_ =	shalt  }
0x46: {  	_ =	shalt  }
0x47: {  	_ =	shalt  }
0x48: {  	_ =	shalt  }
0x49: {  	_ =	shalt  }
0x4a: {  	_ =	shalt  }
0x4b: {  	_ =	shalt  }
0x4c: {  	_ =	shalt  }
0x4d: {  	_ =	shalt  }
0x4e: {  	_ =	shalt  }
0x4f: {  	_ =	shalt  }
0x50: {  	_ =	shalt  }
0x51: {  	_ =	shalt  }
0x52: {  	_ =	shalt  }
0x53: {  	_ =	shalt  }
0x54: {  	_ =	shalt  }
0x55: {  	_ =	shalt  }
0x56: {  	_ =	shalt  }
0x57: {  	_ =	shalt  }
0x58: {  	_ =	shalt  }
0x59: {  	_ =	shalt  }
0x5a: {  	_ =	shalt  }
0x5b: {  	_ =	shalt  }
0x5c: {  	_ =	shalt  }
0x5d: {  	_ =	shalt  }
0x5e: {  	_ =	shalt  }
0x5f: {  	_ =	shalt  }
0x60: {  	_ =	shalt  }
0x61: {  	_ =	shalt  }
0x62: {  	_ =	shalt  }
0x63: {  	_ =	shalt  }
0x64: {  	_ =	shalt  }
0x65: {  	_ =	shalt  }
0x66: {  	_ =	shalt  }
0x67: {  	_ =	shalt  }
0x68: {  	_ =	shalt  }
0x69: {  	_ =	shalt  }
0x6a: {  	_ =	shalt  }
0x6b: {  	_ =	shalt  }
0x6c: {  	_ =	shalt  }
0x6d: {  	_ =	shalt  }
0x6e: {  	_ =	shalt  }
0x6f: {  	_ =	shalt  }
0x70: {  	_ =	shalt  }
0x71: {  	_ =	shalt  }
0x72: {  	_ =	shalt  }
0x73: {  	_ =	shalt  }
0x74: {  	_ =	shalt  }
0x75: {  	_ =	shalt  }
0x76: {  	_ =	shalt  }
0x77: {  	_ =	shalt  }
0x78: {  	_ =	shalt  }
0x79: {  	_ =	shalt  }
0x7a: {  	_ =	shalt  }
0x7b: {  	_ =	shalt  }
0x7c: {  	_ =	shalt  }
0x7d: {  	_ =	shalt  }
0x7e: {  	_ =	shalt  }
0x7f: {  	_ =	shalt  }
0x80: {  	_ =	shalt  }
0x81: {  	_ =	shalt  }
0x82: {  	_ =	shalt  }
0x83: {  	_ =	shalt  }
0x84: {  	_ =	shalt  }
0x85: {  	_ =	shalt  }
0x86: {  	_ =	shalt  }
0x87: {  	_ =	shalt  }
.Lfunc_end0:
.L_simem_size_0:
called_computation_lowered:
.L_overlay_start_0:
0x88: {  	s2 =	sld [smem:$0x3FD9]  }
0x89: {  	s3 =	sld [smem:$0x3FFE];
	_ =	sdelay $0x1  }
0x8a: {  	s1 =	srdreg.scid  }
0x8b: {  	s0 =	sand.u32 $0x1, s1  }
0x8c: {  	s16 =	sshll.u32 s0, $0xA;
	s2 =	sadd.s32 s3, s2  }
0x8d: {  	s2 =	sadd.s32 s2, s16  }
0x8e: {  	[smem:$0x3FC2] =	sst s2  }
0x8f: {  	_ = 	snop  }
0x90: {  	(tm) =	ssettm $0x1  }
0x91: {  	s17 =	sld [smem:$0x3FFB];
	_ =	sdelay $0x3  }
0x92: {  	_ =	strace s17  }
0x93: {  	s2 =	sld [smem:$0x3FFC];
	_ =	sdelay $0x3  }
0x94: {  	_ =	strace s2  }
0x95: {  	s2 =	sld [smem:$0x3FFD];
	_ =	sdelay $0x3  }
0x96: {  	_ =	strace s2  }
0x97: {  	_ =	strace $0x8FFFFFFF  }
0x98: {  	s18 =	sld [smem:$0x3FDB];
	_ =	sdelay $0x1  }
0x99: {  	s19 =	simm.s32 $_scs_section_size  }
0x9a: {  	s4 =	simm.s32 $_size__tile_overlayer_lowered;
	s5 =	simm.s32 $_tile_overlayer_lowered  }
0x9b: {  	s22 =	simm.s32 $0x1BFF;
	s21 =	sshll.u32 s5, $0x1;
	s2 =	sadd.s32 s19, s18  }
0x9c: {  	s6 =	simm.s32 $0x0;
	s20 =	sshll.u32 s4, $0x1;
	s4 =	sadd.s32 s21, s2  }
0x9d: {  	[timem:s6], [sflag:s22] =	dma.local [hbm:s4], s20  }
0x9e: {  	_ =	swait.ge [sflag:s22], s20  }
0x9f: {  	s3 =	ssub.s32 $0x0, s20;
	[sflag:s22] =	ssyncset.done $0x0  }
0xa0: {  	[sflag:s22] =	ssyncadd.s32 s3;
	_ =	sdelay $0x1  }
0xa1: {  	s23 =	simm.s32 $0x1B8B  }
0xa2: {  	_ =	swait.ge [sflag:s23], $0x1  }
0xa3: {  	[sflag:s23] =	ssyncset.done $0x0  }
0xa4: {  	s25 =	simm.s32 $0x1B8E;
	s24 =	sld [smem:$0x3FFE];
	[sflag:s23] =	ssyncadd.s32 $0xFFFFFFFF  }
0xa5: {  	s26 =	simm.s32 $execute0_lowered;
	[smem:$0x3FD2] =	sst s25  }
0xa6: {  	s4 =	sshll.u32 s26, $0x1;
	_ =	strace $0x80000046;
	[dreg:$0x1] =	wrdreg $0xFFFFFFFF  }
0xa7: {  	s28 =	simm.s32 $_size_execute0_lowered;
	s2 =	sadd.s32 s2, s4;
	[dreg:$0x0] =	wrdreg $0x0  }
0xa8: {  	s4 =	sshll.u32 s28, $0x1;
	[dreg:$0x2] =	wrdreg s2  }
0xa9: {  	[dreg:$0x3] =	wrdreg s4  }
0xaa: {  	[dreg:$0x4] =	wrdreg $0xC0  }
0xab: {  	_ =	task [dreg:s6], $0x5FFFF  }
0xac: {  	[dreg:$0x1] =	wrdreg $0xFFFFFFFF  }
0xad: {  	[dreg:$0x0] =	wrdreg $0x60  }
0xae: {  	[dreg:$0x2] =	wrdreg s24  }
0xaf: {  	[dreg:$0x3] =	wrdreg $0x17000  }
0xb0: {  	[dreg:$0x4] =	wrdreg $0x9  }
0xb1: {  	_ =	task.clear_ibuf [dreg:s6], $0x5FFFF;
	_ =	strace $0x90000046  }
0xb2: {  	s29 =	simm.s32 $0x9;
	_ =	strace $0x80000048  }
0xb3: {  	_ =	swait.ge [sflag:s29], $0x1  }
0xb4: {  	[sflag:s29] =	ssyncadd.s32 $0xFFFFFFFF  }
0xb5: {  	_ =	strace $0x90000048  }
0xb6: {  	_ =	sfence  }
0xb7: {  	s30 =	sld [smem:$0x0];
	_ =	sdelay $0x2  }
0xb8: {  	s31 =	sshll.u32 s1, $0xD;
	s1 =	sshrl.u32 s1, $0x2  }
0xb9: {  	s3 =	sand.u32 $0x4000, s31;
	s1 =	sadd.s32 s1, s30  }
0xba: {  	s0 =	sor.u32 s3, s0;
	s1 =	sshll.u32 s1, $0x11  }
0xbb: {  	s0 =	sor.u32 s1, s0  }
0xbc: {  	s0 =	sadd.s32 $0x8F2B, s0  }
0xbd: {  	[sflag:s0] =	ssyncadd.remote.s32 $0x1  }
0xbe: {  	_ =	sfence.sel $0xFFFF  }
0xbf: {  	[dreg:$0x0] =	wrdreg $0xFFFFFFFF;
	(pc) =	sbr.abs _section_cstart, $3  }
0xc0: {  	[dreg:$0x1] =	wrdreg $0xFFFFFFFF  }
0xc1: {  	_ =	task.clear_ibuf [dreg:s6], $0x2FFFF;
	_ =	strace $0x9FFFFFFF  }
0xc2: {  	(tm) =	ssettm $0x7FFFFFFF  }
0xc3: {  	_ =	shalt  }
tec
execute0_lowered:
.L_overlay_start_1:
0x0: {  	(tag) =	ssettag $0x1  }
0x1: {  	s1 =	srdreg.scid;
	s6 =	rddreg [dreg:$0x0]  }
0x2: {  	s0 =	stileid.u32;
	s2 =	rddreg [dreg:$0x1]  }
0x3: {  	s3 =	simm.s32 $0x0;
	s10 =	simm.s32 $0x1400;
	s5 =	smul.u32 $0x2800, s0  }
0x4: {  	s14 =	simm.s32 $0x20;
	s15 =	simm.s32 $0x10;
	s31 =	smul.u32 $0xA00, s0  }
0x5: {  	s4 =	sand.u32 $0x1, s1;
	s1 =	rddreg [dreg:$0x2];
	s12 =	smul.u32 $0xA0, s0  }
0x6: {  	s16 =	simm.s32 $0x0;
	[smem:$0x7FF] =	sst s3;
	s7 =	smul.u32 $0x1400, s4  }
0x7: {  	s13 =	sshll.u32 s0, $0x6;
	_ =	strace $0x80000047;
	s8 =	ssub.s32 $0x2, s4  }
0x8: {  	s4 =	sshll.u32 s4, $0x4;
	s9 =	sshrl.u32 s8, $0x1;
	s5 =	sadd.s32 s7, s5  }
0x9: {  	s7 =	sshrl.u32 s31, $0x2;
	s8 =	ssub.s32 s8, s9;
	s5 =	sshrl.u32 s5, $0x3  }
0xa: {  	s9 =	simm.s32 $0x80;
	s5 =	sadd.s32 s5, s6;
	s6 =	sadd.s32 s4, s6  }
0xb: {  	s4 =	sadd.s32 s7, s2;
	s7 =	simm.s32 $0x1480;
	s5 =	sadd.s32 $0x1C00, s5  }
0xc: {  	s11 =	sadd.s32 $0x6C00, s6;
	s6 =	smax.u32 s8, $0x1;
	s8 =	simm.s32 $0x1  }
0xd: {  	v0 =	vimm.f32 $0.0e+00;
	v1 =	vimm.f32 $1.000000000e+00;
	s11 =	sadd.s32 s12, s11;
	s12 =	sor.u32 $0x1C01, s13;
	s13 =	sshrl.u32 s4, $0x3  }
.LBB2_1:
0xe: {  	[tilespmem:$0x1480] =	vst v0  }
0xf: {  	[tilespmem:$0x1490] =	vst v0  }
0x10: {  	[tilespmem:$0x14A0] =	vst v0  }
0x11: {  	[tilespmem:$0x14B0] =	vst v0  }
0x12: {  	[tilespmem:$0x14C0] =	vst v0  }
0x13: {  	[tilespmem:$0x14D0] =	vst v0  }
0x14: {  	[tilespmem:$0x14E0] =	vst v0  }
0x15: {  	[tilespmem:$0x14F0] =	vst v0  }
0x16: {  	[tilespmem:$0x1500] =	vst v0  }
0x17: {  	[tilespmem:$0x1510] =	vst v0  }
0x18: {  	[tilespmem:$0x1520] =	vst v0  }
0x19: {  	[tilespmem:$0x1530] =	vst v0  }
0x1a: {  	[tilespmem:$0x1540] =	vst v0  }
0x1b: {  	[tilespmem:$0x1550] =	vst v0  }
0x1c: {  	[tilespmem:$0x1560] =	vst v0  }
0x1d: {  	[tilespmem:$0x1570] =	vst v0  }
0x1e: {  	[tilespmem:$0x1580] =	vst v0  }
0x1f: {  	[tilespmem:$0x1590] =	vst v0  }
0x20: {  	[tilespmem:$0x15A0] =	vst v0  }
0x21: {  	[tilespmem:$0x15B0] =	vst v0  }
0x22: {  	[tilespmem:$0x15C0] =	vst v0  }
0x23: {  	[tilespmem:$0x15D0] =	vst v0  }
0x24: {  	[tilespmem:$0x15E0] =	vst v0  }
0x25: {  	[tilespmem:$0x15F0] =	vst v0  }
0x26: {  	[tilespmem:$0x1600] =	vst v0  }
0x27: {  	[tilespmem:$0x1610] =	vst v0  }
0x28: {  	[tilespmem:$0x1620] =	vst v0  }
0x29: {  	[tilespmem:$0x1630] =	vst v0  }
0x2a: {  	[tilespmem:$0x1640] =	vst v0  }
0x2b: {  	[tilespmem:$0x1650] =	vst v0  }
0x2c: {  	[tilespmem:$0x1660] =	vst v0  }
0x2d: {  	[tilespmem:$0x1670] =	vst v0  }
0x2e: {  	[tilespmem:$0x1680] =	vst v0  }
0x2f: {  	[tilespmem:$0x1690] =	vst v0  }
0x30: {  	[tilespmem:$0x16A0] =	vst v0  }
0x31: {  	[tilespmem:$0x16B0] =	vst v0  }
0x32: {  	[tilespmem:$0x16C0] =	vst v0  }
0x33: {  	[tilespmem:$0x16D0] =	vst v0  }
0x34: {  	[tilespmem:$0x16E0] =	vst v0  }
0x35: {  	[tilespmem:$0x16F0] =	vst v0  }
0x36: {  	[spmem:s4] =	stream.linear.scatter [tilespmem:s7], [sflag:$0x1], $0x280, $0x38;
	[tilespmem:$0x1980] =	vst v63  }
0x37: {  	_ =	swait.ge [sflag:s8], $0x280  }
0x38: {  	[sflag:s8] =	ssyncset.done $0x0  }
0x39: {  	[sflag:s8] =	ssyncadd.s32 $0xFFFFFD80  }
0x3a: {  	[tilespmem:s3], [sflag:$0x1] =	stream.linear.gather [hbm4b:s5+s3], $0x1400, $0x38;
	[tilespmem:$0x1980] =	vst v63  }
0x3b: {  	_ =	swait.ge [sflag:s8], $0x1400  }
0x3c: {  	[sflag:s8] =	ssyncset.done $0x0  }
0x3d: {  	[sflag:s8] =	ssyncadd.s32 $0xFFFFEC00  }
0x3e: {  	[tilespmem:$0x1400] =	vst v1  }
0x3f: {  	[tilespmem:$0x1410] =	vst v1  }
0x40: {  	[tilespmem:$0x1420] =	vst v1  }
0x41: {  	[tilespmem:$0x1430] =	vst v1  }
0x42: {  	[tilespmem:$0x1440] =	vst v1  }
0x43: {  	[tilespmem:$0x1450] =	vst v1  }
0x44: {  	[tilespmem:$0x1460] =	vst v1  }
0x45: {  	[tilespmem:$0x1470] =	vst v1  }
0x46: {  	s17 =	simm.s32 $0x0;
	[bflag:$0x0] =	sbarrier.arrive $0xFFFF  }
0x47: {  	[spmem:s2] =	stream.indirect.scatter.add.f32 [tilespmem:s10], [sflag:$0x1], $0x1, s17, s9, $0xb8;
	[tilespmem:$0x1980] =	vst v63  }
0x48: {  	_ =	swait.ge [sflag:s8], $0x80  }
0x49: {  	s17 =	simm.s32 $0x200;
	[sflag:s8] =	ssyncset.done $0x0  }
.LBB2_2:
0x4a: {  	s18 =	sshra.s32 s17, $0x2;
	[sflag:s8] =	ssyncadd.s32 $0xFFFFFF80;
	p0 =	sne.s32 s17, $0x4E00  }
0x4b: {  	[spmem:s2] =	stream.indirect.scatter.add.f32 [tilespmem:s10], [sflag:$0x1], $0x1, s18, s9, $0xb8;
	[tilespmem:$0x1980] =	vst v63  }
.Ltmp0:
0x4c: {  	_ = 	snop;
	(pc) =	sbr.rel @p0 .LBB2_2-.Ltmp0, $4  }
0x4d: {  	_ = 	snop  }
0x4e: {  	s17 =	sadd.s32 $0x200, s17  }
0x4f: {  	_ =	swait.ge [sflag:s8], $0x80  }
0x50: {  	[sflag:s8] =	ssyncset.done $0x0  }
0x51: {  	s16 =	sadd.s32 $0x1, s16  }
0x52: {  	[sflag:s8] =	ssyncadd.s32 $0xFFFFFF80;
	p0 =	sne.s32 s16, s6  }
.Ltmp1:
0x53: {  	[bflag:$0x0] =	sbarrier.arrive $0xFFFF;
	(pc) =	sbr.rel @p0 .LBB2_1-.Ltmp1, $4  }
0x54: {  	[hbm:s11@s14], [sflag:s12] =	dma.strided [spmem:s13@s15], $0x50, s8, $0x10   }
0x55: {  	_ =	swait.ge [sflag:s8], $0x50  }
0x56: {  	[sflag:s8] =	ssyncset.done $0x0  }
0x57: {  	[sflag:s8] =	ssyncadd.s32 $0xFFFFFFB0  }
0x58: {  	_ =	sfence.sel $0x180000  }
0x59: {  	[bflag:$0x0] =	sbarrier.arrive $0xFFFF  }
0x5a: {  	p0 =	sne.s32 s0, $0x0;
	_ =	strace $0x90000047  }
0x5b: {  	s0 =	sadd.s32 @!p0 $0x100000, s1;
	[bflag:$0x2] =	sbarrier.arrive $0xFFFF  }
0x5c: {  	[sflag:s0] =	ssyncadd.tile.s32 @!p0 $0x1;
	_ =	shalt  }
.Lfunc_end2:
_tile_overlayer_lowered:
.L_overlay_start_2:
0x5d: {  	(tag) =	ssettag $0x2  }
0x5e: {  	s0 =	rddreg [dreg:$0x0];
	s2 =	stileid.u32  }
0x5f: {  	s1 =	rddreg [dreg:$0x1];
	p0 =	sne.s32 s2, $0x0  }
0x60: {  	s3 =	rddreg [dreg:$0x2];
	[bflag:$0x3] =	sbarrier.arrive $0xFFFF;
	s2 =	simm.s32 @!p0 $0x1C01  }
0x61: {  	[timem:s3], [sflag:s2] =	dma.local @!p0 [hbm:s0], s1  }
0x62: {  	s0 =	simm.s32 @!p0 $0x1  }
0x63: {  	_ =	swait.ge @!p0 [sflag:s0], s1  }
0x64: {  	s1 =	ssub.s32 @!p0 $0x0, s1;
	[sflag:s0] =	ssyncset.done @!p0 $0x0  }
0x65: {  	[sflag:s0] =	ssyncadd.s32 @!p0 s1  }
0x66: {  	[bflag:$0x3] =	sbarrier.arrive $0xFFFF  }
0x67: {  	_ =	shalt  }

// kernel: kernel.9.cloned.1.call-start
scs
__scs_entry_jumppad:
0x0: {  	(pc) =	sbr.rel $0x88, $3  }
0x1: {  	(tag) =	ssettag $0x0;
	lr =	simm.s32 $0x1  }
0x2: {  	[smem:$0x3F9B] =	sst lr;
	_ =	strace $0xD0000000  }
0x3: {  	_ = 	snop  }
0x4: {  	_ = 	snop  }
0x5: {  	_ = 	snop  }
0x6: {  	_ = 	snop  }
0x7: {  	_ = 	snop  }
__scs_overlays_trampoline_lowered:
0x8: {  	[smem:$0x3FAA] =	sst s0  }
0x9: {  	[smem:$0x3FAB] =	sst s1  }
0xa: {  	[smem:$0x3FAC] =	sst s2  }
0xb: {  	[smem:$0x3FAD] =	sst s3  }
0xc: {  	[smem:$0x3FAE] =	sst s4  }
0xd: {  	[smem:$0x3FAF] =	sst s5  }
0xe: {  	[smem:$0x3FB0] =	sst s6  }
0xf: {  	[smem:$0x3FB1] =	sst s7  }
0x10: {  	[smem:$0x3FB2] =	sst s8  }
0x11: {  	[smem:$0x3FB3] =	sst s9;
	s0 =	simm.s32 @!p0 $0x0  }
0x12: {  	s1 =	sld [smem:$0x3F99];
	s0 =	simm.s32 @p0 $0x1  }
0x13: {  	[smem:$0x3FB4] =	sst s0;
	s0 =	simm.s32 @!p1 $0x0  }
0x14: {  	s2 =	sld [smem:$0x3F98];
	s0 =	simm.s32 @p1 $0x1  }
0x15: {  	[smem:$0x3FB5] =	sst s0;
	s0 =	simm.s32 @!p2 $0x0  }
0x16: {  	s3 =	sld [smem:$0x3FDB];
	s0 =	simm.s32 @p2 $0x1  }
0x17: {  	s4 =	simm.s32 $0x1BF5;
	[smem:$0x3FB7] =	sst s0  }
0x18: {  	s0 =	sld [smem:$0x3F9A];
	_ =	swait.ge [sflag:s4], $0x0  }
0x19: {  	s7 =	sld [smem:$0x3F9B]  }
0x1a: {  	s8 =	sadd.s32 $0xFFFFE003, lr  }
0x1b: {  	s9 =	sadd.s32 $0xFFFFFEF7, lr;
	s5 =	simm.s32 $0xFFFFFFFF;
	p2 =	slt.u32 s8, $0xFFFFF086  }
0x1c: {  	p1 =	slt.u32 s9, $0xF7A;
	s5 =	simm.s32 @!p2 $0x0  }
0x1d: {  	s5 =	simm.s32 @p1 $0x1;
	p0 =	seq.s32 s7, s2  }
0x1e: {  	s7 =	smul.u32 @!p0 $0xF7A, s2;
	p2 =	seq.s32 @!p0 s5, $0x0  }
0x1f: {  	s9 =	smul.u32 $0xF7A, s1;
	s8 =	simm.s32 @!p0 $0x1BF5;
	p2 =	por !p2, p0  }
0x20: {  	[sflag:s8] =	ssyncset.s32 @!p0 $0xFFFFF086;
	s6 =	sadd.s32 @!p0 s3, s7;
	s7 =	simm.s32 @!p0 $0x108  }
0x21: {  	s3 =	sadd.s32 s3, s9;
	s6 =	sadd.s32 @!p0 $0x88, s6;
	s7 =	simm.s32 @p2 $0x1082  }
0x22: {  	[simem:s7], [sflag:s8] =	dma.local @!p0 [hbm:s6], $0xF7A  }
0x23: {  	s9 =	sor.u32 $0xD0000000, s2;
	s6 =	simm.s32 $0x108;
	_ =	swait.ge @!p0 [sflag:s8], $0x0  }
0x24: {  	s3 =	sadd.s32 $0x88, s3;
	s6 =	simm.s32 @!p1 $0x1082;
	[sflag:s4] =	ssyncset.s32 $0xFFFFF086  }
0x25: {  	[simem:s6], [sflag:s4] =	dma.local [hbm:s3], $0xF7A  }
0x26: {  	[smem:$0x3F9B] =	sst s1;
	(tag) =	ssettag s2;
	_ =	strace s9  }
0x27: {  	s1 =	sld [smem:$0x3FAB]  }
0x28: {  	s2 =	sld [smem:$0x3FAC]  }
0x29: {  	s4 =	sld [smem:$0x3FAE]  }
0x2a: {  	p0 =	seq.s32 s5, $0x0;
	s5 =	sld [smem:$0x3FAF]  }
0x2b: {  	s6 =	sld [smem:$0x3FB0]  }
0x2c: {  	s7 =	sld [smem:$0x3FB1]  }
0x2d: {  	s3 =	simm.s32 $0x108;
	s8 =	sld [smem:$0x3FB2]  }
0x2e: {  	s3 =	simm.s32 @!p0 $0x1082;
	s9 =	sld [smem:$0x3FB3]  }
0x2f: {  	lr =	sadd.s32 s0, s3;
	s0 =	sld [smem:$0x3FAA]  }
0x30: {  	s3 =	sld [smem:$0x3FAD]  }
0x31: {  	[smem:$0x3FB6] =	sst s10  }
0x32: {  	s10 =	sld [smem:$0x3FB4];
	_ =	sdelay $0x3  }
0x33: {  	p0 =	seq.s32 s10, $0x1;
	s10 =	sld [smem:$0x3FB6];
	_ =	sdelay $0x3  }
0x34: {  	[smem:$0x3FB6] =	sst s10  }
0x35: {  	s10 =	sld [smem:$0x3FB5];
	_ =	sdelay $0x3  }
0x36: {  	p1 =	seq.s32 s10, $0x1;
	s10 =	sld [smem:$0x3FB6];
	_ =	sdelay $0x3  }
0x37: {  	[smem:$0x3FB6] =	sst s10  }
0x38: {  	s10 =	sld [smem:$0x3FB7]  }
0x39: {  	_ = 	snop;
	(pc) =	sbr.ind lr, $3  }
0x3a: {  	_ = 	snop  }
0x3b: {  	_ = 	snop  }
0x3c: {  	p2 =	seq.s32 s10, $0x1;
	s10 =	sld [smem:$0x3FB6]  }
0x3d: {  	_ =	shalt  }
0x3e: {  	_ =	shalt  }
0x3f: {  	_ =	shalt  }
0x40: {  	_ =	shalt  }
0x41: {  	_ =	shalt  }
0x42: {  	_ =	shalt  }
0x43: {  	_ =	shalt  }
0x44: {  	_ =	shalt  }
0x45: {  	_ =	shalt  }
0x46: {  	_ =	shalt  }
0x47: {  	_ =	shalt  }
0x48: {  	_ =	shalt  }
0x49: {  	_ =	shalt  }
0x4a: {  	_ =	shalt  }
0x4b: {  	_ =	shalt  }
0x4c: {  	_ =	shalt  }
0x4d: {  	_ =	shalt  }
0x4e: {  	_ =	shalt  }
0x4f: {  	_ =	shalt  }
0x50: {  	_ =	shalt  }
0x51: {  	_ =	shalt  }
0x52: {  	_ =	shalt  }
0x53: {  	_ =	shalt  }
0x54: {  	_ =	shalt  }
0x55: {  	_ =	shalt  }
0x56: {  	_ =	shalt  }
0x57: {  	_ =	shalt  }
0x58: {  	_ =	shalt  }
0x59: {  	_ =	shalt  }
0x5a: {  	_ =	shalt  }
0x5b: {  	_ =	shalt  }
0x5c: {  	_ =	shalt  }
0x5d: {  	_ =	shalt  }
0x5e: {  	_ =	shalt  }
0x5f: {  	_ =	shalt  }
0x60: {  	_ =	shalt  }
0x61: {  	_ =	shalt  }
0x62: {  	_ =	shalt  }
0x63: {  	_ =	shalt  }
0x64: {  	_ =	shalt  }
0x65: {  	_ =	shalt  }
0x66: {  	_ =	shalt  }
0x67: {  	_ =	shalt  }
0x68: {  	_ =	shalt  }
0x69: {  	_ =	shalt  }
0x6a: {  	_ =	shalt  }
0x6b: {  	_ =	shalt  }
0x6c: {  	_ =	shalt  }
0x6d: {  	_ =	shalt  }
0x6e: {  	_ =	shalt  }
0x6f: {  	_ =	shalt  }
0x70: {  	_ =	shalt  }
0x71: {  	_ =	shalt  }
0x72: {  	_ =	shalt  }
0x73: {  	_ =	shalt  }
0x74: {  	_ =	shalt  }
0x75: {  	_ =	shalt  }
0x76: {  	_ =	shalt  }
0x77: {  	_ =	shalt  }
0x78: {  	_ =	shalt  }
0x79: {  	_ =	shalt  }
0x7a: {  	_ =	shalt  }
0x7b: {  	_ =	shalt  }
0x7c: {  	_ =	shalt  }
0x7d: {  	_ =	shalt  }
0x7e: {  	_ =	shalt  }
0x7f: {  	_ =	shalt  }
0x80: {  	_ =	shalt  }
0x81: {  	_ =	shalt  }
0x82: {  	_ =	shalt  }
0x83: {  	_ =	shalt  }
0x84: {  	_ =	shalt  }
0x85: {  	_ =	shalt  }
0x86: {  	_ =	shalt  }
0x87: {  	_ =	shalt  }
.Lfunc_end0:
.L_simem_size_0:
called_computation.1_lowered:
.L_overlay_start_0:
0x88: {  	s2 =	sld [smem:$0x3FD9]  }
0x89: {  	s3 =	sld [smem:$0x3FFE];
	_ =	sdelay $0x1  }
0x8a: {  	s1 =	srdreg.scid  }
0x8b: {  	s0 =	sand.u32 $0x1, s1  }
0x8c: {  	s16 =	sshll.u32 s0, $0xA;
	s2 =	sadd.s32 s3, s2  }
0x8d: {  	s2 =	sadd.s32 s2, s16  }
0x8e: {  	[smem:$0x3FC2] =	sst s2  }
0x8f: {  	_ = 	snop  }
0x90: {  	(tm) =	ssettm $0x1  }
0x91: {  	s17 =	sld [smem:$0x3FFB];
	_ =	sdelay $0x3  }
0x92: {  	_ =	strace s17  }
0x93: {  	s2 =	sld [smem:$0x3FFC];
	_ =	sdelay $0x3  }
0x94: {  	_ =	strace s2  }
0x95: {  	s2 =	sld [smem:$0x3FFD];
	_ =	sdelay $0x3  }
0x96: {  	_ =	strace s2  }
0x97: {  	_ =	strace $0x8FFFFFFF  }
0x98: {  	s18 =	sld [smem:$0x3FDB];
	_ =	sdelay $0x1  }
0x99: {  	s19 =	simm.s32 $_scs_section_size  }
0x9a: {  	s4 =	simm.s32 $_size__tile_overlayer_lowered;
	s5 =	simm.s32 $_tile_overlayer_lowered  }
0x9b: {  	s22 =	simm.s32 $0x1BFF;
	s21 =	sshll.u32 s5, $0x1;
	s2 =	sadd.s32 s19, s18  }
0x9c: {  	s6 =	simm.s32 $0x0;
	s20 =	sshll.u32 s4, $0x1;
	s4 =	sadd.s32 s21, s2  }
0x9d: {  	[timem:s6], [sflag:s22] =	dma.local [hbm:s4], s20  }
0x9e: {  	_ =	swait.ge [sflag:s22], s20  }
0x9f: {  	s3 =	ssub.s32 $0x0, s20;
	[sflag:s22] =	ssyncset.done $0x0  }
0xa0: {  	[sflag:s22] =	ssyncadd.s32 s3;
	_ =	sdelay $0x1  }
0xa1: {  	s23 =	simm.s32 $0x1B8B  }
0xa2: {  	_ =	swait.ge [sflag:s23], $0x1  }
0xa3: {  	[sflag:s23] =	ssyncset.done $0x0  }
0xa4: {  	s25 =	simm.s32 $0x1B8E;
	s24 =	sld [smem:$0x3FFE];
	[sflag:s23] =	ssyncadd.s32 $0xFFFFFFFF  }
0xa5: {  	s26 =	simm.s32 $execute0_lowered;
	[smem:$0x3FD2] =	sst s25  }
0xa6: {  	s4 =	sshll.u32 s26, $0x1;
	_ =	strace $0x80000049;
	[dreg:$0x1] =	wrdreg $0xFFFFFFFF  }
0xa7: {  	s28 =	simm.s32 $_size_execute0_lowered;
	s2 =	sadd.s32 s2, s4;
	[dreg:$0x0] =	wrdreg $0x0  }
0xa8: {  	s4 =	sshll.u32 s28, $0x1;
	[dreg:$0x2] =	wrdreg s2  }
0xa9: {  	[dreg:$0x3] =	wrdreg s4  }
0xaa: {  	[dreg:$0x4] =	wrdreg $0xC0  }
0xab: {  	_ =	task [dreg:s6], $0x5FFFF  }
0xac: {  	[dreg:$0x1] =	wrdreg $0xFFFFFFFF  }
0xad: {  	[dreg:$0x0] =	wrdreg $0x60  }
0xae: {  	[dreg:$0x2] =	wrdreg s24  }
0xaf: {  	[dreg:$0x3] =	wrdreg $0xAC800  }
0xb0: {  	[dreg:$0x4] =	wrdreg $0x1EC800  }
0xb1: {  	[dreg:$0x5] =	wrdreg $0x9  }
0xb2: {  	_ =	task.clear_ibuf [dreg:s6], $0x6FFFF;
	_ =	strace $0x90000049  }
0xb3: {  	s29 =	simm.s32 $0x9;
	_ =	strace $0x8000004B  }
0xb4: {  	_ =	swait.ge [sflag:s29], $0x1  }
0xb5: {  	[sflag:s29] =	ssyncadd.s32 $0xFFFFFFFF  }
0xb6: {  	_ =	strace $0x9000004B  }
0xb7: {  	_ =	sfence  }
0xb8: {  	s30 =	sld [smem:$0x0];
	_ =	sdelay $0x2  }
0xb9: {  	s31 =	sshll.u32 s1, $0xD;
	s1 =	sshrl.u32 s1, $0x2  }
0xba: {  	s3 =	sand.u32 $0x4000, s31;
	s1 =	sadd.s32 s1, s30  }
0xbb: {  	s0 =	sor.u32 s3, s0;
	s1 =	sshll.u32 s1, $0x11  }
0xbc: {  	s0 =	sor.u32 s1, s0  }
0xbd: {  	s0 =	sadd.s32 $0x8F2B, s0  }
0xbe: {  	[sflag:s0] =	ssyncadd.remote.s32 $0x1  }
0xbf: {  	_ =	sfence.sel $0xFFFF  }
0xc0: {  	[dreg:$0x0] =	wrdreg $0xFFFFFFFF;
	(pc) =	sbr.abs _section_cstart, $3  }
0xc1: {  	[dreg:$0x1] =	wrdreg $0xFFFFFFFF  }
0xc2: {  	_ =	task.clear_ibuf [dreg:s6], $0x2FFFF;
	_ =	strace $0x9FFFFFFF  }
0xc3: {  	(tm) =	ssettm $0x7FFFFFFF  }
tec
execute0_lowered:
.L_overlay_start_1:
0x0: {  	(tag) =	ssettag $0x1  }
0x1: {  	s0 =	rddreg [dreg:$0x0]  }
0x2: {  	s2 =	rddreg [dreg:$0x1]  }
0x3: {  	s3 =	rddreg [dreg:$0x2];
	s4 =	simm.s32 $0x0  }
0x4: {  	s20 =	stileid.u32;
	s8 =	srdreg.scid;
	s30 =	simm.s32 $0x9  }
0x5: {  	s31 =	simm.s32 $0x2C80;
	s28 =	simm.s32 $0x4;
	[smem:$0x7FF] =	sst s4  }
0x6: {  	s22 =	smul.u32 $0x2800, s20;
	s6 =	sadd.s32 $0xC600, s0;
	s1 =	sadd.s32 $0xAC600, s0  }
0x7: {  	s7 =	sadd.s32 $0x6C00, s0;
	s8 =	sand.u32 $0x1, s8;
	s11 =	smul.u32 $0x280, s20  }
0x8: {  	s9 =	sadd.s32 $0xC1000, s0;
	s14 =	smul.u32 $0x50000, s20;
	_ =	strace $0x8000004A  }
0x9: {  	s10 =	ssub.s32 $0x2, s8;
	s12 =	sshll.u32 s8, $0x4;
	s16 =	smul.u32 $0x5000, s8  }
0xa: {  	p0 =	sne.s32 s8, $0x0;
	p1 =	seq.s32 s8, $0x0;
	s5 =	sshrl.u32 s22, $0x3  }
0xb: {  	s13 =	sshrl.u32 s10, $0x1;
	s23 =	sadd.s32 s11, s3;
	s15 =	sadd.s32 $0x80, s11  }
0xc: {  	[dreg:$0x4] =	wrdreg s22;
	s5 =	sadd.s32 s5, s0;
	s0 =	sadd.s32 s12, s0  }
0xd: {  	s10 =	ssub.s32 s10, s13;
	s13 =	sshrl.u32 s14, $0x2;
	s14 =	smul.u32 $0x50000, s8  }
0xe: {  	s19 =	sshll.u32 s15, $0x7;
	[dreg:$0x5] =	wrdreg s23;
	s24 =	sadd.s32 s13, s2  }
0xf: {  	s29 =	sadd.s32 s19, s2;
	s19 =	sadd.s32 $0x100, s11;
	s0 =	sadd.s32 $0xC0600, s0  }
0x10: {  	s21 =	sadd.s32 s22, s14;
	s25 =	sadd.s32 $0x28000, s14;
	[dreg:$0x6] =	wrdreg s24  }
0x11: {  	s18 =	sshll.u32 s19, $0x7;
	s13 =	sadd.s32 s9, s14;
	[dreg:$0x7] =	wrdreg s29  }
0x12: {  	[dreg:$0x17] =	wrdreg s13;
	s14 =	sadd.s32 s9, s25;
	s9 =	sadd.s32 $0x1E80, s5  }
0x13: {  	s12 =	sshrl.u32 s21, $0x3;
	s13 =	sshll.u32 s15, $0x4;
	[dreg:$0xf] =	wrdreg s9  }
0x14: {  	s17 =	sadd.s32 s22, s25;
	s15 =	sshll.u32 s19, $0x4;
	[dreg:$0x10] =	wrdreg s13  }
0x15: {  	s21 =	sadd.s32 s1, s12;
	s26 =	sshrl.u32 s17, $0x3;
	[dreg:$0x11] =	wrdreg s15  }
0x16: {  	s12 =	sadd.s32 s1, s26;
	s26 =	sadd.s32 s18, s2;
	[dreg:$0x8] =	wrdreg s21  }
0x17: {  	s17 =	smul.u32 $0xA0, s20;
	s13 =	simm.s32 $0x1400;
	[dreg:$0xb] =	wrdreg s26  }
0x18: {  	s15 =	simm.s32 $0x6C80;
	s18 =	sadd.s32 $0x1C00, s5;
	[dreg:$0x9] =	wrdreg s12  }
0x19: {  	s1 =	sadd.s32 $0x180, s11;
	s0 =	sadd.s32 s17, s0;
	[dreg:$0xe] =	wrdreg s18  }
0x1a: {  	s11 =	sadd.s32 $0x200, s11;
	s17 =	sshll.u32 s1, $0x4;
	[dreg:$0xa] =	wrdreg s0  }
0x1b: {  	s20 =	sshll.u32 s1, $0x7;
	s19 =	sshll.u32 s11, $0x4;
	[dreg:$0x12] =	wrdreg s17  }
0x1c: {  	s25 =	sshll.u32 s11, $0x7;
	s26 =	sadd.s32 $0x280, s12;
	[dreg:$0x13] =	wrdreg s19  }
.Ltmp0:
0x1d: {  	s8 =	sadd.s32 s20, s2;
	[dreg:$0x16] =	wrdreg s26;
	(pc) =	sbr.rel .LBB2_1-.Ltmp0, $4  }
0x1e: {  	s1 =	simm.s32 $0x80;
	s0 =	sadd.s32 s25, s2;
	[dreg:$0xc] =	wrdreg s8  }
0x1f: {  	s11 =	simm.s32 $0x0;
	s20 =	smax.u32 s10, $0x1;
	[dreg:$0xd] =	wrdreg s0  }
0x20: {  	s25 =	sadd.s32 $0x280, s21;
	s26 =	simm.s32 $0x3;
	[dreg:$0x14] =	wrdreg s20  }
0x21: {  	v1 =	vimm.f32 $0.0e+00;
	v0 =	vmov s16;
	[dreg:$0x15] =	wrdreg s25;
	s0 =	simm.s32 $0x1;
	s25 =	simm.s32 $0x2  }
.LBB2_15:
0x22: {  	[spmem:s2] =	stream.indirect.scatter.add.f32 [tilespmem:s15], [sflag:$0x4], $0x80, s21, s1, $0xb8;
	[tilespmem:$0x1EF00] =	vst v63  }
0x23: {  	_ =	swait.ge [sflag:s28], $0x4000  }
0x24: {  	[sflag:s28] =	ssyncset.done $0x0  }
0x25: {  	[sflag:s28] =	ssyncadd.s32 $0xFFFFC000  }
0x26: {  	s10 =	sadd.s32 s22, s14;
	[bflag:$0x0] =	sbarrier.arrive $0xFFFF  }
0x27: {  	[hbm:s10], [sflag:s5] =	dma.local [spmem:s8], $0x800  }
0x28: {  	s8 =	rddreg [dreg:$0x10]  }
0x29: {  	s8 =	sadd.s32 s8, s14  }
0x2a: {  	[hbm:s8], [sflag:s5] =	dma.local [spmem:s9], $0x800  }
0x2b: {  	s8 =	rddreg [dreg:$0x11]  }
0x2c: {  	s8 =	sadd.s32 s8, s14  }
0x2d: {  	[hbm:s8], [sflag:s5] =	dma.local [spmem:s12], $0x800  }
0x2e: {  	s8 =	rddreg [dreg:$0x12]  }
0x2f: {  	s8 =	sadd.s32 s8, s14  }
0x30: {  	[hbm:s8], [sflag:s5] =	dma.local [spmem:s19], $0x800  }
0x31: {  	s8 =	rddreg [dreg:$0x13]  }
0x32: {  	s8 =	sadd.s32 s8, s14  }
0x33: {  	[hbm:s8], [sflag:s5] =	dma.local [spmem:s20], $0x800  }
0x34: {  	_ =	swait.ge [sflag:s0], $0x800  }
0x35: {  	[sflag:s0] =	ssyncset.done $0x0  }
0x36: {  	[sflag:s0] =	ssyncadd.s32 $0xFFFFF800  }
0x37: {  	_ =	swait.ge [sflag:s0], $0x800  }
0x38: {  	[sflag:s0] =	ssyncset.done $0x0  }
0x39: {  	[sflag:s0] =	ssyncadd.s32 $0xFFFFF800  }
0x3a: {  	_ =	swait.ge [sflag:s0], $0x800  }
0x3b: {  	[sflag:s0] =	ssyncset.done $0x0  }
0x3c: {  	[sflag:s0] =	ssyncadd.s32 $0xFFFFF800  }
0x3d: {  	_ =	swait.ge [sflag:s0], $0x800  }
0x3e: {  	[sflag:s0] =	ssyncset.done $0x0  }
0x3f: {  	[sflag:s0] =	ssyncadd.s32 $0xFFFFF800  }
0x40: {  	_ =	swait.ge [sflag:s0], $0x800  }
0x41: {  	s11 =	sadd.s32 $0x1, s11;
	s22 =	rddreg [dreg:$0x14]  }
0x42: {  	p2 =	sne.s32 s11, s22  }
.Ltmp1:
0x43: {  	_ = 	snop;
	(pc) =	sbr.rel @!p2 .LBB2_16-.Ltmp1, $3  }
0x44: {  	_ =	sdelay $0x1  }
0x45: {  	[sflag:s0] =	ssyncset.done $0x0  }
0x46: {  	[sflag:s0] =	ssyncadd.s32 $0xFFFFF800  }
.LBB2_1:
0x47: {  	[tilespmem:$0x2A00] =	vst v1  }
0x48: {  	[tilespmem:$0x2A10] =	vst v1  }
0x49: {  	[tilespmem:$0x2A20] =	vst v1  }
0x4a: {  	[tilespmem:$0x2A30] =	vst v1  }
0x4b: {  	[tilespmem:$0x2A40] =	vst v1  }
0x4c: {  	[tilespmem:$0x2A50] =	vst v1  }
0x4d: {  	[tilespmem:$0x2A60] =	vst v1  }
0x4e: {  	[tilespmem:$0x2A70] =	vst v1  }
0x4f: {  	[tilespmem:$0x2A80] =	vst v1  }
0x50: {  	[tilespmem:$0x2A90] =	vst v1  }
0x51: {  	[tilespmem:$0x2AA0] =	vst v1  }
0x52: {  	[tilespmem:$0x2AB0] =	vst v1  }
0x53: {  	[tilespmem:$0x2AC0] =	vst v1  }
0x54: {  	[tilespmem:$0x2AD0] =	vst v1  }
0x55: {  	[tilespmem:$0x2AE0] =	vst v1  }
0x56: {  	[tilespmem:$0x2AF0] =	vst v1  }
0x57: {  	[tilespmem:$0x2B00] =	vst v1  }
0x58: {  	[tilespmem:$0x2B10] =	vst v1  }
0x59: {  	[tilespmem:$0x2B20] =	vst v1  }
0x5a: {  	[tilespmem:$0x2B30] =	vst v1  }
0x5b: {  	[tilespmem:$0x2B40] =	vst v1  }
0x5c: {  	[tilespmem:$0x2B50] =	vst v1  }
0x5d: {  	[tilespmem:$0x2B60] =	vst v1  }
0x5e: {  	[tilespmem:$0x2B70] =	vst v1  }
0x5f: {  	[tilespmem:$0x2B80] =	vst v1  }
0x60: {  	[tilespmem:$0x2B90] =	vst v1  }
0x61: {  	[tilespmem:$0x2BA0] =	vst v1  }
0x62: {  	[tilespmem:$0x2BB0] =	vst v1  }
0x63: {  	[tilespmem:$0x2BC0] =	vst v1  }
0x64: {  	[tilespmem:$0x2BD0] =	vst v1  }
0x65: {  	[tilespmem:$0x2BE0] =	vst v1  }
0x66: {  	[tilespmem:$0x2BF0] =	vst v1  }
0x67: {  	[tilespmem:$0x2C00] =	vst v1  }
0x68: {  	[tilespmem:$0x2C10] =	vst v1  }
0x69: {  	[tilespmem:$0x2C20] =	vst v1  }
0x6a: {  	[tilespmem:$0x2C30] =	vst v1  }
0x6b: {  	[tilespmem:$0x2C40] =	vst v1  }
0x6c: {  	[tilespmem:$0x2C50] =	vst v1  }
0x6d: {  	[tilespmem:$0x2C60] =	vst v1  }
0x6e: {  	[tilespmem:$0x2C70] =	vst v1;
	s5 =	simm.s32 $0x2A00  }
0x6f: {  	[spmem:s23] =	stream.linear.scatter [tilespmem:s5], [sflag:$0x9], $0x280, $0x38;
	[tilespmem:$0x1EF00] =	vst v63  }
0x70: {  	s8 =	sand.u32 $0x70, s4;
	s23 =	sand.u32 $0xFE00, s4;
	_ =	swait.ge [sflag:s30], $0x280  }
0x71: {  	s5 =	simm.s32 $0x40;
	s9 =	sshrl.u32 s23, $0x2;
	[sflag:s30] =	ssyncset.done $0x0  }
0x72: {  	s9 =	sor.u32 s8, s9;
	s8 =	simm.s32 $0x0;
	[sflag:s30] =	ssyncadd.s32 $0xFFFFFD80  }
.LBB2_2:
0x73: {  	p2 =	sne.s32 s5, $0xFFC0  }
0x74: {  	[tilespmem:s9+$0x2C80] =	vst v1;
	s8 =	sadd.s32 $0x10, s8;
	s9 =	smov.u32 s5;
	s5 =	sadd.s32 $0x40, s5  }
.Ltmp2:
0x75: {  	(pc) =	sbr.rel @p2 .LBB2_2-.Ltmp2, $4  }
0x76: {  	_ = 	snop  }
0x77: {  	s9 =	sand.u32 $0xFE00, s9  }
0x78: {  	s10 =	sand.u32 $0x70, s8;
	s9 =	sshrl.u32 s9, $0x2  }
0x79: {  	s9 =	sor.u32 s10, s9  }
0x7a: {  	[tilespmem:s9+$0x2C80] =	vst v1  }
0x7b: {  	[spmem:s24] =	stream.linear.scatter [tilespmem:s31], [sflag:$0x1], $0x4000, $0x38;
	[tilespmem:$0x1EF00] =	vst v63  }
0x7c: {  	_ = 	snop  }
0x7d: {  	[spmem:s29] =	stream.linear.scatter [tilespmem:s31], [sflag:$0x1], $0x4000, $0x38;
	[tilespmem:$0x1EF00] =	vst v63  }
0x7e: {  	s5 =	rddreg [dreg:$0xb]  }
0x7f: {  	[spmem:s5] =	stream.linear.scatter [tilespmem:s31], [sflag:$0x1], $0x4000, $0x38;
	[tilespmem:$0x1EF00] =	vst v63  }
0x80: {  	s20 =	rddreg [dreg:$0xc]  }
0x81: {  	[spmem:s20] =	stream.linear.scatter [tilespmem:s31], [sflag:$0x1], $0x4000, $0x38;
	[tilespmem:$0x1EF00] =	vst v63  }
0x82: {  	s21 =	rddreg [dreg:$0xd]  }
0x83: {  	[spmem:s21] =	stream.linear.scatter [tilespmem:s31], [sflag:$0x1], $0x4000, $0x38;
	[tilespmem:$0x1EF00] =	vst v63  }
0x84: {  	_ =	swait.ge [sflag:s0], $0x4000  }
0x85: {  	[sflag:s0] =	ssyncset.done $0x0  }
0x86: {  	[sflag:s0] =	ssyncadd.s32 $0xFFFFC000  }
0x87: {  	_ =	swait.ge [sflag:s0], $0x4000  }
0x88: {  	[sflag:s0] =	ssyncset.done $0x0  }
0x89: {  	[sflag:s0] =	ssyncadd.s32 $0xFFFFC000  }
0x8a: {  	_ =	swait.ge [sflag:s0], $0x4000  }
0x8b: {  	[sflag:s0] =	ssyncset.done $0x0  }
0x8c: {  	[sflag:s0] =	ssyncadd.s32 $0xFFFFC000  }
0x8d: {  	_ =	swait.ge [sflag:s0], $0x4000  }
0x8e: {  	[sflag:s0] =	ssyncset.done $0x0  }
0x8f: {  	[sflag:s0] =	ssyncadd.s32 $0xFFFFC000  }
0x90: {  	_ =	swait.ge [sflag:s0], $0x4000  }
0x91: {  	[sflag:s0] =	ssyncset.done $0x0  }
0x92: {  	[sflag:s0] =	ssyncadd.s32 $0xFFFFC000  }
0x93: {  	[bflag:$0x0] =	sbarrier.arrive $0xFFFF  }
0x94: {  	s22 =	rddreg [dreg:$0x8]  }
0x95: {  	[tilespmem:s4], [sflag:$0x9] =	stream.linear.gather [hbm4b:s22+s4], $0x1400, $0x38;
	[tilespmem:$0x1EF00] =	vst v63  }
0x96: {  	_ =	swait.ge [sflag:s30], $0x1400  }
0x97: {  	[sflag:s30] =	ssyncset.done $0x0  }
0x98: {  	[sflag:s30] =	ssyncadd.s32 $0xFFFFEC00  }
0x99: {  	[tilespmem:s13], [sflag:$0x9] =	stream.linear.gather [hbm4b:s18+s4], $0x1400, $0x38;
	[tilespmem:$0x1EF00] =	vst v63  }
0x9a: {  	_ =	swait.ge [sflag:s30], $0x1400  }
0x9b: {  	[sflag:s30] =	ssyncset.done $0x0  }
0x9c: {  	[sflag:s30] =	ssyncadd.s32 $0xFFFFEC00  }
0x9d: {  	[tilespmem:s31], [sflag:$0x1] =	stream.indirect.gather [hbm4b:s6+s1], $0x80, s4, s1, $0xb8;
	[tilespmem:$0x1EF00] =	vst v63  }
0x9e: {  	s12 =	simm.s32 @!p0 $0x80;
	s8 =	simm.s32 @!p0 $0x2800;
	s5 =	simm.s32 @!p0 $0x1400  }
0x9f: {  	[tilespmem:s8], [sflag:$0x5] =	stream.indirect.gather @!p0 [hbm4b:s7+s12], $0x1, s5, s12, $0xb8;
	[tilespmem:$0x1EF00] =	vst v63  }
0xa0: {  	_ =	swait.ge [sflag:s0], $0x4000  }
0xa1: {  	p2 =	por $0x1, $0x1;
	[sflag:s0] =	ssyncset.done $0x0  }
0xa2: {  	s5 =	simm.s32 @!p2 $0x4;
	[sflag:s0] =	ssyncadd.s32 $0xFFFFC000  }
0xa3: {  	_ =	swait.ge @!p2 [sflag:s5], $0x4000  }
0xa4: {  	[sflag:s5] =	ssyncset.done @!p2 $0x0  }
0xa5: {  	s23 =	simm.s32 $0x80;
	[sflag:s5] =	ssyncadd.s32 @!p2 $0xFFFFC000  }
0xa6: {  	[tilespmem:s15], [sflag:$0x2] =	stream.indirect.gather [hbm4b:s6+s1], $0x80, s23, s1, $0xb8;
	[tilespmem:$0x1EF00] =	vst v63  }
0xa7: {  	s19 =	simm.s32 @!p0 $0x5;
	s24 =	simm.s32 $0x1400  }
0xa8: {  	[spmem:s2] =	stream.indirect.scatter.add.f32 [tilespmem:s31], [sflag:$0x3], $0x80, s24, s1, $0xb8;
	[tilespmem:$0x1EF00] =	vst v63  }
0xa9: {  	p2 =	por @!p0 $0x1, $0x1;
	_ =	swait.ge @!p0 [sflag:s19], $0x80  }
0xaa: {  	p2 =	por p2, p0;
	[sflag:s19] =	ssyncset.done @!p0 $0x0  }
0xab: {  	s9 =	simm.s32 @!p2 $0x8;
	[sflag:s19] =	ssyncadd.s32 @!p0 $0xFFFFFF80  }
0xac: {  	_ =	swait.ge @!p2 [sflag:s9], $0x80  }
0xad: {  	s20 =	simm.s32 @!p0 $0x2880;
	[sflag:s9] =	ssyncset.done @!p2 $0x0  }
0xae: {  	s5 =	simm.s32 @!p0 $0x0;
	[sflag:s9] =	ssyncadd.s32 @!p2 $0xFFFFFF80;
	s9 =	simm.s32 @!p0 $0x1480  }
0xaf: {  	[tilespmem:s20], [sflag:$0x6] =	stream.indirect.gather @!p0 [hbm4b:s7+s12], $0x1, s9, s12, $0xb8;
	[tilespmem:$0x1EF00] =	vst v63  }
0xb0: {  	v2 =	vld @!p0 [tilespmem:s5+$0x0];
	_ =	sdelay $0x4  }
0xb1: {  	v2 =	vsub.s32 @!p0 v2, v0  }
0xb2: {  	[tilespmem:$0x2900] =	vst @!p0 v2  }
0xb3: {  	v2 =	vld @!p0 [tilespmem:s5+$0x10];
	_ =	sdelay $0x4  }
0xb4: {  	v2 =	vsub.s32 @!p0 v2, v0  }
0xb5: {  	[tilespmem:$0x2910] =	vst @!p0 v2  }
0xb6: {  	v2 =	vld @!p0 [tilespmem:s5+$0x20];
	_ =	sdelay $0x4  }
0xb7: {  	v2 =	vsub.s32 @!p0 v2, v0  }
0xb8: {  	[tilespmem:$0x2920] =	vst @!p0 v2  }
0xb9: {  	v2 =	vld @!p0 [tilespmem:s5+$0x30];
	_ =	sdelay $0x4  }
0xba: {  	v2 =	vsub.s32 @!p0 v2, v0  }
0xbb: {  	[tilespmem:$0x2930] =	vst @!p0 v2  }
0xbc: {  	v2 =	vld @!p0 [tilespmem:s5+$0x40];
	_ =	sdelay $0x4  }
0xbd: {  	v2 =	vsub.s32 @!p0 v2, v0  }
0xbe: {  	[tilespmem:$0x2940] =	vst @!p0 v2  }
0xbf: {  	v2 =	vld @!p0 [tilespmem:s5+$0x50];
	_ =	sdelay $0x4  }
0xc0: {  	v2 =	vsub.s32 @!p0 v2, v0  }
0xc1: {  	[tilespmem:$0x2950] =	vst @!p0 v2  }
0xc2: {  	v2 =	vld @!p0 [tilespmem:s5+$0x60];
	_ =	sdelay $0x4  }
0xc3: {  	v2 =	vsub.s32 @!p0 v2, v0  }
0xc4: {  	[tilespmem:$0x2960] =	vst @!p0 v2  }
0xc5: {  	v2 =	vld @!p0 [tilespmem:s5+$0x70];
	_ =	sdelay $0x4  }
0xc6: {  	v2 =	vsub.s32 @!p0 v2, v0  }
0xc7: {  	s21 =	simm.s32 @!p0 $0x2900;
	[tilespmem:$0x2970] =	vst @!p0 v2  }
0xc8: {  	[spmem:s3] =	stream.indirect.scatter.add.f32 @!p0 [tilespmem:s8], [sflag:$0x7], $0x1, s21, s12, $0xb8;
	[tilespmem:$0x1EF00] =	vst v63  }
0xc9: {  	_ =	swait.ge [sflag:s25], $0x4000  }
0xca: {  	[sflag:s25] =	ssyncset.done $0x0  }
0xcb: {  	[sflag:s25] =	ssyncadd.s32 $0xFFFFC000  }
0xcc: {  	p2 =	por $0x0, $0x0;
	_ =	swait.ge [sflag:s26], $0x4000  }
0xcd: {  	s9 =	simm.s32 @!p2 $0x2C80;
	[sflag:s26] =	ssyncset.done $0x0  }
0xce: {  	s10 =	simm.s32 @!p2 $0x100;
	s16 =	simm.s32 @!p2 $0x80;
	[sflag:s26] =	ssyncadd.s32 $0xFFFFC000  }
0xcf: {  	[tilespmem:s9], [sflag:$0x1] =	stream.indirect.gather @!p2 [hbm4b:s6+s16], $0x80, s10, s16, $0xb8;
	[tilespmem:$0x1EF00] =	vst v63  }
0xd0: {  	s29 =	simm.s32 $0x1480;
	s22 =	simm.s32 @!p0 $0x6  }
0xd1: {  	[spmem:s2] =	stream.indirect.scatter.add.f32 [tilespmem:s15], [sflag:$0x4], $0x80, s29, s1, $0xb8;
	[tilespmem:$0x1EF00] =	vst v63  }
0xd2: {  	_ =	swait.ge @!p0 [sflag:s22], $0x80  }
0xd3: {  	[sflag:s22] =	ssyncset.done @!p0 $0x0  }
0xd4: {  	s23 =	simm.s32 @!p0 $0x7;
	p2 =	por @!p0 $0x0, $0x0;
	[sflag:s22] =	ssyncadd.s32 @!p0 $0xFFFFFF80  }
0xd5: {  	p2 =	por p2, p0;
	_ =	swait.ge @!p0 [sflag:s23], $0x80  }
0xd6: {  	s9 =	simm.s32 @!p2 $0x80;
	[sflag:s23] =	ssyncset.done @!p0 $0x0  }
0xd7: {  	s10 =	simm.s32 @!p2 $0x1500;
	s16 =	simm.s32 @!p2 $0x2800;
	[sflag:s23] =	ssyncadd.s32 @!p0 $0xFFFFFF80  }
0xd8: {  	[tilespmem:s16], [sflag:$0x5] =	stream.indirect.gather @!p2 [hbm4b:s7+s9], $0x1, s10, s9, $0xb8;
	[tilespmem:$0x1EF00] =	vst v63  }
0xd9: {  	s9 =	simm.s32 $0x0  }
0xda: {  	v2 =	vld @!p0 [tilespmem:s9+$0x80];
	_ =	sdelay $0x4  }
0xdb: {  	v2 =	vsub.s32 @!p0 v2, v0  }
0xdc: {  	[tilespmem:$0x2980] =	vst @!p0 v2  }
0xdd: {  	v2 =	vld @!p0 [tilespmem:s5+$0x90];
	_ =	sdelay $0x4  }
0xde: {  	v2 =	vsub.s32 @!p0 v2, v0  }
0xdf: {  	[tilespmem:$0x2990] =	vst @!p0 v2  }
0xe0: {  	v2 =	vld @!p0 [tilespmem:s5+$0xA0];
	_ =	sdelay $0x4  }
0xe1: {  	v2 =	vsub.s32 @!p0 v2, v0  }
0xe2: {  	[tilespmem:$0x29A0] =	vst @!p0 v2  }
0xe3: {  	v2 =	vld @!p0 [tilespmem:s5+$0xB0];
	_ =	sdelay $0x4  }
0xe4: {  	v2 =	vsub.s32 @!p0 v2, v0  }
0xe5: {  	[tilespmem:$0x29B0] =	vst @!p0 v2  }
0xe6: {  	v2 =	vld @!p0 [tilespmem:s5+$0xC0];
	_ =	sdelay $0x4  }
0xe7: {  	v2 =	vsub.s32 @!p0 v2, v0  }
0xe8: {  	[tilespmem:$0x29C0] =	vst @!p0 v2  }
0xe9: {  	v2 =	vld @!p0 [tilespmem:s5+$0xD0];
	_ =	sdelay $0x4  }
0xea: {  	v2 =	vsub.s32 @!p0 v2, v0  }
0xeb: {  	[tilespmem:$0x29D0] =	vst @!p0 v2  }
0xec: {  	v2 =	vld @!p0 [tilespmem:s5+$0xE0];
	_ =	sdelay $0x4  }
0xed: {  	v2 =	vsub.s32 @!p0 v2, v0  }
0xee: {  	[tilespmem:$0x29E0] =	vst @!p0 v2  }
0xef: {  	v2 =	vld @!p0 [tilespmem:s5+$0xF0];
	_ =	sdelay $0x4  }
0xf0: {  	v2 =	vsub.s32 @!p0 v2, v0  }
0xf1: {  	s24 =	simm.s32 @!p0 $0x2980;
	s5 =	simm.s32 $0x400;
	[tilespmem:$0x29F0] =	vst @!p0 v2  }
.LBB2_4:
0xf2: {  	[spmem:s3] =	stream.indirect.scatter.add.f32 @!p0 [tilespmem:s20], [sflag:$0x8], $0x1, s24, s12, $0xb8;
	[tilespmem:$0x1EF00] =	vst v63  }
0xf3: {  	s10 =	smov.u32 s5;
	s5 =	sadd.s32 $0x400, s5;
	_ =	swait.ge [sflag:s0], $0x4000  }
0xf4: {  	p3 =	seq.s32 s10, $0x0;
	p2 =	sne.s32 s5, $0x5000;
	[sflag:s0] =	ssyncset.done $0x0  }
0xf5: {  	s9 =	simm.s32 @!p3 $0x4;
	[sflag:s0] =	ssyncadd.s32 $0xFFFFC000  }
0xf6: {  	_ =	swait.ge @!p3 [sflag:s9], $0x4000  }
0xf7: {  	s16 =	sshra.s32 s10, $0x2;
	[sflag:s9] =	ssyncset.done @!p3 $0x0  }
0xf8: {  	[sflag:s9] =	ssyncadd.s32 @!p3 $0xFFFFC000;
	s9 =	sadd.s32 $0x80, s16  }
0xf9: {  	[tilespmem:s15], [sflag:$0x2] =	stream.indirect.gather [hbm4b:s6+s1], $0x80, s9, s1, $0xb8;
	[tilespmem:$0x1EF00] =	vst v63  }
0xfa: {  	s9 =	sadd.s32 $0x1400, s16  }
0xfb: {  	[spmem:s2] =	stream.indirect.scatter.add.f32 [tilespmem:s31], [sflag:$0x3], $0x80, s9, s1, $0xb8;
	[tilespmem:$0x1EF00] =	vst v63  }
0xfc: {  	p3 =	seq.s32 @!p0 s10, $0x0;
	_ =	swait.ge @!p0 [sflag:s19], $0x80  }
0xfd: {  	p3 =	por p3, p0;
	[sflag:s19] =	ssyncset.done @!p0 $0x0  }
0xfe: {  	s17 =	simm.s32 @!p3 $0x8;
	[sflag:s19] =	ssyncadd.s32 @!p0 $0xFFFFFF80  }
0xff: {  	_ =	swait.ge @!p3 [sflag:s17], $0x80  }
0x100: {  	s9 =	sshra.s32 @!p0 s10, $0x2;
	[sflag:s17] =	ssyncset.done @!p3 $0x0  }
0x101: {  	[sflag:s17] =	ssyncadd.s32 @!p3 $0xFFFFFF80;
	s17 =	sadd.s32 @!p0 $0x1480, s9  }
0x102: {  	[tilespmem:s20], [sflag:$0x6] =	stream.indirect.gather @!p0 [hbm4b:s7+s12], $0x1, s17, s12, $0xb8;
	[tilespmem:$0x1EF00] =	vst v63  }
0x103: {  	v2 =	vld @!p0 [tilespmem:s9+$0x0];
	_ =	sdelay $0x4  }
0x104: {  	v2 =	vsub.s32 @!p0 v2, v0  }
0x105: {  	[tilespmem:$0x2900] =	vst @!p0 v2  }
0x106: {  	v2 =	vld @!p0 [tilespmem:s9+$0x10];
	_ =	sdelay $0x4  }
0x107: {  	v2 =	vsub.s32 @!p0 v2, v0  }
0x108: {  	[tilespmem:$0x2910] =	vst @!p0 v2  }
0x109: {  	v2 =	vld @!p0 [tilespmem:s9+$0x20];
	_ =	sdelay $0x4  }
0x10a: {  	v2 =	vsub.s32 @!p0 v2, v0  }
0x10b: {  	[tilespmem:$0x2920] =	vst @!p0 v2  }
0x10c: {  	v2 =	vld @!p0 [tilespmem:s9+$0x30];
	_ =	sdelay $0x4  }
0x10d: {  	v2 =	vsub.s32 @!p0 v2, v0  }
0x10e: {  	[tilespmem:$0x2930] =	vst @!p0 v2  }
0x10f: {  	v2 =	vld @!p0 [tilespmem:s9+$0x40];
	_ =	sdelay $0x4  }
0x110: {  	v2 =	vsub.s32 @!p0 v2, v0  }
0x111: {  	[tilespmem:$0x2940] =	vst @!p0 v2  }
0x112: {  	v2 =	vld @!p0 [tilespmem:s9+$0x50];
	_ =	sdelay $0x4  }
0x113: {  	v2 =	vsub.s32 @!p0 v2, v0  }
0x114: {  	[tilespmem:$0x2950] =	vst @!p0 v2  }
0x115: {  	v2 =	vld @!p0 [tilespmem:s9+$0x60];
	_ =	sdelay $0x4  }
0x116: {  	v2 =	vsub.s32 @!p0 v2, v0  }
0x117: {  	[tilespmem:$0x2960] =	vst @!p0 v2  }
0x118: {  	v2 =	vld @!p0 [tilespmem:s9+$0x70];
	_ =	sdelay $0x4  }
0x119: {  	v2 =	vsub.s32 @!p0 v2, v0  }
0x11a: {  	[tilespmem:$0x2970] =	vst @!p0 v2  }
0x11b: {  	[spmem:s3] =	stream.indirect.scatter.add.f32 @!p0 [tilespmem:s8], [sflag:$0x7], $0x1, s21, s12, $0xb8;
	[tilespmem:$0x1EF00] =	vst v63  }
0x11c: {  	_ =	swait.ge [sflag:s25], $0x4000  }
0x11d: {  	[sflag:s25] =	ssyncset.done $0x0  }
0x11e: {  	[sflag:s25] =	ssyncadd.s32 $0xFFFFC000  }
0x11f: {  	p3 =	seq.s32 s10, $0x4C00;
	_ =	swait.ge [sflag:s26], $0x4000  }
0x120: {  	s17 =	sshra.s32 @!p3 s10, $0x2;
	s18 =	simm.s32 @!p3 $0x2C80;
	[sflag:s26] =	ssyncset.done $0x0  }
0x121: {  	s29 =	simm.s32 @!p3 $0x80;
	s17 =	sadd.s32 @!p3 $0x100, s17;
	[sflag:s26] =	ssyncadd.s32 $0xFFFFC000  }
0x122: {  	[tilespmem:s18], [sflag:$0x1] =	stream.indirect.gather @!p3 [hbm4b:s6+s29], $0x80, s17, s29, $0xb8;
	[tilespmem:$0x1EF00] =	vst v63  }
0x123: {  	s17 =	sadd.s32 $0x1480, s16  }
0x124: {  	[spmem:s2] =	stream.indirect.scatter.add.f32 [tilespmem:s15], [sflag:$0x4], $0x80, s17, s1, $0xb8;
	[tilespmem:$0x1EF00] =	vst v63  }
0x125: {  	_ =	swait.ge @!p0 [sflag:s22], $0x80  }
0x126: {  	[sflag:s22] =	ssyncset.done @!p0 $0x0  }
0x127: {  	p3 =	seq.s32 @!p0 s10, $0x4C00;
	[sflag:s22] =	ssyncadd.s32 @!p0 $0xFFFFFF80  }
0x128: {  	p3 =	por p3, p0;
	_ =	swait.ge @!p0 [sflag:s23], $0x80  }
0x129: {  	s10 =	sshra.s32 @!p3 s10, $0x2;
	s17 =	simm.s32 @!p3 $0x80;
	[sflag:s23] =	ssyncset.done @!p0 $0x0  }
0x12a: {  	s18 =	simm.s32 @!p3 $0x2800;
	s10 =	sadd.s32 @!p3 $0x1500, s10;
	[sflag:s23] =	ssyncadd.s32 @!p0 $0xFFFFFF80  }
0x12b: {  	[tilespmem:s18], [sflag:$0x5] =	stream.indirect.gather @!p3 [hbm4b:s7+s17], $0x1, s10, s17, $0xb8;
	[tilespmem:$0x1EF00] =	vst v63  }
0x12c: {  	v2 =	vld @!p0 [tilespmem:s16+$0x80];
	_ =	sdelay $0x4  }
0x12d: {  	v2 =	vsub.s32 @!p0 v2, v0  }
0x12e: {  	[tilespmem:$0x2980] =	vst @!p0 v2  }
0x12f: {  	v2 =	vld @!p0 [tilespmem:s9+$0x90];
	_ =	sdelay $0x4  }
0x130: {  	v2 =	vsub.s32 @!p0 v2, v0  }
0x131: {  	[tilespmem:$0x2990] =	vst @!p0 v2  }
0x132: {  	v2 =	vld @!p0 [tilespmem:s9+$0xA0];
	_ =	sdelay $0x4  }
0x133: {  	v2 =	vsub.s32 @!p0 v2, v0  }
0x134: {  	[tilespmem:$0x29A0] =	vst @!p0 v2  }
0x135: {  	v2 =	vld @!p0 [tilespmem:s9+$0xB0];
	_ =	sdelay $0x4  }
0x136: {  	v2 =	vsub.s32 @!p0 v2, v0  }
0x137: {  	[tilespmem:$0x29B0] =	vst @!p0 v2  }
0x138: {  	v2 =	vld @!p0 [tilespmem:s9+$0xC0];
	_ =	sdelay $0x4  }
0x139: {  	v2 =	vsub.s32 @!p0 v2, v0  }
0x13a: {  	[tilespmem:$0x29C0] =	vst @!p0 v2  }
0x13b: {  	v2 =	vld @!p0 [tilespmem:s9+$0xD0];
	_ =	sdelay $0x4  }
0x13c: {  	v2 =	vsub.s32 @!p0 v2, v0  }
0x13d: {  	[tilespmem:$0x29D0] =	vst @!p0 v2  }
0x13e: {  	v2 =	vld @!p0 [tilespmem:s9+$0xE0];
	_ =	sdelay $0x4  }
0x13f: {  	v2 =	vsub.s32 @!p0 v2, v0  }
0x140: {  	[tilespmem:$0x29E0] =	vst @!p0 v2  }
0x141: {  	v2 =	vld @!p0 [tilespmem:s9+$0xF0];
	_ =	sdelay $0x1  }
.Ltmp3:
0x142: {  	(pc) =	sbr.rel @p2 .LBB2_4-.Ltmp3, $3  }
0x143: {  	_ =	sdelay $0x1  }
0x144: {  	v2 =	vsub.s32 @!p0 v2, v0  }
0x145: {  	[tilespmem:$0x29F0] =	vst @!p0 v2  }
0x146: {  	[spmem:s3] =	stream.indirect.scatter.add.f32 @!p0 [tilespmem:s20], [sflag:$0x8], $0x1, s24, s12, $0xb8;
	[tilespmem:$0x1EF00] =	vst v63  }
0x147: {  	_ =	swait.ge [sflag:s28], $0x4000  }
0x148: {  	[sflag:s28] =	ssyncset.done $0x0  }
0x149: {  	s5 =	simm.s32 @!p0 $0x8;
	[sflag:s28] =	ssyncadd.s32 $0xFFFFC000  }
0x14a: {  	_ =	swait.ge @!p0 [sflag:s5], $0x80  }
0x14b: {  	[sflag:s5] =	ssyncset.done @!p0 $0x0  }
0x14c: {  	s21 =	rddreg [dreg:$0x15];
	[sflag:s5] =	ssyncadd.s32 @!p0 $0xFFFFFF80  }
0x14d: {  	[tilespmem:s4], [sflag:$0x9] =	stream.linear.gather [hbm4b:s21+s4], $0x1400, $0x38;
	[tilespmem:$0x1EF00] =	vst v63  }
0x14e: {  	_ =	swait.ge [sflag:s30], $0x1400  }
0x14f: {  	[sflag:s30] =	ssyncset.done $0x0  }
0x150: {  	s22 =	rddreg [dreg:$0xf];
	[sflag:s30] =	ssyncadd.s32 $0xFFFFEC00  }
0x151: {  	[tilespmem:s13], [sflag:$0x9] =	stream.linear.gather [hbm4b:s22+s4], $0x1400, $0x38;
	[tilespmem:$0x1EF00] =	vst v63  }
0x152: {  	_ =	swait.ge [sflag:s30], $0x1400  }
0x153: {  	[sflag:s30] =	ssyncset.done $0x0  }
0x154: {  	[sflag:s30] =	ssyncadd.s32 $0xFFFFEC00  }
0x155: {  	[tilespmem:s31], [sflag:$0x1] =	stream.indirect.gather [hbm4b:s6+s1], $0x80, s4, s1, $0xb8;
	[tilespmem:$0x1EF00] =	vst v63  }
0x156: {  	s12 =	simm.s32 @!p1 $0x80;
	s8 =	simm.s32 @!p1 $0x2800;
	s5 =	simm.s32 @!p1 $0x1400  }
0x157: {  	[tilespmem:s8], [sflag:$0x5] =	stream.indirect.gather @!p1 [hbm4b:s7+s12], $0x1, s5, s12, $0xb8;
	[tilespmem:$0x1EF00] =	vst v63  }
0x158: {  	_ =	swait.ge [sflag:s0], $0x4000  }
0x159: {  	p2 =	por $0x1, $0x1;
	[sflag:s0] =	ssyncset.done $0x0  }
0x15a: {  	s5 =	simm.s32 @!p2 $0x4;
	[sflag:s0] =	ssyncadd.s32 $0xFFFFC000  }
0x15b: {  	_ =	swait.ge @!p2 [sflag:s5], $0x4000  }
0x15c: {  	[sflag:s5] =	ssyncset.done @!p2 $0x0  }
0x15d: {  	s23 =	simm.s32 $0x80;
	[sflag:s5] =	ssyncadd.s32 @!p2 $0xFFFFC000  }
0x15e: {  	[tilespmem:s15], [sflag:$0x2] =	stream.indirect.gather [hbm4b:s6+s1], $0x80, s23, s1, $0xb8;
	[tilespmem:$0x1EF00] =	vst v63  }
0x15f: {  	s24 =	simm.s32 $0x1400;
	s19 =	simm.s32 @!p1 $0x5  }
0x160: {  	[spmem:s2] =	stream.indirect.scatter.add.f32 [tilespmem:s31], [sflag:$0x3], $0x80, s24, s1, $0xb8;
	[tilespmem:$0x1EF00] =	vst v63  }
0x161: {  	p2 =	por @!p1 $0x1, $0x1;
	_ =	swait.ge @!p1 [sflag:s19], $0x80  }
0x162: {  	p2 =	por p2, p1;
	[sflag:s19] =	ssyncset.done @!p1 $0x0  }
0x163: {  	s9 =	simm.s32 @!p2 $0x8;
	[sflag:s19] =	ssyncadd.s32 @!p1 $0xFFFFFF80  }
0x164: {  	_ =	swait.ge @!p2 [sflag:s9], $0x80  }
0x165: {  	s20 =	simm.s32 @!p1 $0x2880;
	[sflag:s9] =	ssyncset.done @!p2 $0x0  }
0x166: {  	s5 =	simm.s32 @!p1 $0x0;
	[sflag:s9] =	ssyncadd.s32 @!p2 $0xFFFFFF80;
	s9 =	simm.s32 @!p1 $0x1480  }
0x167: {  	[tilespmem:s20], [sflag:$0x6] =	stream.indirect.gather @!p1 [hbm4b:s7+s12], $0x1, s9, s12, $0xb8;
	[tilespmem:$0x1EF00] =	vst v63  }
0x168: {  	v2 =	vld @!p1 [tilespmem:s5+$0x0];
	_ =	sdelay $0x4  }
0x169: {  	v2 =	vsub.s32 @!p1 v2, v0  }
0x16a: {  	[tilespmem:$0x2900] =	vst @!p1 v2  }
0x16b: {  	v2 =	vld @!p1 [tilespmem:s5+$0x10];
	_ =	sdelay $0x4  }
0x16c: {  	v2 =	vsub.s32 @!p1 v2, v0  }
0x16d: {  	[tilespmem:$0x2910] =	vst @!p1 v2  }
0x16e: {  	v2 =	vld @!p1 [tilespmem:s5+$0x20];
	_ =	sdelay $0x4  }
0x16f: {  	v2 =	vsub.s32 @!p1 v2, v0  }
0x170: {  	[tilespmem:$0x2920] =	vst @!p1 v2  }
0x171: {  	v2 =	vld @!p1 [tilespmem:s5+$0x30];
	_ =	sdelay $0x4  }
0x172: {  	v2 =	vsub.s32 @!p1 v2, v0  }
0x173: {  	[tilespmem:$0x2930] =	vst @!p1 v2  }
0x174: {  	v2 =	vld @!p1 [tilespmem:s5+$0x40];
	_ =	sdelay $0x4  }
0x175: {  	v2 =	vsub.s32 @!p1 v2, v0  }
0x176: {  	[tilespmem:$0x2940] =	vst @!p1 v2  }
0x177: {  	v2 =	vld @!p1 [tilespmem:s5+$0x50];
	_ =	sdelay $0x4  }
0x178: {  	v2 =	vsub.s32 @!p1 v2, v0  }
0x179: {  	[tilespmem:$0x2950] =	vst @!p1 v2  }
0x17a: {  	v2 =	vld @!p1 [tilespmem:s5+$0x60];
	_ =	sdelay $0x4  }
0x17b: {  	v2 =	vsub.s32 @!p1 v2, v0  }
0x17c: {  	[tilespmem:$0x2960] =	vst @!p1 v2  }
0x17d: {  	v2 =	vld @!p1 [tilespmem:s5+$0x70];
	_ =	sdelay $0x4  }
0x17e: {  	v2 =	vsub.s32 @!p1 v2, v0  }
0x17f: {  	s21 =	simm.s32 @!p1 $0x2900;
	[tilespmem:$0x2970] =	vst @!p1 v2  }
0x180: {  	[spmem:s3] =	stream.indirect.scatter.add.f32 @!p1 [tilespmem:s8], [sflag:$0x7], $0x1, s21, s12, $0xb8;
	[tilespmem:$0x1EF00] =	vst v63  }
0x181: {  	_ =	swait.ge [sflag:s25], $0x4000  }
0x182: {  	[sflag:s25] =	ssyncset.done $0x0  }
0x183: {  	[sflag:s25] =	ssyncadd.s32 $0xFFFFC000  }
0x184: {  	p2 =	por $0x0, $0x0;
	_ =	swait.ge [sflag:s26], $0x4000  }
0x185: {  	s9 =	simm.s32 @!p2 $0x2C80;
	[sflag:s26] =	ssyncset.done $0x0  }
0x186: {  	s10 =	simm.s32 @!p2 $0x100;
	s16 =	simm.s32 @!p2 $0x80;
	[sflag:s26] =	ssyncadd.s32 $0xFFFFC000  }
0x187: {  	[tilespmem:s9], [sflag:$0x1] =	stream.indirect.gather @!p2 [hbm4b:s6+s16], $0x80, s10, s16, $0xb8;
	[tilespmem:$0x1EF00] =	vst v63  }
0x188: {  	s29 =	simm.s32 $0x1480;
	s22 =	simm.s32 @!p1 $0x6  }
0x189: {  	[spmem:s2] =	stream.indirect.scatter.add.f32 [tilespmem:s15], [sflag:$0x4], $0x80, s29, s1, $0xb8;
	[tilespmem:$0x1EF00] =	vst v63  }
0x18a: {  	_ =	swait.ge @!p1 [sflag:s22], $0x80  }
0x18b: {  	[sflag:s22] =	ssyncset.done @!p1 $0x0  }
0x18c: {  	s23 =	simm.s32 @!p1 $0x7;
	p2 =	por @!p1 $0x0, $0x0;
	[sflag:s22] =	ssyncadd.s32 @!p1 $0xFFFFFF80  }
0x18d: {  	p2 =	por p2, p1;
	_ =	swait.ge @!p1 [sflag:s23], $0x80  }
0x18e: {  	s9 =	simm.s32 @!p2 $0x80;
	[sflag:s23] =	ssyncset.done @!p1 $0x0  }
0x18f: {  	s10 =	simm.s32 @!p2 $0x1500;
	s16 =	simm.s32 @!p2 $0x2800;
	[sflag:s23] =	ssyncadd.s32 @!p1 $0xFFFFFF80  }
0x190: {  	[tilespmem:s16], [sflag:$0x5] =	stream.indirect.gather @!p2 [hbm4b:s7+s9], $0x1, s10, s9, $0xb8;
	[tilespmem:$0x1EF00] =	vst v63  }
0x191: {  	s9 =	simm.s32 $0x0  }
0x192: {  	v2 =	vld @!p1 [tilespmem:s9+$0x80];
	_ =	sdelay $0x4  }
0x193: {  	v2 =	vsub.s32 @!p1 v2, v0  }
0x194: {  	[tilespmem:$0x2980] =	vst @!p1 v2  }
0x195: {  	v2 =	vld @!p1 [tilespmem:s5+$0x90];
	_ =	sdelay $0x4  }
0x196: {  	v2 =	vsub.s32 @!p1 v2, v0  }
0x197: {  	[tilespmem:$0x2990] =	vst @!p1 v2  }
0x198: {  	v2 =	vld @!p1 [tilespmem:s5+$0xA0];
	_ =	sdelay $0x4  }
0x199: {  	v2 =	vsub.s32 @!p1 v2, v0  }
0x19a: {  	[tilespmem:$0x29A0] =	vst @!p1 v2  }
0x19b: {  	v2 =	vld @!p1 [tilespmem:s5+$0xB0];
	_ =	sdelay $0x4  }
0x19c: {  	v2 =	vsub.s32 @!p1 v2, v0  }
0x19d: {  	[tilespmem:$0x29B0] =	vst @!p1 v2  }
0x19e: {  	v2 =	vld @!p1 [tilespmem:s5+$0xC0];
	_ =	sdelay $0x4  }
0x19f: {  	v2 =	vsub.s32 @!p1 v2, v0  }
0x1a0: {  	[tilespmem:$0x29C0] =	vst @!p1 v2  }
0x1a1: {  	v2 =	vld @!p1 [tilespmem:s5+$0xD0];
	_ =	sdelay $0x4  }
0x1a2: {  	v2 =	vsub.s32 @!p1 v2, v0  }
0x1a3: {  	[tilespmem:$0x29D0] =	vst @!p1 v2  }
0x1a4: {  	v2 =	vld @!p1 [tilespmem:s5+$0xE0];
	_ =	sdelay $0x4  }
0x1a5: {  	v2 =	vsub.s32 @!p1 v2, v0  }
0x1a6: {  	[tilespmem:$0x29E0] =	vst @!p1 v2  }
0x1a7: {  	v2 =	vld @!p1 [tilespmem:s5+$0xF0];
	_ =	sdelay $0x4  }
0x1a8: {  	v2 =	vsub.s32 @!p1 v2, v0  }
0x1a9: {  	s24 =	simm.s32 @!p1 $0x2980;
	s5 =	simm.s32 $0x400;
	[tilespmem:$0x29F0] =	vst @!p1 v2  }
.LBB2_6:
0x1aa: {  	[spmem:s3] =	stream.indirect.scatter.add.f32 @!p1 [tilespmem:s20], [sflag:$0x8], $0x1, s24, s12, $0xb8;
	[tilespmem:$0x1EF00] =	vst v63  }
0x1ab: {  	s10 =	smov.u32 s5;
	s5 =	sadd.s32 $0x400, s5;
	_ =	swait.ge [sflag:s0], $0x4000  }
0x1ac: {  	p3 =	seq.s32 s10, $0x0;
	p2 =	sne.s32 s5, $0x5000;
	[sflag:s0] =	ssyncset.done $0x0  }
0x1ad: {  	s9 =	simm.s32 @!p3 $0x4;
	[sflag:s0] =	ssyncadd.s32 $0xFFFFC000  }
0x1ae: {  	_ =	swait.ge @!p3 [sflag:s9], $0x4000  }
0x1af: {  	s16 =	sshra.s32 s10, $0x2;
	[sflag:s9] =	ssyncset.done @!p3 $0x0  }
0x1b0: {  	[sflag:s9] =	ssyncadd.s32 @!p3 $0xFFFFC000;
	s9 =	sadd.s32 $0x80, s16  }
0x1b1: {  	[tilespmem:s15], [sflag:$0x2] =	stream.indirect.gather [hbm4b:s6+s1], $0x80, s9, s1, $0xb8;
	[tilespmem:$0x1EF00] =	vst v63  }
0x1b2: {  	s9 =	sadd.s32 $0x1400, s16  }
0x1b3: {  	[spmem:s2] =	stream.indirect.scatter.add.f32 [tilespmem:s31], [sflag:$0x3], $0x80, s9, s1, $0xb8;
	[tilespmem:$0x1EF00] =	vst v63  }
0x1b4: {  	p3 =	seq.s32 @!p1 s10, $0x0;
	_ =	swait.ge @!p1 [sflag:s19], $0x80  }
0x1b5: {  	p3 =	por p3, p1;
	[sflag:s19] =	ssyncset.done @!p1 $0x0  }
0x1b6: {  	s17 =	simm.s32 @!p3 $0x8;
	[sflag:s19] =	ssyncadd.s32 @!p1 $0xFFFFFF80  }
0x1b7: {  	_ =	swait.ge @!p3 [sflag:s17], $0x80  }
0x1b8: {  	s9 =	sshra.s32 @!p1 s10, $0x2;
	[sflag:s17] =	ssyncset.done @!p3 $0x0  }
0x1b9: {  	[sflag:s17] =	ssyncadd.s32 @!p3 $0xFFFFFF80;
	s17 =	sadd.s32 @!p1 $0x1480, s9  }
0x1ba: {  	[tilespmem:s20], [sflag:$0x6] =	stream.indirect.gather @!p1 [hbm4b:s7+s12], $0x1, s17, s12, $0xb8;
	[tilespmem:$0x1EF00] =	vst v63  }
0x1bb: {  	v2 =	vld @!p1 [tilespmem:s9+$0x0];
	_ =	sdelay $0x4  }
0x1bc: {  	v2 =	vsub.s32 @!p1 v2, v0  }
0x1bd: {  	[tilespmem:$0x2900] =	vst @!p1 v2  }
0x1be: {  	v2 =	vld @!p1 [tilespmem:s9+$0x10];
	_ =	sdelay $0x4  }
0x1bf: {  	v2 =	vsub.s32 @!p1 v2, v0  }
0x1c0: {  	[tilespmem:$0x2910] =	vst @!p1 v2  }
0x1c1: {  	v2 =	vld @!p1 [tilespmem:s9+$0x20];
	_ =	sdelay $0x4  }
0x1c2: {  	v2 =	vsub.s32 @!p1 v2, v0  }
0x1c3: {  	[tilespmem:$0x2920] =	vst @!p1 v2  }
0x1c4: {  	v2 =	vld @!p1 [tilespmem:s9+$0x30];
	_ =	sdelay $0x4  }
0x1c5: {  	v2 =	vsub.s32 @!p1 v2, v0  }
0x1c6: {  	[tilespmem:$0x2930] =	vst @!p1 v2  }
0x1c7: {  	v2 =	vld @!p1 [tilespmem:s9+$0x40];
	_ =	sdelay $0x4  }
0x1c8: {  	v2 =	vsub.s32 @!p1 v2, v0  }
0x1c9: {  	[tilespmem:$0x2940] =	vst @!p1 v2  }
0x1ca: {  	v2 =	vld @!p1 [tilespmem:s9+$0x50];
	_ =	sdelay $0x4  }
0x1cb: {  	v2 =	vsub.s32 @!p1 v2, v0  }
0x1cc: {  	[tilespmem:$0x2950] =	vst @!p1 v2  }
0x1cd: {  	v2 =	vld @!p1 [tilespmem:s9+$0x60];
	_ =	sdelay $0x4  }
0x1ce: {  	v2 =	vsub.s32 @!p1 v2, v0  }
0x1cf: {  	[tilespmem:$0x2960] =	vst @!p1 v2  }
0x1d0: {  	v2 =	vld @!p1 [tilespmem:s9+$0x70];
	_ =	sdelay $0x4  }
0x1d1: {  	v2 =	vsub.s32 @!p1 v2, v0  }
0x1d2: {  	[tilespmem:$0x2970] =	vst @!p1 v2  }
0x1d3: {  	[spmem:s3] =	stream.indirect.scatter.add.f32 @!p1 [tilespmem:s8], [sflag:$0x7], $0x1, s21, s12, $0xb8;
	[tilespmem:$0x1EF00] =	vst v63  }
0x1d4: {  	_ =	swait.ge [sflag:s25], $0x4000  }
0x1d5: {  	[sflag:s25] =	ssyncset.done $0x0  }
0x1d6: {  	[sflag:s25] =	ssyncadd.s32 $0xFFFFC000  }
0x1d7: {  	p3 =	seq.s32 s10, $0x4C00;
	_ =	swait.ge [sflag:s26], $0x4000  }
0x1d8: {  	s17 =	sshra.s32 @!p3 s10, $0x2;
	s18 =	simm.s32 @!p3 $0x2C80;
	[sflag:s26] =	ssyncset.done $0x0  }
0x1d9: {  	s29 =	simm.s32 @!p3 $0x80;
	s17 =	sadd.s32 @!p3 $0x100, s17;
	[sflag:s26] =	ssyncadd.s32 $0xFFFFC000  }
0x1da: {  	[tilespmem:s18], [sflag:$0x1] =	stream.indirect.gather @!p3 [hbm4b:s6+s29], $0x80, s17, s29, $0xb8;
	[tilespmem:$0x1EF00] =	vst v63  }
0x1db: {  	s17 =	sadd.s32 $0x1480, s16  }
0x1dc: {  	[spmem:s2] =	stream.indirect.scatter.add.f32 [tilespmem:s15], [sflag:$0x4], $0x80, s17, s1, $0xb8;
	[tilespmem:$0x1EF00] =	vst v63  }
0x1dd: {  	_ =	swait.ge @!p1 [sflag:s22], $0x80  }
0x1de: {  	[sflag:s22] =	ssyncset.done @!p1 $0x0  }
0x1df: {  	p3 =	seq.s32 @!p1 s10, $0x4C00;
	[sflag:s22] =	ssyncadd.s32 @!p1 $0xFFFFFF80  }
0x1e0: {  	p3 =	por p3, p1;
	_ =	swait.ge @!p1 [sflag:s23], $0x80  }
0x1e1: {  	s10 =	sshra.s32 @!p3 s10, $0x2;
	s17 =	simm.s32 @!p3 $0x80;
	[sflag:s23] =	ssyncset.done @!p1 $0x0  }
0x1e2: {  	s18 =	simm.s32 @!p3 $0x2800;
	s10 =	sadd.s32 @!p3 $0x1500, s10;
	[sflag:s23] =	ssyncadd.s32 @!p1 $0xFFFFFF80  }
0x1e3: {  	[tilespmem:s18], [sflag:$0x5] =	stream.indirect.gather @!p3 [hbm4b:s7+s17], $0x1, s10, s17, $0xb8;
	[tilespmem:$0x1EF00] =	vst v63  }
0x1e4: {  	v2 =	vld @!p1 [tilespmem:s16+$0x80];
	_ =	sdelay $0x4  }
0x1e5: {  	v2 =	vsub.s32 @!p1 v2, v0  }
0x1e6: {  	[tilespmem:$0x2980] =	vst @!p1 v2  }
0x1e7: {  	v2 =	vld @!p1 [tilespmem:s9+$0x90];
	_ =	sdelay $0x4  }
0x1e8: {  	v2 =	vsub.s32 @!p1 v2, v0  }
0x1e9: {  	[tilespmem:$0x2990] =	vst @!p1 v2  }
0x1ea: {  	v2 =	vld @!p1 [tilespmem:s9+$0xA0];
	_ =	sdelay $0x4  }
0x1eb: {  	v2 =	vsub.s32 @!p1 v2, v0  }
0x1ec: {  	[tilespmem:$0x29A0] =	vst @!p1 v2  }
0x1ed: {  	v2 =	vld @!p1 [tilespmem:s9+$0xB0];
	_ =	sdelay $0x4  }
0x1ee: {  	v2 =	vsub.s32 @!p1 v2, v0  }
0x1ef: {  	[tilespmem:$0x29B0] =	vst @!p1 v2  }
0x1f0: {  	v2 =	vld @!p1 [tilespmem:s9+$0xC0];
	_ =	sdelay $0x4  }
0x1f1: {  	v2 =	vsub.s32 @!p1 v2, v0  }
0x1f2: {  	[tilespmem:$0x29C0] =	vst @!p1 v2  }
0x1f3: {  	v2 =	vld @!p1 [tilespmem:s9+$0xD0];
	_ =	sdelay $0x4  }
0x1f4: {  	v2 =	vsub.s32 @!p1 v2, v0  }
0x1f5: {  	[tilespmem:$0x29D0] =	vst @!p1 v2  }
0x1f6: {  	v2 =	vld @!p1 [tilespmem:s9+$0xE0];
	_ =	sdelay $0x4  }
0x1f7: {  	v2 =	vsub.s32 @!p1 v2, v0  }
0x1f8: {  	[tilespmem:$0x29E0] =	vst @!p1 v2  }
0x1f9: {  	v2 =	vld @!p1 [tilespmem:s9+$0xF0];
	_ =	sdelay $0x1  }
.Ltmp4:
0x1fa: {  	(pc) =	sbr.rel @p2 .LBB2_6-.Ltmp4, $3  }
0x1fb: {  	_ =	sdelay $0x1  }
0x1fc: {  	v2 =	vsub.s32 @!p1 v2, v0  }
0x1fd: {  	[tilespmem:$0x29F0] =	vst @!p1 v2  }
0x1fe: {  	[spmem:s3] =	stream.indirect.scatter.add.f32 @!p1 [tilespmem:s20], [sflag:$0x8], $0x1, s24, s12, $0xb8;
	[tilespmem:$0x1EF00] =	vst v63  }
0x1ff: {  	_ =	swait.ge [sflag:s28], $0x4000  }
0x200: {  	[sflag:s28] =	ssyncset.done $0x0  }
0x201: {  	s5 =	simm.s32 @!p1 $0x8;
	[sflag:s28] =	ssyncadd.s32 $0xFFFFC000  }
0x202: {  	_ =	swait.ge @!p1 [sflag:s5], $0x80  }
0x203: {  	[sflag:s5] =	ssyncset.done @!p1 $0x0  }
0x204: {  	[sflag:s5] =	ssyncadd.s32 @!p1 $0xFFFFFF80  }
0x205: {  	[bflag:$0x0] =	sbarrier.arrive $0xFFFF  }
0x206: {  	s22 =	rddreg [dreg:$0x4]  }
0x207: {  	s20 =	stileid.u32;
	s13 =	rddreg [dreg:$0x17]  }
0x208: {  	s10 =	sshll.u32 s20, $0x6;
	s24 =	rddreg [dreg:$0x6]  }
0x209: {  	s5 =	sor.u32 $0x1C01, s10;
	s9 =	sadd.s32 s22, s13;
	s8 =	sshrl.u32 s24, $0x3  }
0x20a: {  	[hbm:s9], [sflag:s5] =	dma.local [spmem:s8], $0x800  }
0x20b: {  	s9 =	rddreg [dreg:$0x10]  }
0x20c: {  	s29 =	rddreg [dreg:$0x7]  }
0x20d: {  	s21 =	sadd.s32 s9, s13;
	s9 =	sshrl.u32 s29, $0x3  }
0x20e: {  	[hbm:s21], [sflag:s5] =	dma.local [spmem:s9], $0x800  }
0x20f: {  	s12 =	rddreg [dreg:$0x11]  }
0x210: {  	s23 =	rddreg [dreg:$0xb]  }
0x211: {  	s16 =	sadd.s32 s12, s13;
	s12 =	sshrl.u32 s23, $0x3  }
0x212: {  	[hbm:s16], [sflag:s5] =	dma.local [spmem:s12], $0x800  }
0x213: {  	s16 =	rddreg [dreg:$0x12]  }
0x214: {  	s17 =	rddreg [dreg:$0xc]  }
0x215: {  	s16 =	sadd.s32 s16, s13;
	s19 =	sshrl.u32 s17, $0x3  }
0x216: {  	[hbm:s16], [sflag:s5] =	dma.local [spmem:s19], $0x800  }
0x217: {  	s16 =	rddreg [dreg:$0x13]  }
0x218: {  	s16 =	sadd.s32 s16, s13;
	s13 =	rddreg [dreg:$0xd]  }
0x219: {  	s20 =	sshrl.u32 s13, $0x3  }
0x21a: {  	[hbm:s16], [sflag:s5] =	dma.local [spmem:s20], $0x800  }
0x21b: {  	s18 =	simm.s32 $0x10;
	s10 =	sor.u32 $0x1C09, s10;
	s23 =	rddreg [dreg:$0x5]  }
0x21c: {  	s21 =	simm.s32 $0x20;
	s13 =	rddreg [dreg:$0xa];
	s17 =	sshrl.u32 s23, $0x3  }
0x21d: {  	[hbm:s13@s21], [sflag:s10] =	dma.strided [spmem:s17@s18], $0x50, s0, $0x10   }
0x21e: {  	s10 =	simm.s32 $0x0  }
0x21f: {  	_ =	swait.ge [sflag:s30], $0x50;
	s18 =	sand.u32 $0xFE00, s10  }
0x220: {  	s21 =	sand.u32 $0x70, s10;
	[sflag:s30] =	ssyncset.done $0x0;
	s16 =	sshrl.u32 s18, $0x2  }
0x221: {  	[sflag:s30] =	ssyncadd.s32 $0xFFFFFFB0;
	s21 =	sor.u32 s21, s16;
	s16 =	simm.s32 $0x40  }
.LBB2_8:
0x222: {  	p2 =	sne.s32 s16, $0xFFC0  }
0x223: {  	[tilespmem:s21+$0x2C80] =	vst v1;
	s10 =	sadd.s32 $0x10, s10;
	s17 =	smov.u32 s16;
	s16 =	sadd.s32 $0x40, s16  }
.Ltmp5:
0x224: {  	(pc) =	sbr.rel @p2 .LBB2_8-.Ltmp5, $4  }
0x225: {  	_ = 	snop  }
0x226: {  	s17 =	sand.u32 $0xFE00, s17  }
0x227: {  	s18 =	sand.u32 $0x70, s10;
	s17 =	sshrl.u32 s17, $0x2  }
0x228: {  	s21 =	sor.u32 s18, s17  }
0x229: {  	[tilespmem:s21+$0x2C80] =	vst v1  }
0x22a: {  	_ =	swait.ge [sflag:s0], $0x800  }
0x22b: {  	[sflag:s0] =	ssyncset.done $0x0  }
0x22c: {  	[sflag:s0] =	ssyncadd.s32 $0xFFFFF800  }
0x22d: {  	[spmem:s24] =	stream.linear.scatter [tilespmem:s31], [sflag:$0x2], $0x4000, $0x38;
	[tilespmem:$0x1EF00] =	vst v63  }
0x22e: {  	_ =	swait.ge [sflag:s0], $0x800  }
0x22f: {  	[sflag:s0] =	ssyncset.done $0x0  }
0x230: {  	[sflag:s0] =	ssyncadd.s32 $0xFFFFF800  }
0x231: {  	[spmem:s29] =	stream.linear.scatter [tilespmem:s31], [sflag:$0x2], $0x4000, $0x38;
	[tilespmem:$0x1EF00] =	vst v63  }
0x232: {  	_ =	swait.ge [sflag:s0], $0x800  }
0x233: {  	[sflag:s0] =	ssyncset.done $0x0  }
0x234: {  	s10 =	rddreg [dreg:$0xb];
	[sflag:s0] =	ssyncadd.s32 $0xFFFFF800  }
0x235: {  	[spmem:s10] =	stream.linear.scatter [tilespmem:s31], [sflag:$0x2], $0x4000, $0x38;
	[tilespmem:$0x1EF00] =	vst v63  }
0x236: {  	_ =	swait.ge [sflag:s0], $0x800  }
0x237: {  	[sflag:s0] =	ssyncset.done $0x0  }
0x238: {  	s18 =	rddreg [dreg:$0xc];
	[sflag:s0] =	ssyncadd.s32 $0xFFFFF800  }
0x239: {  	[spmem:s18] =	stream.linear.scatter [tilespmem:s31], [sflag:$0x2], $0x4000, $0x38;
	[tilespmem:$0x1EF00] =	vst v63  }
0x23a: {  	_ =	swait.ge [sflag:s0], $0x800  }
0x23b: {  	[sflag:s0] =	ssyncset.done $0x0  }
0x23c: {  	s21 =	rddreg [dreg:$0xd];
	[sflag:s0] =	ssyncadd.s32 $0xFFFFF800  }
0x23d: {  	[spmem:s21] =	stream.linear.scatter [tilespmem:s31], [sflag:$0x2], $0x4000, $0x38;
	[tilespmem:$0x1EF00] =	vst v63  }
0x23e: {  	_ =	swait.ge [sflag:s25], $0x4000  }
0x23f: {  	[sflag:s25] =	ssyncset.done $0x0  }
0x240: {  	[sflag:s25] =	ssyncadd.s32 $0xFFFFC000  }
0x241: {  	_ =	swait.ge [sflag:s25], $0x4000  }
0x242: {  	[sflag:s25] =	ssyncset.done $0x0  }
0x243: {  	[sflag:s25] =	ssyncadd.s32 $0xFFFFC000  }
0x244: {  	_ =	swait.ge [sflag:s25], $0x4000  }
0x245: {  	[sflag:s25] =	ssyncset.done $0x0  }
0x246: {  	[sflag:s25] =	ssyncadd.s32 $0xFFFFC000  }
0x247: {  	_ =	swait.ge [sflag:s25], $0x4000  }
0x248: {  	[sflag:s25] =	ssyncset.done $0x0  }
0x249: {  	[sflag:s25] =	ssyncadd.s32 $0xFFFFC000  }
0x24a: {  	_ =	swait.ge [sflag:s25], $0x4000  }
0x24b: {  	[sflag:s25] =	ssyncset.done $0x0  }
0x24c: {  	[sflag:s25] =	ssyncadd.s32 $0xFFFFC000  }
0x24d: {  	[bflag:$0x0] =	sbarrier.arrive $0xFFFF  }
0x24e: {  	s13 =	rddreg [dreg:$0x9]  }
0x24f: {  	[tilespmem:s4], [sflag:$0x9] =	stream.linear.gather [hbm4b:s13+s4], $0x1400, $0x38;
	[tilespmem:$0x1EF00] =	vst v63  }
0x250: {  	_ =	swait.ge [sflag:s30], $0x1400  }
0x251: {  	[sflag:s30] =	ssyncset.done $0x0  }
0x252: {  	s16 =	simm.s32 $0x1400;
	s18 =	rddreg [dreg:$0xe];
	[sflag:s30] =	ssyncadd.s32 $0xFFFFEC00  }
0x253: {  	[tilespmem:s16], [sflag:$0x9] =	stream.linear.gather [hbm4b:s18+s4], $0x1400, $0x38;
	[tilespmem:$0x1EF00] =	vst v63  }
0x254: {  	_ =	swait.ge [sflag:s30], $0x1400  }
0x255: {  	[sflag:s30] =	ssyncset.done $0x0  }
0x256: {  	[sflag:s30] =	ssyncadd.s32 $0xFFFFEC00  }
0x257: {  	[tilespmem:s31], [sflag:$0x1] =	stream.indirect.gather [hbm4b:s6+s1], $0x80, s4, s1, $0xb8;
	[tilespmem:$0x1EF00] =	vst v63  }
0x258: {  	_ =	swait.ge [sflag:s0], $0x4000  }
0x259: {  	[sflag:s0] =	ssyncset.done $0x0  }
0x25a: {  	[sflag:s0] =	ssyncadd.s32 $0xFFFFC000  }
0x25b: {  	[tilespmem:s15], [sflag:$0x2] =	stream.indirect.gather [hbm4b:s6+s1], $0x80, s1, s1, $0xb8;
	[tilespmem:$0x1EF00] =	vst v63  }
0x25c: {  	_ = 	snop  }
0x25d: {  	[spmem:s2] =	stream.indirect.scatter.add.f32 [tilespmem:s31], [sflag:$0x3], $0x80, s16, s1, $0xb8;
	[tilespmem:$0x1EF00] =	vst v63  }
0x25e: {  	_ =	swait.ge [sflag:s25], $0x4000  }
0x25f: {  	[sflag:s25] =	ssyncset.done $0x0  }
0x260: {  	[sflag:s25] =	ssyncadd.s32 $0xFFFFC000  }
0x261: {  	_ =	swait.ge [sflag:s26], $0x4000  }
0x262: {  	[sflag:s26] =	ssyncset.done $0x0  }
0x263: {  	s17 =	simm.s32 $0x100;
	[sflag:s26] =	ssyncadd.s32 $0xFFFFC000  }
0x264: {  	[tilespmem:s31], [sflag:$0x1] =	stream.indirect.gather [hbm4b:s6+s1], $0x80, s17, s1, $0xb8;
	[tilespmem:$0x1EF00] =	vst v63  }
0x265: {  	s10 =	simm.s32 $0xFFFFB800;
	s21 =	simm.s32 $0x1480  }
0x266: {  	[spmem:s2] =	stream.indirect.scatter.add.f32 [tilespmem:s15], [sflag:$0x4], $0x80, s21, s1, $0xb8;
	[tilespmem:$0x1EF00] =	vst v63  }
.LBB2_10:
0x267: {  	_ =	swait.ge [sflag:s0], $0x4000  }
0x268: {  	[sflag:s0] =	ssyncset.done $0x0  }
0x269: {  	[sflag:s0] =	ssyncadd.s32 $0xFFFFC000  }
0x26a: {  	_ =	swait.ge [sflag:s28], $0x4000  }
0x26b: {  	s16 =	sshra.s32 s10, $0x2;
	[sflag:s28] =	ssyncset.done $0x0  }
0x26c: {  	s17 =	sadd.s32 $0x1380, s16;
	[sflag:s28] =	ssyncadd.s32 $0xFFFFC000  }
0x26d: {  	[tilespmem:s15], [sflag:$0x2] =	stream.indirect.gather [hbm4b:s6+s1], $0x80, s17, s1, $0xb8;
	[tilespmem:$0x1EF00] =	vst v63  }
0x26e: {  	s21 =	sadd.s32 $0x2700, s16  }
0x26f: {  	[spmem:s2] =	stream.indirect.scatter.add.f32 [tilespmem:s31], [sflag:$0x3], $0x80, s21, s1, $0xb8;
	[tilespmem:$0x1EF00] =	vst v63  }
0x270: {  	p2 =	seq.s32 s10, $0x0;
	_ =	swait.ge [sflag:s25], $0x4000  }
.Ltmp6:
0x271: {  	[sflag:s25] =	ssyncset.done $0x0;
	(pc) =	sbr.rel @p2 .LBB2_12-.Ltmp6, $4  }
0x272: {  	[sflag:s25] =	ssyncadd.s32 $0xFFFFC000  }
0x273: {  	_ =	swait.ge [sflag:s26], $0x4000  }
0x274: {  	[sflag:s26] =	ssyncset.done $0x0  }
0x275: {  	s21 =	sadd.s32 $0x2780, s16;
	[sflag:s26] =	ssyncadd.s32 $0xFFFFC000  }
.Ltmp7:
0x276: {  	(pc) =	sbr.rel .LBB2_10-.Ltmp7, $4  }
0x277: {  	s16 =	sadd.s32 $0x1400, s16  }
0x278: {  	[tilespmem:s31], [sflag:$0x1] =	stream.indirect.gather [hbm4b:s6+s1], $0x80, s16, s1, $0xb8;
	[tilespmem:$0x1EF00] =	vst v63  }
0x279: {  	s10 =	sadd.s32 $0x400, s10  }
0x27a: {  	[spmem:s2] =	stream.indirect.scatter.add.f32 [tilespmem:s15], [sflag:$0x4], $0x80, s21, s1, $0xb8;
	[tilespmem:$0x1EF00] =	vst v63  }
.LBB2_12:
0x27b: {  	[spmem:s2] =	stream.indirect.scatter.add.f32 [tilespmem:s15], [sflag:$0x4], $0x80, s21, s1, $0xb8;
	[tilespmem:$0x1EF00] =	vst v63  }
0x27c: {  	_ =	swait.ge [sflag:s28], $0x4000  }
0x27d: {  	[sflag:s28] =	ssyncset.done $0x0  }
0x27e: {  	s10 =	rddreg [dreg:$0x16];
	[sflag:s28] =	ssyncadd.s32 $0xFFFFC000  }
0x27f: {  	[tilespmem:s4], [sflag:$0x9] =	stream.linear.gather [hbm4b:s10+s4], $0x1400, $0x38;
	[tilespmem:$0x1EF00] =	vst v63  }
0x280: {  	_ =	swait.ge [sflag:s30], $0x1400  }
0x281: {  	[sflag:s30] =	ssyncset.done $0x0  }
0x282: {  	s16 =	simm.s32 $0x1400;
	s13 =	rddreg [dreg:$0xf];
	[sflag:s30] =	ssyncadd.s32 $0xFFFFEC00  }
0x283: {  	[tilespmem:s16], [sflag:$0x9] =	stream.linear.gather [hbm4b:s13+s4], $0x1400, $0x38;
	[tilespmem:$0x1EF00] =	vst v63  }
0x284: {  	_ =	swait.ge [sflag:s30], $0x1400  }
0x285: {  	[sflag:s30] =	ssyncset.done $0x0  }
0x286: {  	[sflag:s30] =	ssyncadd.s32 $0xFFFFEC00  }
0x287: {  	[tilespmem:s31], [sflag:$0x1] =	stream.indirect.gather [hbm4b:s6+s1], $0x80, s4, s1, $0xb8;
	[tilespmem:$0x1EF00] =	vst v63  }
0x288: {  	_ =	swait.ge [sflag:s0], $0x4000  }
0x289: {  	[sflag:s0] =	ssyncset.done $0x0  }
0x28a: {  	[sflag:s0] =	ssyncadd.s32 $0xFFFFC000  }
0x28b: {  	[tilespmem:s15], [sflag:$0x2] =	stream.indirect.gather [hbm4b:s6+s1], $0x80, s1, s1, $0xb8;
	[tilespmem:$0x1EF00] =	vst v63  }
0x28c: {  	_ = 	snop  }
0x28d: {  	[spmem:s2] =	stream.indirect.scatter.add.f32 [tilespmem:s31], [sflag:$0x3], $0x80, s16, s1, $0xb8;
	[tilespmem:$0x1EF00] =	vst v63  }
0x28e: {  	_ =	swait.ge [sflag:s25], $0x4000  }
0x28f: {  	[sflag:s25] =	ssyncset.done $0x0  }
0x290: {  	[sflag:s25] =	ssyncadd.s32 $0xFFFFC000  }
0x291: {  	_ =	swait.ge [sflag:s26], $0x4000  }
0x292: {  	[sflag:s26] =	ssyncset.done $0x0  }
0x293: {  	s17 =	simm.s32 $0x100;
	[sflag:s26] =	ssyncadd.s32 $0xFFFFC000  }
0x294: {  	[tilespmem:s31], [sflag:$0x1] =	stream.indirect.gather [hbm4b:s6+s1], $0x80, s17, s1, $0xb8;
	[tilespmem:$0x1EF00] =	vst v63  }
0x295: {  	s21 =	simm.s32 $0x1480;
	s10 =	simm.s32 $0xFFFFB800;
	s13 =	simm.s32 $0x1400  }
0x296: {  	[spmem:s2] =	stream.indirect.scatter.add.f32 [tilespmem:s15], [sflag:$0x4], $0x80, s21, s1, $0xb8;
	[tilespmem:$0x1EF00] =	vst v63  }
.LBB2_13:
0x297: {  	_ =	swait.ge [sflag:s0], $0x4000  }
0x298: {  	[sflag:s0] =	ssyncset.done $0x0  }
0x299: {  	[sflag:s0] =	ssyncadd.s32 $0xFFFFC000  }
0x29a: {  	_ =	swait.ge [sflag:s28], $0x4000  }
0x29b: {  	s16 =	sshra.s32 s10, $0x2;
	[sflag:s28] =	ssyncset.done $0x0  }
0x29c: {  	s17 =	sadd.s32 $0x1380, s16;
	[sflag:s28] =	ssyncadd.s32 $0xFFFFC000  }
0x29d: {  	[tilespmem:s15], [sflag:$0x2] =	stream.indirect.gather [hbm4b:s6+s1], $0x80, s17, s1, $0xb8;
	[tilespmem:$0x1EF00] =	vst v63  }
0x29e: {  	s21 =	sadd.s32 $0x2700, s16  }
0x29f: {  	[spmem:s2] =	stream.indirect.scatter.add.f32 [tilespmem:s31], [sflag:$0x3], $0x80, s21, s1, $0xb8;
	[tilespmem:$0x1EF00] =	vst v63  }
0x2a0: {  	p2 =	seq.s32 s10, $0x0;
	_ =	swait.ge [sflag:s25], $0x4000  }
.Ltmp8:
0x2a1: {  	[sflag:s25] =	ssyncset.done $0x0;
	(pc) =	sbr.rel @p2 .LBB2_15-.Ltmp8, $4  }
0x2a2: {  	[sflag:s25] =	ssyncadd.s32 $0xFFFFC000  }
0x2a3: {  	_ =	swait.ge [sflag:s26], $0x4000  }
0x2a4: {  	[sflag:s26] =	ssyncset.done $0x0  }
0x2a5: {  	s21 =	sadd.s32 $0x2780, s16;
	[sflag:s26] =	ssyncadd.s32 $0xFFFFC000  }
.Ltmp9:
0x2a6: {  	(pc) =	sbr.rel .LBB2_13-.Ltmp9, $4  }
0x2a7: {  	s16 =	sadd.s32 $0x1400, s16  }
0x2a8: {  	[tilespmem:s31], [sflag:$0x1] =	stream.indirect.gather [hbm4b:s6+s1], $0x80, s16, s1, $0xb8;
	[tilespmem:$0x1EF00] =	vst v63  }
0x2a9: {  	s10 =	sadd.s32 $0x400, s10  }
0x2aa: {  	[spmem:s2] =	stream.indirect.scatter.add.f32 [tilespmem:s15], [sflag:$0x4], $0x80, s21, s1, $0xb8;
	[tilespmem:$0x1EF00] =	vst v63  }
.LBB2_16:
0x2ab: {  	_ =	sfence.sel $0x180000  }
0x2ac: {  	[bflag:$0x0] =	sbarrier.arrive $0xFFFF  }
0x2ad: {  	_ =	strace $0x9000004A  }
0x2ae: {  	s0 =	stileid.u32;
	[bflag:$0x2] =	sbarrier.arrive $0xFFFF  }
0x2af: {  	p0 =	sne.s32 s0, $0x0;
	s0 =	rddreg [dreg:$0x3]  }
0x2b0: {  	s0 =	sadd.s32 @!p0 $0x100000, s0  }
0x2b1: {  	[sflag:s0] =	ssyncadd.tile.s32 @!p0 $0x1;
	_ =	shalt  }
.Lfunc_end2:
_tile_overlayer_lowered:
.L_overlay_start_2:
0x2b2: {  	(tag) =	ssettag $0x2  }
0x2b3: {  	s0 =	rddreg [dreg:$0x0];
	s2 =	stileid.u32  }
0x2b4: {  	s1 =	rddreg [dreg:$0x1];
	p0 =	sne.s32 s2, $0x0  }
0x2b5: {  	s3 =	rddreg [dreg:$0x2];
	[bflag:$0x3] =	sbarrier.arrive $0xFFFF;
	s2 =	simm.s32 @!p0 $0x1C09  }
0x2b6: {  	[timem:s3], [sflag:s2] =	dma.local @!p0 [hbm:s0], s1  }
0x2b7: {  	s0 =	simm.s32 @!p0 $0x9  }
0x2b8: {  	_ =	swait.ge @!p0 [sflag:s0], s1  }
0x2b9: {  	s1 =	ssub.s32 @!p0 $0x0, s1;
	[sflag:s0] =	ssyncset.done @!p0 $0x0  }
0x2ba: {  	[sflag:s0] =	ssyncadd.s32 @!p0 s1  }
0x2bb: {  	[bflag:$0x3] =	sbarrier.arrive $0xFFFF  }
0x2bc: {  	_ =	shalt  }

</sc_bundles>
